<compile_context>
chip_gen: v7x
topology: tpu7x:2x2x1
jax: 0.10.2.dev20260603
libtpu: 0.0.44.dev20260713+nightly
codegen_flags: <defaults>
</compile_context>

<pallas_src>
import functools
import jax
import jax.numpy as jnp
from jax import lax
from jax.experimental import pallas as pl
from jax.experimental.pallas import tpu as pltpu
from jax.experimental.pallas import tpu_sc as plsc

N = 10000
E = 320000
CH = 128
KAPPA = 0.95

NC, NS = 2, 16
NW = NC * NS
C = 80
NCHUNK = (E // NW) // C
EPAD = NW * NCHUNK * C
NP = 10112
RPS = NP // NS

BR = 2000


def _tc1_body(x_ref, W1_ref, u1_ref):
    u1_ref[...] = jnp.dot(x_ref[...], W1_ref[...],
                          preferred_element_type=jnp.float32)


_tc1 = pl.pallas_call(
    _tc1_body,
    grid=(N // BR,),
    in_specs=[
        pl.BlockSpec((BR, CH), lambda i: (i, 0)),
        pl.BlockSpec((CH, CH), lambda i: (0, 0)),
    ],
    out_specs=pl.BlockSpec((BR, CH), lambda i: (i, 0)),
    out_shape=jax.ShapeDtypeStruct((N, CH), jnp.float32),
)


def _pack_body(ei_ref, pk_ref):
    pk_ref[...] = jnp.bitwise_or(ei_ref[0], jnp.left_shift(ei_ref[1], 16))


_pack = pl.pallas_call(
    _pack_body,
    out_shape=jax.ShapeDtypeStruct((E,), jnp.int32),
)


def _tcw_body(emb_ref, F_ref, e2_ref, wp_ref):
    @pl.when(pl.program_id(0) == 0)
    def _():
        Fm = F_ref[...]
        Wp = lax.dot_general(Fm, Fm, (((0,), (0,)), ((), ())),
                             preferred_element_type=jnp.float32)
        nrm = jnp.sqrt(jnp.sum(Wp * Wp))
        Wp = jnp.where(nrm > 1.0, Wp / (nrm + 1e-5), Wp)
        wp_ref[...] = Wp * KAPPA
    e2_ref[...] = jnp.dot(emb_ref[...], wp_ref[...],
                          preferred_element_type=jnp.float32)


_tcw = pl.pallas_call(
    _tcw_body,
    grid=(N // BR,),
    in_specs=[
        pl.BlockSpec((BR, CH), lambda i: (i, 0)),
        pl.BlockSpec((CH, CH), lambda i: (0, 0)),
    ],
    out_specs=pl.BlockSpec((BR, CH), lambda i: (i, 0)),
    out_shape=jax.ShapeDtypeStruct((N, CH), jnp.float32),
    scratch_shapes=[pltpu.VMEM((CH, CH), jnp.float32)],
)


def _tc2_body(p0_ref, p1_ref, b1_ref, W2_ref, e2_ref, u2_ref):
    h = jnp.maximum(p0_ref[0] + p1_ref[0] + b1_ref[...], 0.0)
    u2_ref[...] = jnp.dot(h, W2_ref[...],
                          preferred_element_type=jnp.float32) + e2_ref[...]


_tc2 = pl.pallas_call(
    _tc2_body,
    grid=(N // BR,),
    in_specs=[
        pl.BlockSpec((1, BR, CH), lambda i: (0, i, 0)),
        pl.BlockSpec((1, BR, CH), lambda i: (1, i, 0)),
        pl.BlockSpec((1, CH), lambda i: (0, 0)),
        pl.BlockSpec((CH, CH), lambda i: (0, 0)),
        pl.BlockSpec((BR, CH), lambda i: (i, 0)),
    ],
    out_specs=pl.BlockSpec((BR, CH), lambda i: (i, 0)),
    out_shape=jax.ShapeDtypeStruct((N, CH), jnp.float32),
)


def _tc3_body(q0_ref, q1_ref, b2_ref, out_ref):
    out_ref[...] = q0_ref[0] + q1_ref[0] + b2_ref[...]


_tc3 = pl.pallas_call(
    _tc3_body,
    grid=(N // BR,),
    in_specs=[
        pl.BlockSpec((1, BR, CH), lambda i: (0, i, 0)),
        pl.BlockSpec((1, BR, CH), lambda i: (1, i, 0)),
        pl.BlockSpec((1, CH), lambda i: (0, 0)),
    ],
    out_specs=pl.BlockSpec((BR, CH), lambda i: (i, 0)),
    out_shape=jax.ShapeDtypeStruct((N, CH), jnp.float32),
)


_sc_mesh = plsc.VectorSubcoreMesh(
    core_axis_name="c", subcore_axis_name="s", num_cores=NC, num_subcores=NS)


@functools.partial(
    pl.kernel,
    out_type=jax.ShapeDtypeStruct((NC, NP, CH), jnp.float32),
    mesh=_sc_mesh,
    scratch_types=[
        pltpu.VMEM((NCHUNK * C,), jnp.int32),
        pltpu.VMEM((2, C), jnp.int32),
        pltpu.VMEM((2, C), jnp.int32),
        pltpu.VMEM((2, C), jnp.int32),
        pltpu.VMEM((C, CH), jnp.float32),
        pltpu.VMEM((C, CH), jnp.float32),
        pltpu.VMEM((C, CH), jnp.float32),
        pltpu.VMEM_SHARED((NP, CH), jnp.float32),
        pltpu.SemaphoreType.DMA,
        pltpu.SemaphoreType.DMA,
        pltpu.SemaphoreType.DMA,
        pltpu.SemaphoreType.DMA,
        pltpu.SemaphoreType.DMA,
        pltpu.SemaphoreType.DMA,
    ],
)
def _segsum(u_hbm, pk_hbm, out_hbm,
            pk_v, idx0, idx1, idx2, buf0, buf1, buf2, acc,
            gs0, gs1, gs2, ss0, ss1, ss2):
    idxs = (idx0, idx1, idx2)
    bufs = (buf0, buf1, buf2)
    gsems = (gs0, gs1, gs2)
    ssems = (ss0, ss1, ss2)
    cid = lax.axis_index("c")
    sid = lax.axis_index("s")
    wid = sid * NC + cid
    pltpu.sync_copy(pk_hbm.at[pl.ds(wid * (NCHUNK * C), NCHUNK * C)], pk_v)

    def unpack(j, idx_c):
        for k in range(C // 16):
            p = pk_v[pl.ds(j * C + k * 16, 16)]
            idx_c[0, pl.ds(k * 16, 16)] = lax.bitwise_and(p, 0xFFFF)
            idx_c[1, pl.ds(k * 16, 16)] = lax.shift_right_logical(p, 16)

    def wait_gather(b):
        pltpu.make_async_copy(u_hbm.at[idxs[b].at[0]], bufs[b], gsems[b]).wait()

    def fire_gather(j, b):
        unpack(j, idxs[b])
        pltpu.async_copy(u_hbm.at[idxs[b].at[0]], bufs[b], gsems[b])

    def fire_scatter(b):
        pltpu.async_copy(bufs[b], acc.at[idxs[b].at[1]], ssems[b], add=True)

    def wait_scatter(b):
        pltpu.make_async_copy(bufs[b], acc.at[idxs[b].at[1]], ssems[b]).wait()

    fire_gather(0, 0)
    fire_gather(1, 1)

    zv = jnp.zeros((16,), jnp.float32)

    def zrow(r, carry):
        for kk in range(CH // 16):
            buf2[r, pl.ds(kk * 16, 16)] = zv
        return carry

    lax.fori_loop(0, C, zrow, 0)
    zbase = sid * RPS
    ztail = RPS - 7 * C
    for t in range(7):
        pltpu.async_copy(buf2, acc.at[pl.ds(zbase + t * C, C)], gs2)
    pltpu.async_copy(buf2.at[pl.ds(0, ztail)],
                     acc.at[pl.ds(zbase + 7 * C, ztail)], gs2)
    for t in range(7):
        pltpu.make_async_copy(buf2, acc.at[pl.ds(zbase + t * C, C)], gs2).wait()
    pltpu.make_async_copy(buf2.at[pl.ds(0, ztail)],
                          acc.at[pl.ds(zbase + 7 * C, ztail)], gs2).wait()
    fire_gather(2, 2)
    plsc.subcore_barrier()

    def group(i, carry):
        for b3 in range(3):
            k = 3 * i + b3
            b2 = (b3 + 2) % 3

            @pl.when(k < NCHUNK)
            def _():
                wait_gather(b3)
                fire_scatter(b3)

            @pl.when((k >= 1) & (k + 2 < NCHUNK))
            def _():
                wait_scatter(b2)
                fire_gather(k + 2, b2)

        return carry

    lax.fori_loop(0, (NCHUNK + 2) // 3, group, 0)
    for b in range(3):
        wait_scatter(b)
    plsc.subcore_barrier()
    pltpu.sync_copy(acc.at[pl.ds(sid * RPS, RPS)],
                    out_hbm.at[cid, pl.ds(sid * RPS, RPS)])


def kernel(x, edge_index, W1, b1, W2, b2, F, emb):
    packed = _pack(edge_index)
    u1 = _tc1(x, W1)
    p = _segsum(u1, packed)
    e2 = _tcw(emb, F)
    u2 = _tc2(p, p, b1.reshape(1, CH), W2, e2)
    q = _segsum(u2, packed)
    return _tc3(q, q, b2.reshape(1, CH))

# --- scband reference (transcript-rebuilt; emitter-appended) ---
"""Pipeline reference for scband-ignnblock-31044023616098 (READ-ONLY COPY).

The authoritative reference and input builder live on the scoring server;
editing this copy changes nothing except your own understanding.
"""

import jax, jax.numpy as jnp
import numpy as np

N = 10000
E = 320000
IN_CH = 128
HID = 128
KAPPA = 0.95


def _adj_mm(edge_index, v):
    # (A @ v)[i] = sum over edges (src -> dst=i) of v[src]
    src = edge_index[0]
    dst = edge_index[1]
    return jax.ops.segment_sum(v[src], dst, num_segments=N)


def setup_inputs(seed: int = 0):
    key = jax.random.key(seed)
    ks = jax.random.split(key, 8)
    x = jax.random.normal(ks[0], (N, IN_CH), dtype=jnp.float32)
    # int32 used in-JAX (x64 disabled by default); values in [0, N)
    edge_index = jax.random.randint(ks[1], (2, E), 0, N, dtype=jnp.int32)
    W1 = jax.random.normal(ks[2], (IN_CH, HID), dtype=jnp.float32) * (1.0 / np.sqrt(IN_CH))
    b1 = jnp.zeros((HID,), dtype=jnp.float32)
    W2 = jax.random.normal(ks[3], (HID, HID), dtype=jnp.float32) * (1.0 / np.sqrt(HID))
    b2 = jnp.zeros((HID,), dtype=jnp.float32)
    F = jax.random.uniform(ks[4], (HID, HID), dtype=jnp.float32)
    emb = 0.01 * jax.random.uniform(ks[5], (N, HID), dtype=jnp.float32)
    return {"x": x, "edge_index": edge_index, "W1": W1, "b1": b1, "W2": W2, "b2": b2, "F": F, "emb": emb}


def reference(x, edge_index, W1, b1, W2, b2, F, emb):
    # phi = baseGNN: two GCNConv layers (normalize=False), eval mode (dropout = identity)
    # GCNConv(normalize=False): h = A @ (x W) + b
    h = _adj_mm(edge_index, x @ W1) + b1
    h = jax.nn.relu(h)
    base = _adj_mm(edge_index, h @ W2) + b2
    # project(): W = F^T F, normalized if ||W|| > 1
    Wp = F.T @ F
    nrm = jnp.linalg.norm(Wp)
    Wp = jnp.where(nrm > 1.0, Wp / (nrm + 1e-5), Wp)
    # h <- kappa * (A @ emb) @ W + phi(x)
    out = KAPPA * (_adj_mm(edge_index, emb) @ Wp) + base
    return out

if __name__ == "__main__":
    import jax
    _d = setup_inputs()
    print(jax.jit(kernel)(*tuple(_d.values())))

</pallas_src>

<mosaic_0001>
#map = affine_map<(d0, d1) -> (0, 0)>
#map1 = affine_map<(d0, d1) -> (0)>
#map2 = affine_map<(d0, d1) -> (0, 0, 0)>
module attributes {stable_mosaic.version = 14 : i64} {
  func.func @_segsum(%arg0: i32, %arg1: i32, %arg2: memref<10000x128xf32, #tpu.memory_space<hbm>>, %arg3: memref<320000xi32, #tpu.memory_space<hbm>>, %arg4: memref<2x10112x128xf32, #tpu.memory_space<hbm>>, %arg5: memref<10000xi32, #tpu.memory_space<vmem>>, %arg6: memref<2x80xi32, #tpu.memory_space<vmem>>, %arg7: memref<2x80xi32, #tpu.memory_space<vmem>>, %arg8: memref<2x80xi32, #tpu.memory_space<vmem>>, %arg9: memref<80x128xf32, #tpu.memory_space<vmem>>, %arg10: memref<80x128xf32, #tpu.memory_space<vmem>>, %arg11: memref<80x128xf32, #tpu.memory_space<vmem>>, %arg12: memref<10112x128xf32, #tpu.memory_space<vmem_shared>>, %arg13: memref<!tpu.dma_semaphore, #tpu.memory_space<semaphore_mem>>, %arg14: memref<!tpu.dma_semaphore, #tpu.memory_space<semaphore_mem>>, %arg15: memref<!tpu.dma_semaphore, #tpu.memory_space<semaphore_mem>>, %arg16: memref<!tpu.dma_semaphore, #tpu.memory_space<semaphore_mem>>, %arg17: memref<!tpu.dma_semaphore, #tpu.memory_space<semaphore_mem>>, %arg18: memref<!tpu.dma_semaphore, #tpu.memory_space<semaphore_mem>>) attributes {dimension_semantics = [#tpu.dimension_semantics<core_parallel>, #tpu.dimension_semantics<subcore_parallel>], iteration_bounds = array<i64: 2, 16>, scalar_prefetch = 0 : i64, scratch_operands = 14 : i64, tpu.core_type = #tpu.core_type<sc_vector_subcore>, window_params = [{transform_indices = #map}, {transform_indices = #map1}, {transform_indices = #map2}]} {
    %mul3A = arith.constant 2 : i32
    %mul3A_0 = arith.muli %arg1, %mul3A : i32
    %add3A = arith.addi %mul3A_0, %arg0 : i32
    %mul3A_1 = arith.constant 10000 : i32
    %mul3A_2 = arith.muli %add3A, %mul3A_1 : i32
    "tpu.region"() ({
      %run_scoped3A = tpu.sem_alloc : memref<!tpu.dma_semaphore, #tpu.memory_space<semaphore_mem>>
      %dma_start3A_481 = tpu.memref_slice %arg3[%mul3A_2] : memref<320000xi32, #tpu.memory_space<hbm>> -> memref<10000xi32, #tpu.memory_space<hbm>>
      %dma_start3A_482 = tpu.memref_slice %arg3[%mul3A_2] : memref<320000xi32, #tpu.memory_space<hbm>> -> memref<10000xi32, #tpu.memory_space<hbm>>
      tpu.enqueue_dma source(%dma_start3A_482 : memref<10000xi32, #tpu.memory_space<hbm>>) target(%arg5 : memref<10000xi32, #tpu.memory_space<vmem>>) target_semaphore(%run_scoped3A : memref<!tpu.dma_semaphore, #tpu.memory_space<semaphore_mem>>)
      %dma_wait3A_483 = tpu.memref_slice %arg3[%mul3A_2] : memref<320000xi32, #tpu.memory_space<hbm>> -> memref<10000xi32, #tpu.memory_space<hbm>>
      %dma_wait3A_484 = tpu.memref_slice %arg3[%mul3A_2] : memref<320000xi32, #tpu.memory_space<hbm>> -> memref<10000xi32, #tpu.memory_space<hbm>>
      tpu.wait_dma2 semaphore(%run_scoped3A : memref<!tpu.dma_semaphore, #tpu.memory_space<semaphore_mem>>) src(%dma_wait3A_484 : memref<10000xi32, #tpu.memory_space<hbm>>) dst(%arg5 : memref<10000xi32, #tpu.memory_space<vmem>>)
      tpu.yield
    }) : () -> ()
    %get3A = arith.constant 0 : index
    %get3A_3 = tpu.vector_load %arg5[%get3A] {strides = array<i32>} : memref<10000xi32, #tpu.memory_space<vmem>>, vector<16xi32>,
    %get3A_4 = vector.shape_cast %get3A_3 : vector<16xi32> to vector<16xi32>
    %and3A = arith.constant 65535 : i32
    %and3A_5 = vector.broadcast %and3A : i32 to vector<16xi32>
    %and3A_6 = arith.andi %get3A_4, %and3A_5 : vector<16xi32>
    %swap3A = arith.constant 0 : i32
    %swap3A_7 = arith.index_cast %swap3A : i32 to index
    %swap3A_8 = arith.constant 0 : index
    %swap3A_9 = tpu.vector_load %arg6[%swap3A_7, %swap3A_8] {strides = array<i32>} : memref<2x80xi32, #tpu.memory_space<vmem>>, vector<1x16xi32>,
    %swap3A_10 = vector.shape_cast %swap3A_9 : vector<1x16xi32> to vector<16xi32>
    %swap3A_11 = vector.shape_cast %and3A_6 : vector<16xi32> to vector<1x16xi32>
    tpu.vector_store %arg6[%swap3A_7, %swap3A_8], %swap3A_11 {strides = array<i32>} : memref<2x80xi32, #tpu.memory_space<vmem>>, vector<1x16xi32>,
    %shift_right_logical3A = arith.constant 16 : i32
    %shift_right_logical3A_12 = vector.broadcast %shift_right_logical3A : i32 to vector<16xi32>
    %shift_right_logical3A_13 = arith.shrui %get3A_4, %shift_right_logical3A_12 : vector<16xi32>
    %swap3A_14 = arith.constant 1 : i32
    %swap3A_15 = arith.index_cast %swap3A_14 : i32 to index
    %swap3A_16 = arith.constant 0 : index
    %swap3A_17 = tpu.vector_load %arg6[%swap3A_15, %swap3A_16] {strides = array<i32>} : memref<2x80xi32, #tpu.memory_space<vmem>>, vector<1x16xi32>,
    %swap3A_18 = vector.shape_cast %swap3A_17 : vector<1x16xi32> to vector<16xi32>
    %swap3A_19 = vector.shape_cast %shift_right_logical3A_13 : vector<16xi32> to vector<1x16xi32>
    tpu.vector_store %arg6[%swap3A_15, %swap3A_16], %swap3A_19 {strides = array<i32>} : memref<2x80xi32, #tpu.memory_space<vmem>>, vector<1x16xi32>,
    %get3A_20 = arith.constant 16 : index
    %get3A_21 = tpu.vector_load %arg5[%get3A_20] {strides = array<i32>} : memref<10000xi32, #tpu.memory_space<vmem>>, vector<16xi32>,
    %get3A_22 = vector.shape_cast %get3A_21 : vector<16xi32> to vector<16xi32>
    %and3A_23 = arith.constant 65535 : i32
    %and3A_24 = vector.broadcast %and3A_23 : i32 to vector<16xi32>
    %and3A_25 = arith.andi %get3A_22, %and3A_24 : vector<16xi32>
    %swap3A_26 = arith.constant 0 : i32
    %swap3A_27 = arith.index_cast %swap3A_26 : i32 to index
    %swap3A_28 = arith.constant 16 : index
    %swap3A_29 = tpu.vector_load %arg6[%swap3A_27, %swap3A_28] {strides = array<i32>} : memref<2x80xi32, #tpu.memory_space<vmem>>, vector<1x16xi32>,
    %swap3A_30 = vector.shape_cast %swap3A_29 : vector<1x16xi32> to vector<16xi32>
    %swap3A_31 = vector.shape_cast %and3A_25 : vector<16xi32> to vector<1x16xi32>
    tpu.vector_store %arg6[%swap3A_27, %swap3A_28], %swap3A_31 {strides = array<i32>} : memref<2x80xi32, #tpu.memory_space<vmem>>, vector<1x16xi32>,
    %shift_right_logical3A_32 = arith.constant 16 : i32
    %shift_right_logical3A_33 = vector.broadcast %shift_right_logical3A_32 : i32 to vector<16xi32>
    %shift_right_logical3A_34 = arith.shrui %get3A_22, %shift_right_logical3A_33 : vector<16xi32>
    %swap3A_35 = arith.constant 1 : i32
    %swap3A_36 = arith.index_cast %swap3A_35 : i32 to index
    %swap3A_37 = arith.constant 16 : index
    %swap3A_38 = tpu.vector_load %arg6[%swap3A_36, %swap3A_37] {strides = array<i32>} : memref<2x80xi32, #tpu.memory_space<vmem>>, vector<1x16xi32>,
    %swap3A_39 = vector.shape_cast %swap3A_38 : vector<1x16xi32> to vector<16xi32>
    %swap3A_40 = vector.shape_cast %shift_right_logical3A_34 : vector<16xi32> to vector<1x16xi32>
    tpu.vector_store %arg6[%swap3A_36, %swap3A_37], %swap3A_40 {strides = array<i32>} : memref<2x80xi32, #tpu.memory_space<vmem>>, vector<1x16xi32>,
    %get3A_41 = arith.constant 32 : index
    %get3A_42 = tpu.vector_load %arg5[%get3A_41] {strides = array<i32>} : memref<10000xi32, #tpu.memory_space<vmem>>, vector<16xi32>,
    %get3A_43 = vector.shape_cast %get3A_42 : vector<16xi32> to vector<16xi32>
    %and3A_44 = arith.constant 65535 : i32
    %and3A_45 = vector.broadcast %and3A_44 : i32 to vector<16xi32>
    %and3A_46 = arith.andi %get3A_43, %and3A_45 : vector<16xi32>
    %swap3A_47 = arith.constant 0 : i32
    %swap3A_48 = arith.index_cast %swap3A_47 : i32 to index
    %swap3A_49 = arith.constant 32 : index
    %swap3A_50 = tpu.vector_load %arg6[%swap3A_48, %swap3A_49] {strides = array<i32>} : memref<2x80xi32, #tpu.memory_space<vmem>>, vector<1x16xi32>,
    %swap3A_51 = vector.shape_cast %swap3A_50 : vector<1x16xi32> to vector<16xi32>
    %swap3A_52 = vector.shape_cast %and3A_46 : vector<16xi32> to vector<1x16xi32>
    tpu.vector_store %arg6[%swap3A_48, %swap3A_49], %swap3A_52 {strides = array<i32>} : memref<2x80xi32, #tpu.memory_space<vmem>>, vector<1x16xi32>,
    %shift_right_logical3A_53 = arith.constant 16 : i32
    %shift_right_logical3A_54 = vector.broadcast %shift_right_logical3A_53 : i32 to vector<16xi32>
    %shift_right_logical3A_55 = arith.shrui %get3A_43, %shift_right_logical3A_54 : vector<16xi32>
    %swap3A_56 = arith.constant 1 : i32
    %swap3A_57 = arith.index_cast %swap3A_56 : i32 to index
    %swap3A_58 = arith.constant 32 : index
    %swap3A_59 = tpu.vector_load %arg6[%swap3A_57, %swap3A_58] {strides = array<i32>} : memref<2x80xi32, #tpu.memory_space<vmem>>, vector<1x16xi32>,
    %swap3A_60 = vector.shape_cast %swap3A_59 : vector<1x16xi32> to vector<16xi32>
    %swap3A_61 = vector.shape_cast %shift_right_logical3A_55 : vector<16xi32> to vector<1x16xi32>
    tpu.vector_store %arg6[%swap3A_57, %swap3A_58], %swap3A_61 {strides = array<i32>} : memref<2x80xi32, #tpu.memory_space<vmem>>, vector<1x16xi32>,
    %get3A_62 = arith.constant 48 : index
    %get3A_63 = tpu.vector_load %arg5[%get3A_62] {strides = array<i32>} : memref<10000xi32, #tpu.memory_space<vmem>>, vector<16xi32>,
    %get3A_64 = vector.shape_cast %get3A_63 : vector<16xi32> to vector<16xi32>
    %and3A_65 = arith.constant 65535 : i32
    %and3A_66 = vector.broadcast %and3A_65 : i32 to vector<16xi32>
    %and3A_67 = arith.andi %get3A_64, %and3A_66 : vector<16xi32>
    %swap3A_68 = arith.constant 0 : i32
    %swap3A_69 = arith.index_cast %swap3A_68 : i32 to index
    %swap3A_70 = arith.constant 48 : index
    %swap3A_71 = tpu.vector_load %arg6[%swap3A_69, %swap3A_70] {strides = array<i32>} : memref<2x80xi32, #tpu.memory_space<vmem>>, vector<1x16xi32>,
    %swap3A_72 = vector.shape_cast %swap3A_71 : vector<1x16xi32> to vector<16xi32>
    %swap3A_73 = vector.shape_cast %and3A_67 : vector<16xi32> to vector<1x16xi32>
    tpu.vector_store %arg6[%swap3A_69, %swap3A_70], %swap3A_73 {strides = array<i32>} : memref<2x80xi32, #tpu.memory_space<vmem>>, vector<1x16xi32>,
    %shift_right_logical3A_74 = arith.constant 16 : i32
    %shift_right_logical3A_75 = vector.broadcast %shift_right_logical3A_74 : i32 to vector<16xi32>
    %shift_right_logical3A_76 = arith.shrui %get3A_64, %shift_right_logical3A_75 : vector<16xi32>
    %swap3A_77 = arith.constant 1 : i32
    %swap3A_78 = arith.index_cast %swap3A_77 : i32 to index
    %swap3A_79 = arith.constant 48 : index
    %swap3A_80 = tpu.vector_load %arg6[%swap3A_78, %swap3A_79] {strides = array<i32>} : memref<2x80xi32, #tpu.memory_space<vmem>>, vector<1x16xi32>,
    %swap3A_81 = vector.shape_cast %swap3A_80 : vector<1x16xi32> to vector<16xi32>
    %swap3A_82 = vector.shape_cast %shift_right_logical3A_76 : vector<16xi32> to vector<1x16xi32>
    tpu.vector_store %arg6[%swap3A_78, %swap3A_79], %swap3A_82 {strides = array<i32>} : memref<2x80xi32, #tpu.memory_space<vmem>>, vector<1x16xi32>,
    %get3A_83 = arith.constant 64 : index
    %get3A_84 = tpu.vector_load %arg5[%get3A_83] {strides = array<i32>} : memref<10000xi32, #tpu.memory_space<vmem>>, vector<16xi32>,
    %get3A_85 = vector.shape_cast %get3A_84 : vector<16xi32> to vector<16xi32>
    %and3A_86 = arith.constant 65535 : i32
    %and3A_87 = vector.broadcast %and3A_86 : i32 to vector<16xi32>
    %and3A_88 = arith.andi %get3A_85, %and3A_87 : vector<16xi32>
    %swap3A_89 = arith.constant 0 : i32
    %swap3A_90 = arith.index_cast %swap3A_89 : i32 to index
    %swap3A_91 = arith.constant 64 : index
    %swap3A_92 = tpu.vector_load %arg6[%swap3A_90, %swap3A_91] {strides = array<i32>} : memref<2x80xi32, #tpu.memory_space<vmem>>, vector<1x16xi32>,
    %swap3A_93 = vector.shape_cast %swap3A_92 : vector<1x16xi32> to vector<16xi32>
    %swap3A_94 = vector.shape_cast %and3A_88 : vector<16xi32> to vector<1x16xi32>
    tpu.vector_store %arg6[%swap3A_90, %swap3A_91], %swap3A_94 {strides = array<i32>} : memref<2x80xi32, #tpu.memory_space<vmem>>, vector<1x16xi32>,
    %shift_right_logical3A_95 = arith.constant 16 : i32
    %shift_right_logical3A_96 = vector.broadcast %shift_right_logical3A_95 : i32 to vector<16xi32>
    %shift_right_logical3A_97 = arith.shrui %get3A_85, %shift_right_logical3A_96 : vector<16xi32>
    %swap3A_98 = arith.constant 1 : i32
    %swap3A_99 = arith.index_cast %swap3A_98 : i32 to index
    %swap3A_100 = arith.constant 64 : index
    %swap3A_101 = tpu.vector_load %arg6[%swap3A_99, %swap3A_100] {strides = array<i32>} : memref<2x80xi32, #tpu.memory_space<vmem>>, vector<1x16xi32>,
    %swap3A_102 = vector.shape_cast %swap3A_101 : vector<1x16xi32> to vector<16xi32>
    %swap3A_103 = vector.shape_cast %shift_right_logical3A_97 : vector<16xi32> to vector<1x16xi32>
    tpu.vector_store %arg6[%swap3A_99, %swap3A_100], %swap3A_103 {strides = array<i32>} : memref<2x80xi32, #tpu.memory_space<vmem>>, vector<1x16xi32>,
    %dma_start3A = arith.constant 0 : i32
    %dma_start3A_104 = arith.constant 0 : i32
    %dma_start3A_105 = tpu.memref_slice %arg6[%dma_start3A, %dma_start3A_104] : memref<2x80xi32, #tpu.memory_space<vmem>> -> memref<1x80xi32, #tpu.memory_space<vmem>>
    %dma_start3A_106 = tpu.memref_squeeze %dma_start3A_105 : memref<1x80xi32, #tpu.memory_space<vmem>> -> memref<80xi32, #tpu.memory_space<vmem>>
    %dma_start3A_107 = arith.constant 0 : i32
    %dma_start3A_108 = arith.constant 0 : i32
    %dma_start3A_109 = tpu.memref_slice %arg2[%dma_start3A_107, %dma_start3A_108] : memref<10000x128xf32, #tpu.memory_space<hbm>> -> memref<10000x128xf32, #tpu.memory_space<hbm>>
    tpu.enqueue_indirect_dma source(%dma_start3A_109 : memref<10000x128xf32, #tpu.memory_space<hbm>>) target(%arg9 : memref<80x128xf32, #tpu.memory_space<vmem>>) offsets(%dma_start3A_106 : memref<80xi32, #tpu.memory_space<vmem>>) semaphore(%arg13 : memref<!tpu.dma_semaphore, #tpu.memory_space<semaphore_mem>>)
    %get3A_110 = arith.constant 80 : index
    %get3A_111 = tpu.vector_load %arg5[%get3A_110] {strides = array<i32>} : memref<10000xi32, #tpu.memory_space<vmem>>, vector<16xi32>,
    %get3A_112 = vector.shape_cast %get3A_111 : vector<16xi32> to vector<16xi32>
    %and3A_113 = arith.constant 65535 : i32
    %and3A_114 = vector.broadcast %and3A_113 : i32 to vector<16xi32>
    %and3A_115 = arith.andi %get3A_112, %and3A_114 : vector<16xi32>
    %swap3A_116 = arith.constant 0 : i32
    %swap3A_117 = arith.index_cast %swap3A_116 : i32 to index
    %swap3A_118 = arith.constant 0 : index
    %swap3A_119 = tpu.vector_load %arg7[%swap3A_117, %swap3A_118] {strides = array<i32>} : memref<2x80xi32, #tpu.memory_space<vmem>>, vector<1x16xi32>,
    %swap3A_120 = vector.shape_cast %swap3A_119 : vector<1x16xi32> to vector<16xi32>
    %swap3A_121 = vector.shape_cast %and3A_115 : vector<16xi32> to vector<1x16xi32>
    tpu.vector_store %arg7[%swap3A_117, %swap3A_118], %swap3A_121 {strides = array<i32>} : memref<2x80xi32, #tpu.memory_space<vmem>>, vector<1x16xi32>,
    %shift_right_logical3A_122 = arith.constant 16 : i32
    %shift_right_logical3A_123 = vector.broadcast %shift_right_logical3A_122 : i32 to vector<16xi32>
    %shift_right_logical3A_124 = arith.shrui %get3A_112, %shift_right_logical3A_123 : vector<16xi32>
    %swap3A_125 = arith.constant 1 : i32
    %swap3A_126 = arith.index_cast %swap3A_125 : i32 to index
    %swap3A_127 = arith.constant 0 : index
    %swap3A_128 = tpu.vector_load %arg7[%swap3A_126, %swap3A_127] {strides = array<i32>} : memref<2x80xi32, #tpu.memory_space<vmem>>, vector<1x16xi32>,
    %swap3A_129 = vector.shape_cast %swap3A_128 : vector<1x16xi32> to vector<16xi32>
    %swap3A_130 = vector.shape_cast %shift_right_logical3A_124 : vector<16xi32> to vector<1x16xi32>
    tpu.vector_store %arg7[%swap3A_126, %swap3A_127], %swap3A_130 {strides = array<i32>} : memref<2x80xi32, #tpu.memory_space<vmem>>, vector<1x16xi32>,
    %get3A_131 = arith.constant 96 : index
    %get3A_132 = tpu.vector_load %arg5[%get3A_131] {strides = array<i32>} : memref<10000xi32, #tpu.memory_space<vmem>>, vector<16xi32>,
    %get3A_133 = vector.shape_cast %get3A_132 : vector<16xi32> to vector<16xi32>
    %and3A_134 = arith.constant 65535 : i32
    %and3A_135 = vector.broadcast %and3A_134 : i32 to vector<16xi32>
    %and3A_136 = arith.andi %get3A_133, %and3A_135 : vector<16xi32>
    %swap3A_137 = arith.constant 0 : i32
    %swap3A_138 = arith.index_cast %swap3A_137 : i32 to index
    %swap3A_139 = arith.constant 16 : index
    %swap3A_140 = tpu.vector_load %arg7[%swap3A_138, %swap3A_139] {strides = array<i32>} : memref<2x80xi32, #tpu.memory_space<vmem>>, vector<1x16xi32>,
    %swap3A_141 = vector.shape_cast %swap3A_140 : vector<1x16xi32> to vector<16xi32>
    %swap3A_142 = vector.shape_cast %and3A_136 : vector<16xi32> to vector<1x16xi32>
    tpu.vector_store %arg7[%swap3A_138, %swap3A_139], %swap3A_142 {strides = array<i32>} : memref<2x80xi32, #tpu.memory_space<vmem>>, vector<1x16xi32>,
    %shift_right_logical3A_143 = arith.constant 16 : i32
    %shift_right_logical3A_144 = vector.broadcast %shift_right_logical3A_143 : i32 to vector<16xi32>
    %shift_right_logical3A_145 = arith.shrui %get3A_133, %shift_right_logical3A_144 : vector<16xi32>
    %swap3A_146 = arith.constant 1 : i32
    %swap3A_147 = arith.index_cast %swap3A_146 : i32 to index
    %swap3A_148 = arith.constant 16 : index
    %swap3A_149 = tpu.vector_load %arg7[%swap3A_147, %swap3A_148] {strides = array<i32>} : memref<2x80xi32, #tpu.memory_space<vmem>>, vector<1x16xi32>,
    %swap3A_150 = vector.shape_cast %swap3A_149 : vector<1x16xi32> to vector<16xi32>
    %swap3A_151 = vector.shape_cast %shift_right_logical3A_145 : vector<16xi32> to vector<1x16xi32>
    tpu.vector_store %arg7[%swap3A_147, %swap3A_148], %swap3A_151 {strides = array<i32>} : memref<2x80xi32, #tpu.memory_space<vmem>>, vector<1x16xi32>,
    %get3A_152 = arith.constant 112 : index
    %get3A_153 = tpu.vector_load %arg5[%get3A_152] {strides = array<i32>} : memref<10000xi32, #tpu.memory_space<vmem>>, vector<16xi32>,
    %get3A_154 = vector.shape_cast %get3A_153 : vector<16xi32> to vector<16xi32>
    %and3A_155 = arith.constant 65535 : i32
    %and3A_156 = vector.broadcast %and3A_155 : i32 to vector<16xi32>
    %and3A_157 = arith.andi %get3A_154, %and3A_156 : vector<16xi32>
    %swap3A_158 = arith.constant 0 : i32
    %swap3A_159 = arith.index_cast %swap3A_158 : i32 to index
    %swap3A_160 = arith.constant 32 : index
    %swap3A_161 = tpu.vector_load %arg7[%swap3A_159, %swap3A_160] {strides = array<i32>} : memref<2x80xi32, #tpu.memory_space<vmem>>, vector<1x16xi32>,
    %swap3A_162 = vector.shape_cast %swap3A_161 : vector<1x16xi32> to vector<16xi32>
    %swap3A_163 = vector.shape_cast %and3A_157 : vector<16xi32> to vector<1x16xi32>
    tpu.vector_store %arg7[%swap3A_159, %swap3A_160], %swap3A_163 {strides = array<i32>} : memref<2x80xi32, #tpu.memory_space<vmem>>, vector<1x16xi32>,
    %shift_right_logical3A_164 = arith.constant 16 : i32
    %shift_right_logical3A_165 = vector.broadcast %shift_right_logical3A_164 : i32 to vector<16xi32>
    %shift_right_logical3A_166 = arith.shrui %get3A_154, %shift_right_logical3A_165 : vector<16xi32>
    %swap3A_167 = arith.constant 1 : i32
    %swap3A_168 = arith.index_cast %swap3A_167 : i32 to index
    %swap3A_169 = arith.constant 32 : index
    %swap3A_170 = tpu.vector_load %arg7[%swap3A_168, %swap3A_169] {strides = array<i32>} : memref<2x80xi32, #tpu.memory_space<vmem>>, vector<1x16xi32>,
    %swap3A_171 = vector.shape_cast %swap3A_170 : vector<1x16xi32> to vector<16xi32>
    %swap3A_172 = vector.shape_cast %shift_right_logical3A_166 : vector<16xi32> to vector<1x16xi32>
    tpu.vector_store %arg7[%swap3A_168, %swap3A_169], %swap3A_172 {strides = array<i32>} : memref<2x80xi32, #tpu.memory_space<vmem>>, vector<1x16xi32>,
    %get3A_173 = arith.constant 128 : index
    %get3A_174 = tpu.vector_load %arg5[%get3A_173] {strides = array<i32>} : memref<10000xi32, #tpu.memory_space<vmem>>, vector<16xi32>,
    %get3A_175 = vector.shape_cast %get3A_174 : vector<16xi32> to vector<16xi32>
    %and3A_176 = arith.constant 65535 : i32
    %and3A_177 = vector.broadcast %and3A_176 : i32 to vector<16xi32>
    %and3A_178 = arith.andi %get3A_175, %and3A_177 : vector<16xi32>
    %swap3A_179 = arith.constant 0 : i32
    %swap3A_180 = arith.index_cast %swap3A_179 : i32 to index
    %swap3A_181 = arith.constant 48 : index
    %swap3A_182 = tpu.vector_load %arg7[%swap3A_180, %swap3A_181] {strides = array<i32>} : memref<2x80xi32, #tpu.memory_space<vmem>>, vector<1x16xi32>,
    %swap3A_183 = vector.shape_cast %swap3A_182 : vector<1x16xi32> to vector<16xi32>
    %swap3A_184 = vector.shape_cast %and3A_178 : vector<16xi32> to vector<1x16xi32>
    tpu.vector_store %arg7[%swap3A_180, %swap3A_181], %swap3A_184 {strides = array<i32>} : memref<2x80xi32, #tpu.memory_space<vmem>>, vector<1x16xi32>,
    %shift_right_logical3A_185 = arith.constant 16 : i32
    %shift_right_logical3A_186 = vector.broadcast %shift_right_logical3A_185 : i32 to vector<16xi32>
    %shift_right_logical3A_187 = arith.shrui %get3A_175, %shift_right_logical3A_186 : vector<16xi32>
    %swap3A_188 = arith.constant 1 : i32
    %swap3A_189 = arith.index_cast %swap3A_188 : i32 to index
    %swap3A_190 = arith.constant 48 : index
    %swap3A_191 = tpu.vector_load %arg7[%swap3A_189, %swap3A_190] {strides = array<i32>} : memref<2x80xi32, #tpu.memory_space<vmem>>, vector<1x16xi32>,
    %swap3A_192 = vector.shape_cast %swap3A_191 : vector<1x16xi32> to vector<16xi32>
    %swap3A_193 = vector.shape_cast %shift_right_logical3A_187 : vector<16xi32> to vector<1x16xi32>
    tpu.vector_store %arg7[%swap3A_189, %swap3A_190], %swap3A_193 {strides = array<i32>} : memref<2x80xi32, #tpu.memory_space<vmem>>, vector<1x16xi32>,
    %get3A_194 = arith.constant 144 : index
    %get3A_195 = tpu.vector_load %arg5[%get3A_194] {strides = array<i32>} : memref<10000xi32, #tpu.memory_space<vmem>>, vector<16xi32>,
    %get3A_196 = vector.shape_cast %get3A_195 : vector<16xi32> to vector<16xi32>
    %and3A_197 = arith.constant 65535 : i32
    %and3A_198 = vector.broadcast %and3A_197 : i32 to vector<16xi32>
    %and3A_199 = arith.andi %get3A_196, %and3A_198 : vector<16xi32>
    %swap3A_200 = arith.constant 0 : i32
    %swap3A_201 = arith.index_cast %swap3A_200 : i32 to index
    %swap3A_202 = arith.constant 64 : index
    %swap3A_203 = tpu.vector_load %arg7[%swap3A_201, %swap3A_202] {strides = array<i32>} : memref<2x80xi32, #tpu.memory_space<vmem>>, vector<1x16xi32>,
    %swap3A_204 = vector.shape_cast %swap3A_203 : vector<1x16xi32> to vector<16xi32>
    %swap3A_205 = vector.shape_cast %and3A_199 : vector<16xi32> to vector<1x16xi32>
    tpu.vector_store %arg7[%swap3A_201, %swap3A_202], %swap3A_205 {strides = array<i32>} : memref<2x80xi32, #tpu.memory_space<vmem>>, vector<1x16xi32>,
    %shift_right_logical3A_206 = arith.constant 16 : i32
    %shift_right_logical3A_207 = vector.broadcast %shift_right_logical3A_206 : i32 to vector<16xi32>
    %shift_right_logical3A_208 = arith.shrui %get3A_196, %shift_right_logical3A_207 : vector<16xi32>
    %swap3A_209 = arith.constant 1 : i32
    %swap3A_210 = arith.index_cast %swap3A_209 : i32 to index
    %swap3A_211 = arith.constant 64 : index
    %swap3A_212 = tpu.vector_load %arg7[%swap3A_210, %swap3A_211] {strides = array<i32>} : memref<2x80xi32, #tpu.memory_space<vmem>>, vector<1x16xi32>,
    %swap3A_213 = vector.shape_cast %swap3A_212 : vector<1x16xi32> to vector<16xi32>
    %swap3A_214 = vector.shape_cast %shift_right_logical3A_208 : vector<16xi32> to vector<1x16xi32>
    tpu.vector_store %arg7[%swap3A_210, %swap3A_211], %swap3A_214 {strides = array<i32>} : memref<2x80xi32, #tpu.memory_space<vmem>>, vector<1x16xi32>,
    %dma_start3A_215 = arith.constant 0 : i32
    %dma_start3A_216 = arith.constant 0 : i32
    %dma_start3A_217 = tpu.memref_slice %arg7[%dma_start3A_215, %dma_start3A_216] : memref<2x80xi32, #tpu.memory_space<vmem>> -> memref<1x80xi32, #tpu.memory_space<vmem>>
    %dma_start3A_218 = tpu.memref_squeeze %dma_start3A_217 : memref<1x80xi32, #tpu.memory_space<vmem>> -> memref<80xi32, #tpu.memory_space<vmem>>
    %dma_start3A_219 = arith.constant 0 : i32
    %dma_start3A_220 = arith.constant 0 : i32
    %dma_start3A_221 = tpu.memref_slice %arg2[%dma_start3A_219, %dma_start3A_220] : memref<10000x128xf32, #tpu.memory_space<hbm>> -> memref<10000x128xf32, #tpu.memory_space<hbm>>
    tpu.enqueue_indirect_dma source(%dma_start3A_221 : memref<10000x128xf32, #tpu.memory_space<hbm>>) target(%arg10 : memref<80x128xf32, #tpu.memory_space<vmem>>) offsets(%dma_start3A_218 : memref<80xi32, #tpu.memory_space<vmem>>) semaphore(%arg14 : memref<!tpu.dma_semaphore, #tpu.memory_space<semaphore_mem>>)
    %broadcast_in_dim3A = arith.constant 0.000000e+00 : f32
    %broadcast_in_dim3A_222 = vector.broadcast %broadcast_in_dim3A : f32 to vector<16xf32>
    %scan3A = arith.constant 0 : i32
    %scan3A_223 = arith.constant 0 : i32
    %scan3A_224 = arith.constant 80 : i32
    %scan3A_225 = arith.addi %scan3A_223, %scan3A_224 : i32
    %scan3A_226 = arith.constant 1 : i32
    scf.for %scan3A_481 = %scan3A_223 to %scan3A_225 step %scan3A_226  : i32 {
      %swap3A_482 = arith.index_cast %scan3A_481 : i32 to index
      %swap3A_483 = arith.constant 0 : index
      %swap3A_484 = tpu.vector_load %arg11[%swap3A_482, %swap3A_483] {strides = array<i32>} : memref<80x128xf32, #tpu.memory_space<vmem>>, vector<1x16xf32>,
      %swap3A_485 = vector.shape_cast %swap3A_484 : vector<1x16xf32> to vector<16xf32>
      %swap3A_486 = vector.shape_cast %broadcast_in_dim3A_222 : vector<16xf32> to vector<1x16xf32>
      tpu.vector_store %arg11[%swap3A_482, %swap3A_483], %swap3A_486 {strides = array<i32>} : memref<80x128xf32, #tpu.memory_space<vmem>>, vector<1x16xf32>,
      %swap3A_487 = arith.index_cast %scan3A_481 : i32 to index
      %swap3A_488 = arith.constant 16 : index
      %swap3A_489 = tpu.vector_load %arg11[%swap3A_487, %swap3A_488] {strides = array<i32>} : memref<80x128xf32, #tpu.memory_space<vmem>>, vector<1x16xf32>,
      %swap3A_490 = vector.shape_cast %swap3A_489 : vector<1x16xf32> to vector<16xf32>
      %swap3A_491 = vector.shape_cast %broadcast_in_dim3A_222 : vector<16xf32> to vector<1x16xf32>
      tpu.vector_store %arg11[%swap3A_487, %swap3A_488], %swap3A_491 {strides = array<i32>} : memref<80x128xf32, #tpu.memory_space<vmem>>, vector<1x16xf32>,
      %swap3A_492 = arith.index_cast %scan3A_481 : i32 to index
      %swap3A_493 = arith.constant 32 : index
      %swap3A_494 = tpu.vector_load %arg11[%swap3A_492, %swap3A_493] {strides = array<i32>} : memref<80x128xf32, #tpu.memory_space<vmem>>, vector<1x16xf32>,
      %swap3A_495 = vector.shape_cast %swap3A_494 : vector<1x16xf32> to vector<16xf32>
      %swap3A_496 = vector.shape_cast %broadcast_in_dim3A_222 : vector<16xf32> to vector<1x16xf32>
      tpu.vector_store %arg11[%swap3A_492, %swap3A_493], %swap3A_496 {strides = array<i32>} : memref<80x128xf32, #tpu.memory_space<vmem>>, vector<1x16xf32>,
      %swap3A_497 = arith.index_cast %scan3A_481 : i32 to index
      %swap3A_498 = arith.constant 48 : index
      %swap3A_499 = tpu.vector_load %arg11[%swap3A_497, %swap3A_498] {strides = array<i32>} : memref<80x128xf32, #tpu.memory_space<vmem>>, vector<1x16xf32>,
      %swap3A_500 = vector.shape_cast %swap3A_499 : vector<1x16xf32> to vector<16xf32>
      %swap3A_501 = vector.shape_cast %broadcast_in_dim3A_222 : vector<16xf32> to vector<1x16xf32>
      tpu.vector_store %arg11[%swap3A_497, %swap3A_498], %swap3A_501 {strides = array<i32>} : memref<80x128xf32, #tpu.memory_space<vmem>>, vector<1x16xf32>,
      %swap3A_502 = arith.index_cast %scan3A_481 : i32 to index
      %swap3A_503 = arith.constant 64 : index
      %swap3A_504 = tpu.vector_load %arg11[%swap3A_502, %swap3A_503] {strides = array<i32>} : memref<80x128xf32, #tpu.memory_space<vmem>>, vector<1x16xf32>,
      %swap3A_505 = vector.shape_cast %swap3A_504 : vector<1x16xf32> to vector<16xf32>
      %swap3A_506 = vector.shape_cast %broadcast_in_dim3A_222 : vector<16xf32> to vector<1x16xf32>
      tpu.vector_store %arg11[%swap3A_502, %swap3A_503], %swap3A_506 {strides = array<i32>} : memref<80x128xf32, #tpu.memory_space<vmem>>, vector<1x16xf32>,
      %swap3A_507 = arith.index_cast %scan3A_481 : i32 to index
      %swap3A_508 = arith.constant 80 : index
      %swap3A_509 = tpu.vector_load %arg11[%swap3A_507, %swap3A_508] {strides = array<i32>} : memref<80x128xf32, #tpu.memory_space<vmem>>, vector<1x16xf32>,
      %swap3A_510 = vector.shape_cast %swap3A_509 : vector<1x16xf32> to vector<16xf32>
      %swap3A_511 = vector.shape_cast %broadcast_in_dim3A_222 : vector<16xf32> to vector<1x16xf32>
      tpu.vector_store %arg11[%swap3A_507, %swap3A_508], %swap3A_511 {strides = array<i32>} : memref<80x128xf32, #tpu.memory_space<vmem>>, vector<1x16xf32>,
      %swap3A_512 = arith.index_cast %scan3A_481 : i32 to index
      %swap3A_513 = arith.constant 96 : index
      %swap3A_514 = tpu.vector_load %arg11[%swap3A_512, %swap3A_513] {strides = array<i32>} : memref<80x128xf32, #tpu.memory_space<vmem>>, vector<1x16xf32>,
      %swap3A_515 = vector.shape_cast %swap3A_514 : vector<1x16xf32> to vector<16xf32>
      %swap3A_516 = vector.shape_cast %broadcast_in_dim3A_222 : vector<16xf32> to vector<1x16xf32>
      tpu.vector_store %arg11[%swap3A_512, %swap3A_513], %swap3A_516 {strides = array<i32>} : memref<80x128xf32, #tpu.memory_space<vmem>>, vector<1x16xf32>,
      %swap3A_517 = arith.index_cast %scan3A_481 : i32 to index
      %swap3A_518 = arith.constant 112 : index
      %swap3A_519 = tpu.vector_load %arg11[%swap3A_517, %swap3A_518] {strides = array<i32>} : memref<80x128xf32, #tpu.memory_space<vmem>>, vector<1x16xf32>,
      %swap3A_520 = vector.shape_cast %swap3A_519 : vector<1x16xf32> to vector<16xf32>
      %swap3A_521 = vector.shape_cast %broadcast_in_dim3A_222 : vector<16xf32> to vector<1x16xf32>
      tpu.vector_store %arg11[%swap3A_517, %swap3A_518], %swap3A_521 {strides = array<i32>} : memref<80x128xf32, #tpu.memory_space<vmem>>, vector<1x16xf32>,
    }
    %scan3A_227 = arith.constant 80 : i32
    %mul3A_228 = arith.constant 632 : i32
    %mul3A_229 = arith.muli %arg1, %mul3A_228 : i32
    %add3A_230 = arith.constant 0 : i32
    %add3A_231 = arith.addi %mul3A_229, %add3A_230 : i32
    %dma_start3A_232 = arith.constant 0 : i32
    %dma_start3A_233 = tpu.memref_slice %arg12[%add3A_231, %dma_start3A_232] : memref<10112x128xf32, #tpu.memory_space<vmem_shared>> -> memref<80x128xf32, #tpu.memory_space<vmem_shared>>
    %dma_start3A_234 = arith.constant 0 : i32
    %dma_start3A_235 = tpu.memref_slice %arg12[%add3A_231, %dma_start3A_234] : memref<10112x128xf32, #tpu.memory_space<vmem_shared>> -> memref<80x128xf32, #tpu.memory_space<vmem_shared>>
    tpu.enqueue_dma source(%arg11 : memref<80x128xf32, #tpu.memory_space<vmem>>) target(%dma_start3A_235 : memref<80x128xf32, #tpu.memory_space<vmem_shared>>) target_semaphore(%arg15 : memref<!tpu.dma_semaphore, #tpu.memory_space<semaphore_mem>>)
    %add3A_236 = arith.constant 80 : i32
    %add3A_237 = arith.addi %mul3A_229, %add3A_236 : i32
    %dma_start3A_238 = arith.constant 0 : i32
    %dma_start3A_239 = tpu.memref_slice %arg12[%add3A_237, %dma_start3A_238] : memref<10112x128xf32, #tpu.memory_space<vmem_shared>> -> memref<80x128xf32, #tpu.memory_space<vmem_shared>>
    %dma_start3A_240 = arith.constant 0 : i32
    %dma_start3A_241 = tpu.memref_slice %arg12[%add3A_237, %dma_start3A_240] : memref<10112x128xf32, #tpu.memory_space<vmem_shared>> -> memref<80x128xf32, #tpu.memory_space<vmem_shared>>
    tpu.enqueue_dma source(%arg11 : memref<80x128xf32, #tpu.memory_space<vmem>>) target(%dma_start3A_241 : memref<80x128xf32, #tpu.memory_space<vmem_shared>>) target_semaphore(%arg15 : memref<!tpu.dma_semaphore, #tpu.memory_space<semaphore_mem>>)
    %add3A_242 = arith.constant 160 : i32
    %add3A_243 = arith.addi %mul3A_229, %add3A_242 : i32
    %dma_start3A_244 = arith.constant 0 : i32
    %dma_start3A_245 = tpu.memref_slice %arg12[%add3A_243, %dma_start3A_244] : memref<10112x128xf32, #tpu.memory_space<vmem_shared>> -> memref<80x128xf32, #tpu.memory_space<vmem_shared>>
    %dma_start3A_246 = arith.constant 0 : i32
    %dma_start3A_247 = tpu.memref_slice %arg12[%add3A_243, %dma_start3A_246] : memref<10112x128xf32, #tpu.memory_space<vmem_shared>> -> memref<80x128xf32, #tpu.memory_space<vmem_shared>>
    tpu.enqueue_dma source(%arg11 : memref<80x128xf32, #tpu.memory_space<vmem>>) target(%dma_start3A_247 : memref<80x128xf32, #tpu.memory_space<vmem_shared>>) target_semaphore(%arg15 : memref<!tpu.dma_semaphore, #tpu.memory_space<semaphore_mem>>)
    %add3A_248 = arith.constant 240 : i32
    %add3A_249 = arith.addi %mul3A_229, %add3A_248 : i32
    %dma_start3A_250 = arith.constant 0 : i32
    %dma_start3A_251 = tpu.memref_slice %arg12[%add3A_249, %dma_start3A_250] : memref<10112x128xf32, #tpu.memory_space<vmem_shared>> -> memref<80x128xf32, #tpu.memory_space<vmem_shared>>
    %dma_start3A_252 = arith.constant 0 : i32
    %dma_start3A_253 = tpu.memref_slice %arg12[%add3A_249, %dma_start3A_252] : memref<10112x128xf32, #tpu.memory_space<vmem_shared>> -> memref<80x128xf32, #tpu.memory_space<vmem_shared>>
    tpu.enqueue_dma source(%arg11 : memref<80x128xf32, #tpu.memory_space<vmem>>) target(%dma_start3A_253 : memref<80x128xf32, #tpu.memory_space<vmem_shared>>) target_semaphore(%arg15 : memref<!tpu.dma_semaphore, #tpu.memory_space<semaphore_mem>>)
    %add3A_254 = arith.constant 320 : i32
    %add3A_255 = arith.addi %mul3A_229, %add3A_254 : i32
    %dma_start3A_256 = arith.constant 0 : i32
    %dma_start3A_257 = tpu.memref_slice %arg12[%add3A_255, %dma_start3A_256] : memref<10112x128xf32, #tpu.memory_space<vmem_shared>> -> memref<80x128xf32, #tpu.memory_space<vmem_shared>>
    %dma_start3A_258 = arith.constant 0 : i32
    %dma_start3A_259 = tpu.memref_slice %arg12[%add3A_255, %dma_start3A_258] : memref<10112x128xf32, #tpu.memory_space<vmem_shared>> -> memref<80x128xf32, #tpu.memory_space<vmem_shared>>
    tpu.enqueue_dma source(%arg11 : memref<80x128xf32, #tpu.memory_space<vmem>>) target(%dma_start3A_259 : memref<80x128xf32, #tpu.memory_space<vmem_shared>>) target_semaphore(%arg15 : memref<!tpu.dma_semaphore, #tpu.memory_space<semaphore_mem>>)
    %add3A_260 = arith.constant 400 : i32
    %add3A_261 = arith.addi %mul3A_229, %add3A_260 : i32
    %dma_start3A_262 = arith.constant 0 : i32
    %dma_start3A_263 = tpu.memref_slice %arg12[%add3A_261, %dma_start3A_262] : memref<10112x128xf32, #tpu.memory_space<vmem_shared>> -> memref<80x128xf32, #tpu.memory_space<vmem_shared>>
    %dma_start3A_264 = arith.constant 0 : i32
    %dma_start3A_265 = tpu.memref_slice %arg12[%add3A_261, %dma_start3A_264] : memref<10112x128xf32, #tpu.memory_space<vmem_shared>> -> memref<80x128xf32, #tpu.memory_space<vmem_shared>>
    tpu.enqueue_dma source(%arg11 : memref<80x128xf32, #tpu.memory_space<vmem>>) target(%dma_start3A_265 : memref<80x128xf32, #tpu.memory_space<vmem_shared>>) target_semaphore(%arg15 : memref<!tpu.dma_semaphore, #tpu.memory_space<semaphore_mem>>)
    %add3A_266 = arith.constant 480 : i32
    %add3A_267 = arith.addi %mul3A_229, %add3A_266 : i32
    %dma_start3A_268 = arith.constant 0 : i32
    %dma_start3A_269 = tpu.memref_slice %arg12[%add3A_267, %dma_start3A_268] : memref<10112x128xf32, #tpu.memory_space<vmem_shared>> -> memref<80x128xf32, #tpu.memory_space<vmem_shared>>
    %dma_start3A_270 = arith.constant 0 : i32
    %dma_start3A_271 = tpu.memref_slice %arg12[%add3A_267, %dma_start3A_270] : memref<10112x128xf32, #tpu.memory_space<vmem_shared>> -> memref<80x128xf32, #tpu.memory_space<vmem_shared>>
    tpu.enqueue_dma source(%arg11 : memref<80x128xf32, #tpu.memory_space<vmem>>) target(%dma_start3A_271 : memref<80x128xf32, #tpu.memory_space<vmem_shared>>) target_semaphore(%arg15 : memref<!tpu.dma_semaphore, #tpu.memory_space<semaphore_mem>>)
    %add3A_272 = arith.constant 560 : i32
    %add3A_273 = arith.addi %mul3A_229, %add3A_272 : i32
    %dma_start3A_274 = arith.constant 0 : i32
    %dma_start3A_275 = arith.constant 0 : i32
    %dma_start3A_276 = tpu.memref_slice %arg11[%dma_start3A_274, %dma_start3A_275] : memref<80x128xf32, #tpu.memory_space<vmem>> -> memref<72x128xf32, #tpu.memory_space<vmem>>
    %dma_start3A_277 = arith.constant 0 : i32
    %dma_start3A_278 = tpu.memref_slice %arg12[%add3A_273, %dma_start3A_277] : memref<10112x128xf32, #tpu.memory_space<vmem_shared>> -> memref<72x128xf32, #tpu.memory_space<vmem_shared>>
    %dma_start3A_279 = arith.constant 0 : i32
    %dma_start3A_280 = tpu.memref_slice %arg12[%add3A_273, %dma_start3A_279] : memref<10112x128xf32, #tpu.memory_space<vmem_shared>> -> memref<72x128xf32, #tpu.memory_space<vmem_shared>>
    %dma_start3A_281 = arith.constant 0 : i32
    %dma_start3A_282 = arith.constant 0 : i32
    %dma_start3A_283 = tpu.memref_slice %arg11[%dma_start3A_281, %dma_start3A_282] : memref<80x128xf32, #tpu.memory_space<vmem>> -> memref<72x128xf32, #tpu.memory_space<vmem>>
    tpu.enqueue_dma source(%dma_start3A_283 : memref<72x128xf32, #tpu.memory_space<vmem>>) target(%dma_start3A_280 : memref<72x128xf32, #tpu.memory_space<vmem_shared>>) target_semaphore(%arg15 : memref<!tpu.dma_semaphore, #tpu.memory_space<semaphore_mem>>)
    %add3A_284 = arith.constant 0 : i32
    %add3A_285 = arith.addi %mul3A_229, %add3A_284 : i32
    %dma_wait3A = arith.constant 0 : i32
    %dma_wait3A_286 = tpu.memref_slice %arg12[%add3A_285, %dma_wait3A] : memref<10112x128xf32, #tpu.memory_space<vmem_shared>> -> memref<80x128xf32, #tpu.memory_space<vmem_shared>>
    %dma_wait3A_287 = arith.constant 0 : i32
    %dma_wait3A_288 = tpu.memref_slice %arg12[%add3A_285, %dma_wait3A_287] : memref<10112x128xf32, #tpu.memory_space<vmem_shared>> -> memref<80x128xf32, #tpu.memory_space<vmem_shared>>
    tpu.wait_dma2 semaphore(%arg15 : memref<!tpu.dma_semaphore, #tpu.memory_space<semaphore_mem>>) src(%arg11 : memref<80x128xf32, #tpu.memory_space<vmem>>) dst(%dma_wait3A_288 : memref<80x128xf32, #tpu.memory_space<vmem_shared>>)
    %add3A_289 = arith.constant 80 : i32
    %add3A_290 = arith.addi %mul3A_229, %add3A_289 : i32
    %dma_wait3A_291 = arith.constant 0 : i32
    %dma_wait3A_292 = tpu.memref_slice %arg12[%add3A_290, %dma_wait3A_291] : memref<10112x128xf32, #tpu.memory_space<vmem_shared>> -> memref<80x128xf32, #tpu.memory_space<vmem_shared>>
    %dma_wait3A_293 = arith.constant 0 : i32
    %dma_wait3A_294 = tpu.memref_slice %arg12[%add3A_290, %dma_wait3A_293] : memref<10112x128xf32, #tpu.memory_space<vmem_shared>> -> memref<80x128xf32, #tpu.memory_space<vmem_shared>>
    tpu.wait_dma2 semaphore(%arg15 : memref<!tpu.dma_semaphore, #tpu.memory_space<semaphore_mem>>) src(%arg11 : memref<80x128xf32, #tpu.memory_space<vmem>>) dst(%dma_wait3A_294 : memref<80x128xf32, #tpu.memory_space<vmem_shared>>)
    %add3A_295 = arith.constant 160 : i32
    %add3A_296 = arith.addi %mul3A_229, %add3A_295 : i32
    %dma_wait3A_297 = arith.constant 0 : i32
    %dma_wait3A_298 = tpu.memref_slice %arg12[%add3A_296, %dma_wait3A_297] : memref<10112x128xf32, #tpu.memory_space<vmem_shared>> -> memref<80x128xf32, #tpu.memory_space<vmem_shared>>
    %dma_wait3A_299 = arith.constant 0 : i32
    %dma_wait3A_300 = tpu.memref_slice %arg12[%add3A_296, %dma_wait3A_299] : memref<10112x128xf32, #tpu.memory_space<vmem_shared>> -> memref<80x128xf32, #tpu.memory_space<vmem_shared>>
    tpu.wait_dma2 semaphore(%arg15 : memref<!tpu.dma_semaphore, #tpu.memory_space<semaphore_mem>>) src(%arg11 : memref<80x128xf32, #tpu.memory_space<vmem>>) dst(%dma_wait3A_300 : memref<80x128xf32, #tpu.memory_space<vmem_shared>>)
    %add3A_301 = arith.constant 240 : i32
    %add3A_302 = arith.addi %mul3A_229, %add3A_301 : i32
    %dma_wait3A_303 = arith.constant 0 : i32
    %dma_wait3A_304 = tpu.memref_slice %arg12[%add3A_302, %dma_wait3A_303] : memref<10112x128xf32, #tpu.memory_space<vmem_shared>> -> memref<80x128xf32, #tpu.memory_space<vmem_shared>>
    %dma_wait3A_305 = arith.constant 0 : i32
    %dma_wait3A_306 = tpu.memref_slice %arg12[%add3A_302, %dma_wait3A_305] : memref<10112x128xf32, #tpu.memory_space<vmem_shared>> -> memref<80x128xf32, #tpu.memory_space<vmem_shared>>
    tpu.wait_dma2 semaphore(%arg15 : memref<!tpu.dma_semaphore, #tpu.memory_space<semaphore_mem>>) src(%arg11 : memref<80x128xf32, #tpu.memory_space<vmem>>) dst(%dma_wait3A_306 : memref<80x128xf32, #tpu.memory_space<vmem_shared>>)
    %add3A_307 = arith.constant 320 : i32
    %add3A_308 = arith.addi %mul3A_229, %add3A_307 : i32
    %dma_wait3A_309 = arith.constant 0 : i32
    %dma_wait3A_310 = tpu.memref_slice %arg12[%add3A_308, %dma_wait3A_309] : memref<10112x128xf32, #tpu.memory_space<vmem_shared>> -> memref<80x128xf32, #tpu.memory_space<vmem_shared>>
    %dma_wait3A_311 = arith.constant 0 : i32
    %dma_wait3A_312 = tpu.memref_slice %arg12[%add3A_308, %dma_wait3A_311] : memref<10112x128xf32, #tpu.memory_space<vmem_shared>> -> memref<80x128xf32, #tpu.memory_space<vmem_shared>>
    tpu.wait_dma2 semaphore(%arg15 : memref<!tpu.dma_semaphore, #tpu.memory_space<semaphore_mem>>) src(%arg11 : memref<80x128xf32, #tpu.memory_space<vmem>>) dst(%dma_wait3A_312 : memref<80x128xf32, #tpu.memory_space<vmem_shared>>)
    %add3A_313 = arith.constant 400 : i32
    %add3A_314 = arith.addi %mul3A_229, %add3A_313 : i32
    %dma_wait3A_315 = arith.constant 0 : i32
    %dma_wait3A_316 = tpu.memref_slice %arg12[%add3A_314, %dma_wait3A_315] : memref<10112x128xf32, #tpu.memory_space<vmem_shared>> -> memref<80x128xf32, #tpu.memory_space<vmem_shared>>
    %dma_wait3A_317 = arith.constant 0 : i32
    %dma_wait3A_318 = tpu.memref_slice %arg12[%add3A_314, %dma_wait3A_317] : memref<10112x128xf32, #tpu.memory_space<vmem_shared>> -> memref<80x128xf32, #tpu.memory_space<vmem_shared>>
    tpu.wait_dma2 semaphore(%arg15 : memref<!tpu.dma_semaphore, #tpu.memory_space<semaphore_mem>>) src(%arg11 : memref<80x128xf32, #tpu.memory_space<vmem>>) dst(%dma_wait3A_318 : memref<80x128xf32, #tpu.memory_space<vmem_shared>>)
    %add3A_319 = arith.constant 480 : i32
    %add3A_320 = arith.addi %mul3A_229, %add3A_319 : i32
    %dma_wait3A_321 = arith.constant 0 : i32
    %dma_wait3A_322 = tpu.memref_slice %arg12[%add3A_320, %dma_wait3A_321] : memref<10112x128xf32, #tpu.memory_space<vmem_shared>> -> memref<80x128xf32, #tpu.memory_space<vmem_shared>>
    %dma_wait3A_323 = arith.constant 0 : i32
    %dma_wait3A_324 = tpu.memref_slice %arg12[%add3A_320, %dma_wait3A_323] : memref<10112x128xf32, #tpu.memory_space<vmem_shared>> -> memref<80x128xf32, #tpu.memory_space<vmem_shared>>
    tpu.wait_dma2 semaphore(%arg15 : memref<!tpu.dma_semaphore, #tpu.memory_space<semaphore_mem>>) src(%arg11 : memref<80x128xf32, #tpu.memory_space<vmem>>) dst(%dma_wait3A_324 : memref<80x128xf32, #tpu.memory_space<vmem_shared>>)
    %add3A_325 = arith.constant 560 : i32
    %add3A_326 = arith.addi %mul3A_229, %add3A_325 : i32
    %dma_wait3A_327 = arith.constant 0 : i32
    %dma_wait3A_328 = arith.constant 0 : i32
    %dma_wait3A_329 = tpu.memref_slice %arg11[%dma_wait3A_327, %dma_wait3A_328] : memref<80x128xf32, #tpu.memory_space<vmem>> -> memref<72x128xf32, #tpu.memory_space<vmem>>
    %dma_wait3A_330 = arith.constant 0 : i32
    %dma_wait3A_331 = tpu.memref_slice %arg12[%add3A_326, %dma_wait3A_330] : memref<10112x128xf32, #tpu.memory_space<vmem_shared>> -> memref<72x128xf32, #tpu.memory_space<vmem_shared>>
    %dma_wait3A_332 = arith.constant 0 : i32
    %dma_wait3A_333 = tpu.memref_slice %arg12[%add3A_326, %dma_wait3A_332] : memref<10112x128xf32, #tpu.memory_space<vmem_shared>> -> memref<72x128xf32, #tpu.memory_space<vmem_shared>>
    %dma_wait3A_334 = arith.constant 0 : i32
    %dma_wait3A_335 = arith.constant 0 : i32
    %dma_wait3A_336 = tpu.memref_slice %arg11[%dma_wait3A_334, %dma_wait3A_335] : memref<80x128xf32, #tpu.memory_space<vmem>> -> memref<72x128xf32, #tpu.memory_space<vmem>>
    tpu.wait_dma2 semaphore(%arg15 : memref<!tpu.dma_semaphore, #tpu.memory_space<semaphore_mem>>) src(%dma_wait3A_336 : memref<72x128xf32, #tpu.memory_space<vmem>>) dst(%dma_wait3A_333 : memref<72x128xf32, #tpu.memory_space<vmem_shared>>)
    %get3A_337 = arith.constant 160 : index
    %get3A_338 = tpu.vector_load %arg5[%get3A_337] {strides = array<i32>} : memref<10000xi32, #tpu.memory_space<vmem>>, vector<16xi32>,
    %get3A_339 = vector.shape_cast %get3A_338 : vector<16xi32> to vector<16xi32>
    %and3A_340 = arith.constant 65535 : i32
    %and3A_341 = vector.broadcast %and3A_340 : i32 to vector<16xi32>
    %and3A_342 = arith.andi %get3A_339, %and3A_341 : vector<16xi32>
    %swap3A_343 = arith.constant 0 : i32
    %swap3A_344 = arith.index_cast %swap3A_343 : i32 to index
    %swap3A_345 = arith.constant 0 : index
    %swap3A_346 = tpu.vector_load %arg8[%swap3A_344, %swap3A_345] {strides = array<i32>} : memref<2x80xi32, #tpu.memory_space<vmem>>, vector<1x16xi32>,
    %swap3A_347 = vector.shape_cast %swap3A_346 : vector<1x16xi32> to vector<16xi32>
    %swap3A_348 = vector.shape_cast %and3A_342 : vector<16xi32> to vector<1x16xi32>
    tpu.vector_store %arg8[%swap3A_344, %swap3A_345], %swap3A_348 {strides = array<i32>} : memref<2x80xi32, #tpu.memory_space<vmem>>, vector<1x16xi32>,
    %shift_right_logical3A_349 = arith.constant 16 : i32
    %shift_right_logical3A_350 = vector.broadcast %shift_right_logical3A_349 : i32 to vector<16xi32>
    %shift_right_logical3A_351 = arith.shrui %get3A_339, %shift_right_logical3A_350 : vector<16xi32>
    %swap3A_352 = arith.constant 1 : i32
    %swap3A_353 = arith.index_cast %swap3A_352 : i32 to index
    %swap3A_354 = arith.constant 0 : index
    %swap3A_355 = tpu.vector_load %arg8[%swap3A_353, %swap3A_354] {strides = array<i32>} : memref<2x80xi32, #tpu.memory_space<vmem>>, vector<1x16xi32>,
    %swap3A_356 = vector.shape_cast %swap3A_355 : vector<1x16xi32> to vector<16xi32>
    %swap3A_357 = vector.shape_cast %shift_right_logical3A_351 : vector<16xi32> to vector<1x16xi32>
    tpu.vector_store %arg8[%swap3A_353, %swap3A_354], %swap3A_357 {strides = array<i32>} : memref<2x80xi32, #tpu.memory_space<vmem>>, vector<1x16xi32>,
    %get3A_358 = arith.constant 176 : index
    %get3A_359 = tpu.vector_load %arg5[%get3A_358] {strides = array<i32>} : memref<10000xi32, #tpu.memory_space<vmem>>, vector<16xi32>,
    %get3A_360 = vector.shape_cast %get3A_359 : vector<16xi32> to vector<16xi32>
    %and3A_361 = arith.constant 65535 : i32
    %and3A_362 = vector.broadcast %and3A_361 : i32 to vector<16xi32>
    %and3A_363 = arith.andi %get3A_360, %and3A_362 : vector<16xi32>
    %swap3A_364 = arith.constant 0 : i32
    %swap3A_365 = arith.index_cast %swap3A_364 : i32 to index
    %swap3A_366 = arith.constant 16 : index
    %swap3A_367 = tpu.vector_load %arg8[%swap3A_365, %swap3A_366] {strides = array<i32>} : memref<2x80xi32, #tpu.memory_space<vmem>>, vector<1x16xi32>,
    %swap3A_368 = vector.shape_cast %swap3A_367 : vector<1x16xi32> to vector<16xi32>
    %swap3A_369 = vector.shape_cast %and3A_363 : vector<16xi32> to vector<1x16xi32>
    tpu.vector_store %arg8[%swap3A_365, %swap3A_366], %swap3A_369 {strides = array<i32>} : memref<2x80xi32, #tpu.memory_space<vmem>>, vector<1x16xi32>,
    %shift_right_logical3A_370 = arith.constant 16 : i32
    %shift_right_logical3A_371 = vector.broadcast %shift_right_logical3A_370 : i32 to vector<16xi32>
    %shift_right_logical3A_372 = arith.shrui %get3A_360, %shift_right_logical3A_371 : vector<16xi32>
    %swap3A_373 = arith.constant 1 : i32
    %swap3A_374 = arith.index_cast %swap3A_373 : i32 to index
    %swap3A_375 = arith.constant 16 : index
    %swap3A_376 = tpu.vector_load %arg8[%swap3A_374, %swap3A_375] {strides = array<i32>} : memref<2x80xi32, #tpu.memory_space<vmem>>, vector<1x16xi32>,
    %swap3A_377 = vector.shape_cast %swap3A_376 : vector<1x16xi32> to vector<16xi32>
    %swap3A_378 = vector.shape_cast %shift_right_logical3A_372 : vector<16xi32> to vector<1x16xi32>
    tpu.vector_store %arg8[%swap3A_374, %swap3A_375], %swap3A_378 {strides = array<i32>} : memref<2x80xi32, #tpu.memory_space<vmem>>, vector<1x16xi32>,
    %get3A_379 = arith.constant 192 : index
    %get3A_380 = tpu.vector_load %arg5[%get3A_379] {strides = array<i32>} : memref<10000xi32, #tpu.memory_space<vmem>>, vector<16xi32>,
    %get3A_381 = vector.shape_cast %get3A_380 : vector<16xi32> to vector<16xi32>
    %and3A_382 = arith.constant 65535 : i32
    %and3A_383 = vector.broadcast %and3A_382 : i32 to vector<16xi32>
    %and3A_384 = arith.andi %get3A_381, %and3A_383 : vector<16xi32>
    %swap3A_385 = arith.constant 0 : i32
    %swap3A_386 = arith.index_cast %swap3A_385 : i32 to index
    %swap3A_387 = arith.constant 32 : index
    %swap3A_388 = tpu.vector_load %arg8[%swap3A_386, %swap3A_387] {strides = array<i32>} : memref<2x80xi32, #tpu.memory_space<vmem>>, vector<1x16xi32>,
    %swap3A_389 = vector.shape_cast %swap3A_388 : vector<1x16xi32> to vector<16xi32>
    %swap3A_390 = vector.shape_cast %and3A_384 : vector<16xi32> to vector<1x16xi32>
    tpu.vector_store %arg8[%swap3A_386, %swap3A_387], %swap3A_390 {strides = array<i32>} : memref<2x80xi32, #tpu.memory_space<vmem>>, vector<1x16xi32>,
    %shift_right_logical3A_391 = arith.constant 16 : i32
    %shift_right_logical3A_392 = vector.broadcast %shift_right_logical3A_391 : i32 to vector<16xi32>
    %shift_right_logical3A_393 = arith.shrui %get3A_381, %shift_right_logical3A_392 : vector<16xi32>
    %swap3A_394 = arith.constant 1 : i32
    %swap3A_395 = arith.index_cast %swap3A_394 : i32 to index
    %swap3A_396 = arith.constant 32 : index
    %swap3A_397 = tpu.vector_load %arg8[%swap3A_395, %swap3A_396] {strides = array<i32>} : memref<2x80xi32, #tpu.memory_space<vmem>>, vector<1x16xi32>,
    %swap3A_398 = vector.shape_cast %swap3A_397 : vector<1x16xi32> to vector<16xi32>
    %swap3A_399 = vector.shape_cast %shift_right_logical3A_393 : vector<16xi32> to vector<1x16xi32>
    tpu.vector_store %arg8[%swap3A_395, %swap3A_396], %swap3A_399 {strides = array<i32>} : memref<2x80xi32, #tpu.memory_space<vmem>>, vector<1x16xi32>,
    %get3A_400 = arith.constant 208 : index
    %get3A_401 = tpu.vector_load %arg5[%get3A_400] {strides = array<i32>} : memref<10000xi32, #tpu.memory_space<vmem>>, vector<16xi32>,
    %get3A_402 = vector.shape_cast %get3A_401 : vector<16xi32> to vector<16xi32>
    %and3A_403 = arith.constant 65535 : i32
    %and3A_404 = vector.broadcast %and3A_403 : i32 to vector<16xi32>
    %and3A_405 = arith.andi %get3A_402, %and3A_404 : vector<16xi32>
    %swap3A_406 = arith.constant 0 : i32
    %swap3A_407 = arith.index_cast %swap3A_406 : i32 to index
    %swap3A_408 = arith.constant 48 : index
    %swap3A_409 = tpu.vector_load %arg8[%swap3A_407, %swap3A_408] {strides = array<i32>} : memref<2x80xi32, #tpu.memory_space<vmem>>, vector<1x16xi32>,
    %swap3A_410 = vector.shape_cast %swap3A_409 : vector<1x16xi32> to vector<16xi32>
    %swap3A_411 = vector.shape_cast %and3A_405 : vector<16xi32> to vector<1x16xi32>
    tpu.vector_store %arg8[%swap3A_407, %swap3A_408], %swap3A_411 {strides = array<i32>} : memref<2x80xi32, #tpu.memory_space<vmem>>, vector<1x16xi32>,
    %shift_right_logical3A_412 = arith.constant 16 : i32
    %shift_right_logical3A_413 = vector.broadcast %shift_right_logical3A_412 : i32 to vector<16xi32>
    %shift_right_logical3A_414 = arith.shrui %get3A_402, %shift_right_logical3A_413 : vector<16xi32>
    %swap3A_415 = arith.constant 1 : i32
    %swap3A_416 = arith.index_cast %swap3A_415 : i32 to index
    %swap3A_417 = arith.constant 48 : index
    %swap3A_418 = tpu.vector_load %arg8[%swap3A_416, %swap3A_417] {strides = array<i32>} : memref<2x80xi32, #tpu.memory_space<vmem>>, vector<1x16xi32>,
    %swap3A_419 = vector.shape_cast %swap3A_418 : vector<1x16xi32> to vector<16xi32>
    %swap3A_420 = vector.shape_cast %shift_right_logical3A_414 : vector<16xi32> to vector<1x16xi32>
    tpu.vector_store %arg8[%swap3A_416, %swap3A_417], %swap3A_420 {strides = array<i32>} : memref<2x80xi32, #tpu.memory_space<vmem>>, vector<1x16xi32>,
    %get3A_421 = arith.constant 224 : index
    %get3A_422 = tpu.vector_load %arg5[%get3A_421] {strides = array<i32>} : memref<10000xi32, #tpu.memory_space<vmem>>, vector<16xi32>,
    %get3A_423 = vector.shape_cast %get3A_422 : vector<16xi32> to vector<16xi32>
    %and3A_424 = arith.constant 65535 : i32
    %and3A_425 = vector.broadcast %and3A_424 : i32 to vector<16xi32>
    %and3A_426 = arith.andi %get3A_423, %and3A_425 : vector<16xi32>
    %swap3A_427 = arith.constant 0 : i32
    %swap3A_428 = arith.index_cast %swap3A_427 : i32 to index
    %swap3A_429 = arith.constant 64 : index
    %swap3A_430 = tpu.vector_load %arg8[%swap3A_428, %swap3A_429] {strides = array<i32>} : memref<2x80xi32, #tpu.memory_space<vmem>>, vector<1x16xi32>,
    %swap3A_431 = vector.shape_cast %swap3A_430 : vector<1x16xi32> to vector<16xi32>
    %swap3A_432 = vector.shape_cast %and3A_426 : vector<16xi32> to vector<1x16xi32>
    tpu.vector_store %arg8[%swap3A_428, %swap3A_429], %swap3A_432 {strides = array<i32>} : memref<2x80xi32, #tpu.memory_space<vmem>>, vector<1x16xi32>,
    %shift_right_logical3A_433 = arith.constant 16 : i32
    %shift_right_logical3A_434 = vector.broadcast %shift_right_logical3A_433 : i32 to vector<16xi32>
    %shift_right_logical3A_435 = arith.shrui %get3A_423, %shift_right_logical3A_434 : vector<16xi32>
    %swap3A_436 = arith.constant 1 : i32
    %swap3A_437 = arith.index_cast %swap3A_436 : i32 to index
    %swap3A_438 = arith.constant 64 : index
    %swap3A_439 = tpu.vector_load %arg8[%swap3A_437, %swap3A_438] {strides = array<i32>} : memref<2x80xi32, #tpu.memory_space<vmem>>, vector<1x16xi32>,
    %swap3A_440 = vector.shape_cast %swap3A_439 : vector<1x16xi32> to vector<16xi32>
    %swap3A_441 = vector.shape_cast %shift_right_logical3A_435 : vector<16xi32> to vector<1x16xi32>
    tpu.vector_store %arg8[%swap3A_437, %swap3A_438], %swap3A_441 {strides = array<i32>} : memref<2x80xi32, #tpu.memory_space<vmem>>, vector<1x16xi32>,
    %dma_start3A_442 = arith.constant 0 : i32
    %dma_start3A_443 = arith.constant 0 : i32
    %dma_start3A_444 = tpu.memref_slice %arg8[%dma_start3A_442, %dma_start3A_443] : memref<2x80xi32, #tpu.memory_space<vmem>> -> memref<1x80xi32, #tpu.memory_space<vmem>>
    %dma_start3A_445 = tpu.memref_squeeze %dma_start3A_444 : memref<1x80xi32, #tpu.memory_space<vmem>> -> memref<80xi32, #tpu.memory_space<vmem>>
    %dma_start3A_446 = arith.constant 0 : i32
    %dma_start3A_447 = arith.constant 0 : i32
    %dma_start3A_448 = tpu.memref_slice %arg2[%dma_start3A_446, %dma_start3A_447] : memref<10000x128xf32, #tpu.memory_space<hbm>> -> memref<10000x128xf32, #tpu.memory_space<hbm>>
    tpu.enqueue_indirect_dma source(%dma_start3A_448 : memref<10000x128xf32, #tpu.memory_space<hbm>>) target(%arg11 : memref<80x128xf32, #tpu.memory_space<vmem>>) offsets(%dma_start3A_445 : memref<80xi32, #tpu.memory_space<vmem>>) semaphore(%arg15 : memref<!tpu.dma_semaphore, #tpu.memory_space<semaphore_mem>>)
    %barrier3A = arith.constant 0 : index
    tpu.barrier barrier_id(%barrier3A)
    %scan3A_449 = arith.constant 0 : i32
    %scan3A_450 = arith.constant 0 : i32
    %scan3A_451 = arith.constant 42 : i32
    %scan3A_452 = arith.addi %scan3A_450, %scan3A_451 : i32
    %scan3A_453 = arith.constant 1 : i32
    scf.for %scan3A_481 = %scan3A_450 to %scan3A_452 step %scan3A_453  : i32 {
      %mul3A_482 = arith.constant 3 : i32
      %mul3A_483 = arith.muli %mul3A_482, %scan3A_481 : i32
      %add3A_484 = arith.constant 0 : i32
      %add3A_485 = arith.addi %mul3A_483, %add3A_484 : i32
      %lt3A = arith.constant 125 : i32
      %lt3A_486 = arith.cmpi slt, %add3A_485, %lt3A : i32
      %convert_element_type3A = arith.extui %lt3A_486 : i1 to i32
      %cond3A = arith.constant 0 : i32
      %cond3A_487 = arith.cmpi ne, %convert_element_type3A, %cond3A : i32
      scf.if %cond3A_487 {
        %dma_wait3A_535 = arith.constant 0 : i32
        %dma_wait3A_536 = arith.constant 0 : i32
        %dma_wait3A_537 = tpu.memref_slice %arg6[%dma_wait3A_535, %dma_wait3A_536] : memref<2x80xi32, #tpu.memory_space<vmem>> -> memref<1x80xi32, #tpu.memory_space<vmem>>
        %dma_wait3A_538 = tpu.memref_squeeze %dma_wait3A_537 : memref<1x80xi32, #tpu.memory_space<vmem>> -> memref<80xi32, #tpu.memory_space<vmem>>
        %dma_wait3A_539 = arith.constant 0 : i32
        %dma_wait3A_540 = arith.constant 0 : i32
        %dma_wait3A_541 = tpu.memref_slice %arg2[%dma_wait3A_539, %dma_wait3A_540] : memref<10000x128xf32, #tpu.memory_space<hbm>> -> memref<10000x128xf32, #tpu.memory_space<hbm>>
        tpu.wait_indirect_dma semaphore(%arg13 : memref<!tpu.dma_semaphore, #tpu.memory_space<semaphore_mem>>) src(%dma_wait3A_541 : memref<10000x128xf32, #tpu.memory_space<hbm>>) dst(%arg9 : memref<80x128xf32, #tpu.memory_space<vmem>>)
        %dma_start3A_542 = arith.constant 1 : i32
        %dma_start3A_543 = arith.constant 0 : i32
        %dma_start3A_544 = tpu.memref_slice %arg6[%dma_start3A_542, %dma_start3A_543] : memref<2x80xi32, #tpu.memory_space<vmem>> -> memref<1x80xi32, #tpu.memory_space<vmem>>
        %dma_start3A_545 = tpu.memref_squeeze %dma_start3A_544 : memref<1x80xi32, #tpu.memory_space<vmem>> -> memref<80xi32, #tpu.memory_space<vmem>>
        %dma_start3A_546 = arith.constant 0 : i32
        %dma_start3A_547 = arith.constant 0 : i32
        %dma_start3A_548 = tpu.memref_slice %arg12[%dma_start3A_546, %dma_start3A_547] : memref<10112x128xf32, #tpu.memory_space<vmem_shared>> -> memref<10112x128xf32, #tpu.memory_space<vmem_shared>>
        tpu.enqueue_indirect_dma source(%arg9 : memref<80x128xf32, #tpu.memory_space<vmem>>) target(%dma_start3A_548 : memref<10112x128xf32, #tpu.memory_space<vmem_shared>>) offsets(%dma_start3A_545 : memref<80xi32, #tpu.memory_space<vmem>>) semaphore(%arg16 : memref<!tpu.dma_semaphore, #tpu.memory_space<semaphore_mem>>) {add = true}
      } else {
      }
      %ge3A = arith.constant 1 : i32
      %ge3A_488 = arith.cmpi sge, %add3A_485, %ge3A : i32
      %add3A_489 = arith.constant 2 : i32
      %add3A_490 = arith.addi %add3A_485, %add3A_489 : i32
      %lt3A_491 = arith.constant 125 : i32
      %lt3A_492 = arith.cmpi slt, %add3A_490, %lt3A_491 : i32
      %and3A_493 = arith.andi %ge3A_488, %lt3A_492 : i1
      %convert_element_type3A_494 = arith.extui %and3A_493 : i1 to i32
      %cond3A_495 = arith.constant 0 : i32
      %cond3A_496 = arith.cmpi ne, %convert_element_type3A_494, %cond3A_495 : i32
      scf.if %cond3A_496 {
        %dma_wait3A_535 = arith.constant 1 : i32
        %dma_wait3A_536 = arith.constant 0 : i32
        %dma_wait3A_537 = tpu.memref_slice %arg8[%dma_wait3A_535, %dma_wait3A_536] : memref<2x80xi32, #tpu.memory_space<vmem>> -> memref<1x80xi32, #tpu.memory_space<vmem>>
        %dma_wait3A_538 = tpu.memref_squeeze %dma_wait3A_537 : memref<1x80xi32, #tpu.memory_space<vmem>> -> memref<80xi32, #tpu.memory_space<vmem>>
        %dma_wait3A_539 = arith.constant 0 : i32
        %dma_wait3A_540 = arith.constant 0 : i32
        %dma_wait3A_541 = tpu.memref_slice %arg12[%dma_wait3A_539, %dma_wait3A_540] : memref<10112x128xf32, #tpu.memory_space<vmem_shared>> -> memref<10112x128xf32, #tpu.memory_space<vmem_shared>>
        tpu.wait_indirect_dma semaphore(%arg18 : memref<!tpu.dma_semaphore, #tpu.memory_space<semaphore_mem>>) src(%arg11 : memref<80x128xf32, #tpu.memory_space<vmem>>) dst(%dma_wait3A_541 : memref<10112x128xf32, #tpu.memory_space<vmem_shared>>)
        %add3A_542 = arith.constant 2 : i32
        %add3A_543 = arith.addi %add3A_485, %add3A_542 : i32
        %mul3A_544 = arith.constant 80 : i32
        %mul3A_545 = arith.muli %add3A_543, %mul3A_544 : i32
        %add3A_546 = arith.constant 0 : i32
        %add3A_547 = arith.addi %mul3A_545, %add3A_546 : i32
        %get3A_548 = arith.index_cast %add3A_547 : i32 to index
        %get3A_549 = tpu.vector_load %arg5[%get3A_548] {strides = array<i32>} : memref<10000xi32, #tpu.memory_space<vmem>>, vector<16xi32>,
        %get3A_550 = vector.shape_cast %get3A_549 : vector<16xi32> to vector<16xi32>
        %and3A_551 = arith.constant 65535 : i32
        %and3A_552 = vector.broadcast %and3A_551 : i32 to vector<16xi32>
        %and3A_553 = arith.andi %get3A_550, %and3A_552 : vector<16xi32>
        %swap3A_554 = arith.constant 0 : i32
        %swap3A_555 = arith.index_cast %swap3A_554 : i32 to index
        %swap3A_556 = arith.constant 0 : index
        %swap3A_557 = tpu.vector_load %arg8[%swap3A_555, %swap3A_556] {strides = array<i32>} : memref<2x80xi32, #tpu.memory_space<vmem>>, vector<1x16xi32>,
        %swap3A_558 = vector.shape_cast %swap3A_557 : vector<1x16xi32> to vector<16xi32>
        %swap3A_559 = vector.shape_cast %and3A_553 : vector<16xi32> to vector<1x16xi32>
        tpu.vector_store %arg8[%swap3A_555, %swap3A_556], %swap3A_559 {strides = array<i32>} : memref<2x80xi32, #tpu.memory_space<vmem>>, vector<1x16xi32>,
        %shift_right_logical3A_560 = arith.constant 16 : i32
        %shift_right_logical3A_561 = vector.broadcast %shift_right_logical3A_560 : i32 to vector<16xi32>
        %shift_right_logical3A_562 = arith.shrui %get3A_550, %shift_right_logical3A_561 : vector<16xi32>
        %swap3A_563 = arith.constant 1 : i32
        %swap3A_564 = arith.index_cast %swap3A_563 : i32 to index
        %swap3A_565 = arith.constant 0 : index
        %swap3A_566 = tpu.vector_load %arg8[%swap3A_564, %swap3A_565] {strides = array<i32>} : memref<2x80xi32, #tpu.memory_space<vmem>>, vector<1x16xi32>,
        %swap3A_567 = vector.shape_cast %swap3A_566 : vector<1x16xi32> to vector<16xi32>
        %swap3A_568 = vector.shape_cast %shift_right_logical3A_562 : vector<16xi32> to vector<1x16xi32>
        tpu.vector_store %arg8[%swap3A_564, %swap3A_565], %swap3A_568 {strides = array<i32>} : memref<2x80xi32, #tpu.memory_space<vmem>>, vector<1x16xi32>,
        %mul3A_569 = arith.constant 80 : i32
        %mul3A_570 = arith.muli %add3A_543, %mul3A_569 : i32
        %add3A_571 = arith.constant 16 : i32
        %add3A_572 = arith.addi %mul3A_570, %add3A_571 : i32
        %get3A_573 = arith.index_cast %add3A_572 : i32 to index
        %get3A_574 = tpu.vector_load %arg5[%get3A_573] {strides = array<i32>} : memref<10000xi32, #tpu.memory_space<vmem>>, vector<16xi32>,
        %get3A_575 = vector.shape_cast %get3A_574 : vector<16xi32> to vector<16xi32>
        %and3A_576 = arith.constant 65535 : i32
        %and3A_577 = vector.broadcast %and3A_576 : i32 to vector<16xi32>
        %and3A_578 = arith.andi %get3A_575, %and3A_577 : vector<16xi32>
        %swap3A_579 = arith.constant 0 : i32
        %swap3A_580 = arith.index_cast %swap3A_579 : i32 to index
        %swap3A_581 = arith.constant 16 : index
        %swap3A_582 = tpu.vector_load %arg8[%swap3A_580, %swap3A_581] {strides = array<i32>} : memref<2x80xi32, #tpu.memory_space<vmem>>, vector<1x16xi32>,
        %swap3A_583 = vector.shape_cast %swap3A_582 : vector<1x16xi32> to vector<16xi32>
        %swap3A_584 = vector.shape_cast %and3A_578 : vector<16xi32> to vector<1x16xi32>
        tpu.vector_store %arg8[%swap3A_580, %swap3A_581], %swap3A_584 {strides = array<i32>} : memref<2x80xi32, #tpu.memory_space<vmem>>, vector<1x16xi32>,
        %shift_right_logical3A_585 = arith.constant 16 : i32
        %shift_right_logical3A_586 = vector.broadcast %shift_right_logical3A_585 : i32 to vector<16xi32>
        %shift_right_logical3A_587 = arith.shrui %get3A_575, %shift_right_logical3A_586 : vector<16xi32>
        %swap3A_588 = arith.constant 1 : i32
        %swap3A_589 = arith.index_cast %swap3A_588 : i32 to index
        %swap3A_590 = arith.constant 16 : index
        %swap3A_591 = tpu.vector_load %arg8[%swap3A_589, %swap3A_590] {strides = array<i32>} : memref<2x80xi32, #tpu.memory_space<vmem>>, vector<1x16xi32>,
        %swap3A_592 = vector.shape_cast %swap3A_591 : vector<1x16xi32> to vector<16xi32>
        %swap3A_593 = vector.shape_cast %shift_right_logical3A_587 : vector<16xi32> to vector<1x16xi32>
        tpu.vector_store %arg8[%swap3A_589, %swap3A_590], %swap3A_593 {strides = array<i32>} : memref<2x80xi32, #tpu.memory_space<vmem>>, vector<1x16xi32>,
        %mul3A_594 = arith.constant 80 : i32
        %mul3A_595 = arith.muli %add3A_543, %mul3A_594 : i32
        %add3A_596 = arith.constant 32 : i32
        %add3A_597 = arith.addi %mul3A_595, %add3A_596 : i32
        %get3A_598 = arith.index_cast %add3A_597 : i32 to index
        %get3A_599 = tpu.vector_load %arg5[%get3A_598] {strides = array<i32>} : memref<10000xi32, #tpu.memory_space<vmem>>, vector<16xi32>,
        %get3A_600 = vector.shape_cast %get3A_599 : vector<16xi32> to vector<16xi32>
        %and3A_601 = arith.constant 65535 : i32
        %and3A_602 = vector.broadcast %and3A_601 : i32 to vector<16xi32>
        %and3A_603 = arith.andi %get3A_600, %and3A_602 : vector<16xi32>
        %swap3A_604 = arith.constant 0 : i32
        %swap3A_605 = arith.index_cast %swap3A_604 : i32 to index
        %swap3A_606 = arith.constant 32 : index
        %swap3A_607 = tpu.vector_load %arg8[%swap3A_605, %swap3A_606] {strides = array<i32>} : memref<2x80xi32, #tpu.memory_space<vmem>>, vector<1x16xi32>,
        %swap3A_608 = vector.shape_cast %swap3A_607 : vector<1x16xi32> to vector<16xi32>
        %swap3A_609 = vector.shape_cast %and3A_603 : vector<16xi32> to vector<1x16xi32>
        tpu.vector_store %arg8[%swap3A_605, %swap3A_606], %swap3A_609 {strides = array<i32>} : memref<2x80xi32, #tpu.memory_space<vmem>>, vector<1x16xi32>,
        %shift_right_logical3A_610 = arith.constant 16 : i32
        %shift_right_logical3A_611 = vector.broadcast %shift_right_logical3A_610 : i32 to vector<16xi32>
        %shift_right_logical3A_612 = arith.shrui %get3A_600, %shift_right_logical3A_611 : vector<16xi32>
        %swap3A_613 = arith.constant 1 : i32
        %swap3A_614 = arith.index_cast %swap3A_613 : i32 to index
        %swap3A_615 = arith.constant 32 : index
        %swap3A_616 = tpu.vector_load %arg8[%swap3A_614, %swap3A_615] {strides = array<i32>} : memref<2x80xi32, #tpu.memory_space<vmem>>, vector<1x16xi32>,
        %swap3A_617 = vector.shape_cast %swap3A_616 : vector<1x16xi32> to vector<16xi32>
        %swap3A_618 = vector.shape_cast %shift_right_logical3A_612 : vector<16xi32> to vector<1x16xi32>
        tpu.vector_store %arg8[%swap3A_614, %swap3A_615], %swap3A_618 {strides = array<i32>} : memref<2x80xi32, #tpu.memory_space<vmem>>, vector<1x16xi32>,
        %mul3A_619 = arith.constant 80 : i32
        %mul3A_620 = arith.muli %add3A_543, %mul3A_619 : i32
        %add3A_621 = arith.constant 48 : i32
        %add3A_622 = arith.addi %mul3A_620, %add3A_621 : i32
        %get3A_623 = arith.index_cast %add3A_622 : i32 to index
        %get3A_624 = tpu.vector_load %arg5[%get3A_623] {strides = array<i32>} : memref<10000xi32, #tpu.memory_space<vmem>>, vector<16xi32>,
        %get3A_625 = vector.shape_cast %get3A_624 : vector<16xi32> to vector<16xi32>
        %and3A_626 = arith.constant 65535 : i32
        %and3A_627 = vector.broadcast %and3A_626 : i32 to vector<16xi32>
        %and3A_628 = arith.andi %get3A_625, %and3A_627 : vector<16xi32>
        %swap3A_629 = arith.constant 0 : i32
        %swap3A_630 = arith.index_cast %swap3A_629 : i32 to index
        %swap3A_631 = arith.constant 48 : index
        %swap3A_632 = tpu.vector_load %arg8[%swap3A_630, %swap3A_631] {strides = array<i32>} : memref<2x80xi32, #tpu.memory_space<vmem>>, vector<1x16xi32>,
        %swap3A_633 = vector.shape_cast %swap3A_632 : vector<1x16xi32> to vector<16xi32>
        %swap3A_634 = vector.shape_cast %and3A_628 : vector<16xi32> to vector<1x16xi32>
        tpu.vector_store %arg8[%swap3A_630, %swap3A_631], %swap3A_634 {strides = array<i32>} : memref<2x80xi32, #tpu.memory_space<vmem>>, vector<1x16xi32>,
        %shift_right_logical3A_635 = arith.constant 16 : i32
        %shift_right_logical3A_636 = vector.broadcast %shift_right_logical3A_635 : i32 to vector<16xi32>
        %shift_right_logical3A_637 = arith.shrui %get3A_625, %shift_right_logical3A_636 : vector<16xi32>
        %swap3A_638 = arith.constant 1 : i32
        %swap3A_639 = arith.index_cast %swap3A_638 : i32 to index
        %swap3A_640 = arith.constant 48 : index
        %swap3A_641 = tpu.vector_load %arg8[%swap3A_639, %swap3A_640] {strides = array<i32>} : memref<2x80xi32, #tpu.memory_space<vmem>>, vector<1x16xi32>,
        %swap3A_642 = vector.shape_cast %swap3A_641 : vector<1x16xi32> to vector<16xi32>
        %swap3A_643 = vector.shape_cast %shift_right_logical3A_637 : vector<16xi32> to vector<1x16xi32>
        tpu.vector_store %arg8[%swap3A_639, %swap3A_640], %swap3A_643 {strides = array<i32>} : memref<2x80xi32, #tpu.memory_space<vmem>>, vector<1x16xi32>,
        %mul3A_644 = arith.constant 80 : i32
        %mul3A_645 = arith.muli %add3A_543, %mul3A_644 : i32
        %add3A_646 = arith.constant 64 : i32
        %add3A_647 = arith.addi %mul3A_645, %add3A_646 : i32
        %get3A_648 = arith.index_cast %add3A_647 : i32 to index
        %get3A_649 = tpu.vector_load %arg5[%get3A_648] {strides = array<i32>} : memref<10000xi32, #tpu.memory_space<vmem>>, vector<16xi32>,
        %get3A_650 = vector.shape_cast %get3A_649 : vector<16xi32> to vector<16xi32>
        %and3A_651 = arith.constant 65535 : i32
        %and3A_652 = vector.broadcast %and3A_651 : i32 to vector<16xi32>
        %and3A_653 = arith.andi %get3A_650, %and3A_652 : vector<16xi32>
        %swap3A_654 = arith.constant 0 : i32
        %swap3A_655 = arith.index_cast %swap3A_654 : i32 to index
        %swap3A_656 = arith.constant 64 : index
        %swap3A_657 = tpu.vector_load %arg8[%swap3A_655, %swap3A_656] {strides = array<i32>} : memref<2x80xi32, #tpu.memory_space<vmem>>, vector<1x16xi32>,
        %swap3A_658 = vector.shape_cast %swap3A_657 : vector<1x16xi32> to vector<16xi32>
        %swap3A_659 = vector.shape_cast %and3A_653 : vector<16xi32> to vector<1x16xi32>
        tpu.vector_store %arg8[%swap3A_655, %swap3A_656], %swap3A_659 {strides = array<i32>} : memref<2x80xi32, #tpu.memory_space<vmem>>, vector<1x16xi32>,
        %shift_right_logical3A_660 = arith.constant 16 : i32
        %shift_right_logical3A_661 = vector.broadcast %shift_right_logical3A_660 : i32 to vector<16xi32>
        %shift_right_logical3A_662 = arith.shrui %get3A_650, %shift_right_logical3A_661 : vector<16xi32>
        %swap3A_663 = arith.constant 1 : i32
        %swap3A_664 = arith.index_cast %swap3A_663 : i32 to index
        %swap3A_665 = arith.constant 64 : index
        %swap3A_666 = tpu.vector_load %arg8[%swap3A_664, %swap3A_665] {strides = array<i32>} : memref<2x80xi32, #tpu.memory_space<vmem>>, vector<1x16xi32>,
        %swap3A_667 = vector.shape_cast %swap3A_666 : vector<1x16xi32> to vector<16xi32>
        %swap3A_668 = vector.shape_cast %shift_right_logical3A_662 : vector<16xi32> to vector<1x16xi32>
        tpu.vector_store %arg8[%swap3A_664, %swap3A_665], %swap3A_668 {strides = array<i32>} : memref<2x80xi32, #tpu.memory_space<vmem>>, vector<1x16xi32>,
        %dma_start3A_669 = arith.constant 0 : i32
        %dma_start3A_670 = arith.constant 0 : i32
        %dma_start3A_671 = tpu.memref_slice %arg8[%dma_start3A_669, %dma_start3A_670] : memref<2x80xi32, #tpu.memory_space<vmem>> -> memref<1x80xi32, #tpu.memory_space<vmem>>
        %dma_start3A_672 = tpu.memref_squeeze %dma_start3A_671 : memref<1x80xi32, #tpu.memory_space<vmem>> -> memref<80xi32, #tpu.memory_space<vmem>>
        %dma_start3A_673 = arith.constant 0 : i32
        %dma_start3A_674 = arith.constant 0 : i32
        %dma_start3A_675 = tpu.memref_slice %arg2[%dma_start3A_673, %dma_start3A_674] : memref<10000x128xf32, #tpu.memory_space<hbm>> -> memref<10000x128xf32, #tpu.memory_space<hbm>>
        tpu.enqueue_indirect_dma source(%dma_start3A_675 : memref<10000x128xf32, #tpu.memory_space<hbm>>) target(%arg11 : memref<80x128xf32, #tpu.memory_space<vmem>>) offsets(%dma_start3A_672 : memref<80xi32, #tpu.memory_space<vmem>>) semaphore(%arg15 : memref<!tpu.dma_semaphore, #tpu.memory_space<semaphore_mem>>)
      } else {
      }
      %mul3A_497 = arith.constant 3 : i32
      %mul3A_498 = arith.muli %mul3A_497, %scan3A_481 : i32
      %add3A_499 = arith.constant 1 : i32
      %add3A_500 = arith.addi %mul3A_498, %add3A_499 : i32
      %lt3A_501 = arith.constant 125 : i32
      %lt3A_502 = arith.cmpi slt, %add3A_500, %lt3A_501 : i32
      %convert_element_type3A_503 = arith.extui %lt3A_502 : i1 to i32
      %cond3A_504 = arith.constant 0 : i32
      %cond3A_505 = arith.cmpi ne, %convert_element_type3A_503, %cond3A_504 : i32
      scf.if %cond3A_505 {
        %dma_wait3A_535 = arith.constant 0 : i32
        %dma_wait3A_536 = arith.constant 0 : i32
        %dma_wait3A_537 = tpu.memref_slice %arg7[%dma_wait3A_535, %dma_wait3A_536] : memref<2x80xi32, #tpu.memory_space<vmem>> -> memref<1x80xi32, #tpu.memory_space<vmem>>
        %dma_wait3A_538 = tpu.memref_squeeze %dma_wait3A_537 : memref<1x80xi32, #tpu.memory_space<vmem>> -> memref<80xi32, #tpu.memory_space<vmem>>
        %dma_wait3A_539 = arith.constant 0 : i32
        %dma_wait3A_540 = arith.constant 0 : i32
        %dma_wait3A_541 = tpu.memref_slice %arg2[%dma_wait3A_539, %dma_wait3A_540] : memref<10000x128xf32, #tpu.memory_space<hbm>> -> memref<10000x128xf32, #tpu.memory_space<hbm>>
        tpu.wait_indirect_dma semaphore(%arg14 : memref<!tpu.dma_semaphore, #tpu.memory_space<semaphore_mem>>) src(%dma_wait3A_541 : memref<10000x128xf32, #tpu.memory_space<hbm>>) dst(%arg10 : memref<80x128xf32, #tpu.memory_space<vmem>>)
        %dma_start3A_542 = arith.constant 1 : i32
        %dma_start3A_543 = arith.constant 0 : i32
        %dma_start3A_544 = tpu.memref_slice %arg7[%dma_start3A_542, %dma_start3A_543] : memref<2x80xi32, #tpu.memory_space<vmem>> -> memref<1x80xi32, #tpu.memory_space<vmem>>
        %dma_start3A_545 = tpu.memref_squeeze %dma_start3A_544 : memref<1x80xi32, #tpu.memory_space<vmem>> -> memref<80xi32, #tpu.memory_space<vmem>>
        %dma_start3A_546 = arith.constant 0 : i32
        %dma_start3A_547 = arith.constant 0 : i32
        %dma_start3A_548 = tpu.memref_slice %arg12[%dma_start3A_546, %dma_start3A_547] : memref<10112x128xf32, #tpu.memory_space<vmem_shared>> -> memref<10112x128xf32, #tpu.memory_space<vmem_shared>>
        tpu.enqueue_indirect_dma source(%arg10 : memref<80x128xf32, #tpu.memory_space<vmem>>) target(%dma_start3A_548 : memref<10112x128xf32, #tpu.memory_space<vmem_shared>>) offsets(%dma_start3A_545 : memref<80xi32, #tpu.memory_space<vmem>>) semaphore(%arg17 : memref<!tpu.dma_semaphore, #tpu.memory_space<semaphore_mem>>) {add = true}
      } else {
      }
      %ge3A_506 = arith.constant 1 : i32
      %ge3A_507 = arith.cmpi sge, %add3A_500, %ge3A_506 : i32
      %add3A_508 = arith.constant 2 : i32
      %add3A_509 = arith.addi %add3A_500, %add3A_508 : i32
      %lt3A_510 = arith.constant 125 : i32
      %lt3A_511 = arith.cmpi slt, %add3A_509, %lt3A_510 : i32
      %and3A_512 = arith.andi %ge3A_507, %lt3A_511 : i1
      %convert_element_type3A_513 = arith.extui %and3A_512 : i1 to i32
      %cond3A_514 = arith.constant 0 : i32
      %cond3A_515 = arith.cmpi ne, %convert_element_type3A_513, %cond3A_514 : i32
      scf.if %cond3A_515 {
        %dma_wait3A_535 = arith.constant 1 : i32
        %dma_wait3A_536 = arith.constant 0 : i32
        %dma_wait3A_537 = tpu.memref_slice %arg6[%dma_wait3A_535, %dma_wait3A_536] : memref<2x80xi32, #tpu.memory_space<vmem>> -> memref<1x80xi32, #tpu.memory_space<vmem>>
        %dma_wait3A_538 = tpu.memref_squeeze %dma_wait3A_537 : memref<1x80xi32, #tpu.memory_space<vmem>> -> memref<80xi32, #tpu.memory_space<vmem>>
        %dma_wait3A_539 = arith.constant 0 : i32
        %dma_wait3A_540 = arith.constant 0 : i32
        %dma_wait3A_541 = tpu.memref_slice %arg12[%dma_wait3A_539, %dma_wait3A_540] : memref<10112x128xf32, #tpu.memory_space<vmem_shared>> -> memref<10112x128xf32, #tpu.memory_space<vmem_shared>>
        tpu.wait_indirect_dma semaphore(%arg16 : memref<!tpu.dma_semaphore, #tpu.memory_space<semaphore_mem>>) src(%arg9 : memref<80x128xf32, #tpu.memory_space<vmem>>) dst(%dma_wait3A_541 : memref<10112x128xf32, #tpu.memory_space<vmem_shared>>)
        %add3A_542 = arith.constant 2 : i32
        %add3A_543 = arith.addi %add3A_500, %add3A_542 : i32
        %mul3A_544 = arith.constant 80 : i32
        %mul3A_545 = arith.muli %add3A_543, %mul3A_544 : i32
        %add3A_546 = arith.constant 0 : i32
        %add3A_547 = arith.addi %mul3A_545, %add3A_546 : i32
        %get3A_548 = arith.index_cast %add3A_547 : i32 to index
        %get3A_549 = tpu.vector_load %arg5[%get3A_548] {strides = array<i32>} : memref<10000xi32, #tpu.memory_space<vmem>>, vector<16xi32>,
        %get3A_550 = vector.shape_cast %get3A_549 : vector<16xi32> to vector<16xi32>
        %and3A_551 = arith.constant 65535 : i32
        %and3A_552 = vector.broadcast %and3A_551 : i32 to vector<16xi32>
        %and3A_553 = arith.andi %get3A_550, %and3A_552 : vector<16xi32>
        %swap3A_554 = arith.constant 0 : i32
        %swap3A_555 = arith.index_cast %swap3A_554 : i32 to index
        %swap3A_556 = arith.constant 0 : index
        %swap3A_557 = tpu.vector_load %arg6[%swap3A_555, %swap3A_556] {strides = array<i32>} : memref<2x80xi32, #tpu.memory_space<vmem>>, vector<1x16xi32>,
        %swap3A_558 = vector.shape_cast %swap3A_557 : vector<1x16xi32> to vector<16xi32>
        %swap3A_559 = vector.shape_cast %and3A_553 : vector<16xi32> to vector<1x16xi32>
        tpu.vector_store %arg6[%swap3A_555, %swap3A_556], %swap3A_559 {strides = array<i32>} : memref<2x80xi32, #tpu.memory_space<vmem>>, vector<1x16xi32>,
        %shift_right_logical3A_560 = arith.constant 16 : i32
        %shift_right_logical3A_561 = vector.broadcast %shift_right_logical3A_560 : i32 to vector<16xi32>
        %shift_right_logical3A_562 = arith.shrui %get3A_550, %shift_right_logical3A_561 : vector<16xi32>
        %swap3A_563 = arith.constant 1 : i32
        %swap3A_564 = arith.index_cast %swap3A_563 : i32 to index
        %swap3A_565 = arith.constant 0 : index
        %swap3A_566 = tpu.vector_load %arg6[%swap3A_564, %swap3A_565] {strides = array<i32>} : memref<2x80xi32, #tpu.memory_space<vmem>>, vector<1x16xi32>,
        %swap3A_567 = vector.shape_cast %swap3A_566 : vector<1x16xi32> to vector<16xi32>
        %swap3A_568 = vector.shape_cast %shift_right_logical3A_562 : vector<16xi32> to vector<1x16xi32>
        tpu.vector_store %arg6[%swap3A_564, %swap3A_565], %swap3A_568 {strides = array<i32>} : memref<2x80xi32, #tpu.memory_space<vmem>>, vector<1x16xi32>,
        %mul3A_569 = arith.constant 80 : i32
        %mul3A_570 = arith.muli %add3A_543, %mul3A_569 : i32
        %add3A_571 = arith.constant 16 : i32
        %add3A_572 = arith.addi %mul3A_570, %add3A_571 : i32
        %get3A_573 = arith.index_cast %add3A_572 : i32 to index
        %get3A_574 = tpu.vector_load %arg5[%get3A_573] {strides = array<i32>} : memref<10000xi32, #tpu.memory_space<vmem>>, vector<16xi32>,
        %get3A_575 = vector.shape_cast %get3A_574 : vector<16xi32> to vector<16xi32>
        %and3A_576 = arith.constant 65535 : i32
        %and3A_577 = vector.broadcast %and3A_576 : i32 to vector<16xi32>
        %and3A_578 = arith.andi %get3A_575, %and3A_577 : vector<16xi32>
        %swap3A_579 = arith.constant 0 : i32
        %swap3A_580 = arith.index_cast %swap3A_579 : i32 to index
        %swap3A_581 = arith.constant 16 : index
        %swap3A_582 = tpu.vector_load %arg6[%swap3A_580, %swap3A_581] {strides = array<i32>} : memref<2x80xi32, #tpu.memory_space<vmem>>, vector<1x16xi32>,
        %swap3A_583 = vector.shape_cast %swap3A_582 : vector<1x16xi32> to vector<16xi32>
        %swap3A_584 = vector.shape_cast %and3A_578 : vector<16xi32> to vector<1x16xi32>
        tpu.vector_store %arg6[%swap3A_580, %swap3A_581], %swap3A_584 {strides = array<i32>} : memref<2x80xi32, #tpu.memory_space<vmem>>, vector<1x16xi32>,
        %shift_right_logical3A_585 = arith.constant 16 : i32
        %shift_right_logical3A_586 = vector.broadcast %shift_right_logical3A_585 : i32 to vector<16xi32>
        %shift_right_logical3A_587 = arith.shrui %get3A_575, %shift_right_logical3A_586 : vector<16xi32>
        %swap3A_588 = arith.constant 1 : i32
        %swap3A_589 = arith.index_cast %swap3A_588 : i32 to index
        %swap3A_590 = arith.constant 16 : index
        %swap3A_591 = tpu.vector_load %arg6[%swap3A_589, %swap3A_590] {strides = array<i32>} : memref<2x80xi32, #tpu.memory_space<vmem>>, vector<1x16xi32>,
        %swap3A_592 = vector.shape_cast %swap3A_591 : vector<1x16xi32> to vector<16xi32>
        %swap3A_593 = vector.shape_cast %shift_right_logical3A_587 : vector<16xi32> to vector<1x16xi32>
        tpu.vector_store %arg6[%swap3A_589, %swap3A_590], %swap3A_593 {strides = array<i32>} : memref<2x80xi32, #tpu.memory_space<vmem>>, vector<1x16xi32>,
        %mul3A_594 = arith.constant 80 : i32
        %mul3A_595 = arith.muli %add3A_543, %mul3A_594 : i32
        %add3A_596 = arith.constant 32 : i32
        %add3A_597 = arith.addi %mul3A_595, %add3A_596 : i32
        %get3A_598 = arith.index_cast %add3A_597 : i32 to index
        %get3A_599 = tpu.vector_load %arg5[%get3A_598] {strides = array<i32>} : memref<10000xi32, #tpu.memory_space<vmem>>, vector<16xi32>,
        %get3A_600 = vector.shape_cast %get3A_599 : vector<16xi32> to vector<16xi32>
        %and3A_601 = arith.constant 65535 : i32
        %and3A_602 = vector.broadcast %and3A_601 : i32 to vector<16xi32>
        %and3A_603 = arith.andi %get3A_600, %and3A_602 : vector<16xi32>
        %swap3A_604 = arith.constant 0 : i32
        %swap3A_605 = arith.index_cast %swap3A_604 : i32 to index
        %swap3A_606 = arith.constant 32 : index
        %swap3A_607 = tpu.vector_load %arg6[%swap3A_605, %swap3A_606] {strides = array<i32>} : memref<2x80xi32, #tpu.memory_space<vmem>>, vector<1x16xi32>,
        %swap3A_608 = vector.shape_cast %swap3A_607 : vector<1x16xi32> to vector<16xi32>
        %swap3A_609 = vector.shape_cast %and3A_603 : vector<16xi32> to vector<1x16xi32>
        tpu.vector_store %arg6[%swap3A_605, %swap3A_606], %swap3A_609 {strides = array<i32>} : memref<2x80xi32, #tpu.memory_space<vmem>>, vector<1x16xi32>,
        %shift_right_logical3A_610 = arith.constant 16 : i32
        %shift_right_logical3A_611 = vector.broadcast %shift_right_logical3A_610 : i32 to vector<16xi32>
        %shift_right_logical3A_612 = arith.shrui %get3A_600, %shift_right_logical3A_611 : vector<16xi32>
        %swap3A_613 = arith.constant 1 : i32
        %swap3A_614 = arith.index_cast %swap3A_613 : i32 to index
        %swap3A_615 = arith.constant 32 : index
        %swap3A_616 = tpu.vector_load %arg6[%swap3A_614, %swap3A_615] {strides = array<i32>} : memref<2x80xi32, #tpu.memory_space<vmem>>, vector<1x16xi32>,
        %swap3A_617 = vector.shape_cast %swap3A_616 : vector<1x16xi32> to vector<16xi32>
        %swap3A_618 = vector.shape_cast %shift_right_logical3A_612 : vector<16xi32> to vector<1x16xi32>
        tpu.vector_store %arg6[%swap3A_614, %swap3A_615], %swap3A_618 {strides = array<i32>} : memref<2x80xi32, #tpu.memory_space<vmem>>, vector<1x16xi32>,
        %mul3A_619 = arith.constant 80 : i32
        %mul3A_620 = arith.muli %add3A_543, %mul3A_619 : i32
        %add3A_621 = arith.constant 48 : i32
        %add3A_622 = arith.addi %mul3A_620, %add3A_621 : i32
        %get3A_623 = arith.index_cast %add3A_622 : i32 to index
        %get3A_624 = tpu.vector_load %arg5[%get3A_623] {strides = array<i32>} : memref<10000xi32, #tpu.memory_space<vmem>>, vector<16xi32>,
        %get3A_625 = vector.shape_cast %get3A_624 : vector<16xi32> to vector<16xi32>
        %and3A_626 = arith.constant 65535 : i32
        %and3A_627 = vector.broadcast %and3A_626 : i32 to vector<16xi32>
        %and3A_628 = arith.andi %get3A_625, %and3A_627 : vector<16xi32>
        %swap3A_629 = arith.constant 0 : i32
        %swap3A_630 = arith.index_cast %swap3A_629 : i32 to index
        %swap3A_631 = arith.constant 48 : index
        %swap3A_632 = tpu.vector_load %arg6[%swap3A_630, %swap3A_631] {strides = array<i32>} : memref<2x80xi32, #tpu.memory_space<vmem>>, vector<1x16xi32>,
        %swap3A_633 = vector.shape_cast %swap3A_632 : vector<1x16xi32> to vector<16xi32>
        %swap3A_634 = vector.shape_cast %and3A_628 : vector<16xi32> to vector<1x16xi32>
        tpu.vector_store %arg6[%swap3A_630, %swap3A_631], %swap3A_634 {strides = array<i32>} : memref<2x80xi32, #tpu.memory_space<vmem>>, vector<1x16xi32>,
        %shift_right_logical3A_635 = arith.constant 16 : i32
        %shift_right_logical3A_636 = vector.broadcast %shift_right_logical3A_635 : i32 to vector<16xi32>
        %shift_right_logical3A_637 = arith.shrui %get3A_625, %shift_right_logical3A_636 : vector<16xi32>
        %swap3A_638 = arith.constant 1 : i32
        %swap3A_639 = arith.index_cast %swap3A_638 : i32 to index
        %swap3A_640 = arith.constant 48 : index
        %swap3A_641 = tpu.vector_load %arg6[%swap3A_639, %swap3A_640] {strides = array<i32>} : memref<2x80xi32, #tpu.memory_space<vmem>>, vector<1x16xi32>,
        %swap3A_642 = vector.shape_cast %swap3A_641 : vector<1x16xi32> to vector<16xi32>
        %swap3A_643 = vector.shape_cast %shift_right_logical3A_637 : vector<16xi32> to vector<1x16xi32>
        tpu.vector_store %arg6[%swap3A_639, %swap3A_640], %swap3A_643 {strides = array<i32>} : memref<2x80xi32, #tpu.memory_space<vmem>>, vector<1x16xi32>,
        %mul3A_644 = arith.constant 80 : i32
        %mul3A_645 = arith.muli %add3A_543, %mul3A_644 : i32
        %add3A_646 = arith.constant 64 : i32
        %add3A_647 = arith.addi %mul3A_645, %add3A_646 : i32
        %get3A_648 = arith.index_cast %add3A_647 : i32 to index
        %get3A_649 = tpu.vector_load %arg5[%get3A_648] {strides = array<i32>} : memref<10000xi32, #tpu.memory_space<vmem>>, vector<16xi32>,
        %get3A_650 = vector.shape_cast %get3A_649 : vector<16xi32> to vector<16xi32>
        %and3A_651 = arith.constant 65535 : i32
        %and3A_652 = vector.broadcast %and3A_651 : i32 to vector<16xi32>
        %and3A_653 = arith.andi %get3A_650, %and3A_652 : vector<16xi32>
        %swap3A_654 = arith.constant 0 : i32
        %swap3A_655 = arith.index_cast %swap3A_654 : i32 to index
        %swap3A_656 = arith.constant 64 : index
        %swap3A_657 = tpu.vector_load %arg6[%swap3A_655, %swap3A_656] {strides = array<i32>} : memref<2x80xi32, #tpu.memory_space<vmem>>, vector<1x16xi32>,
        %swap3A_658 = vector.shape_cast %swap3A_657 : vector<1x16xi32> to vector<16xi32>
        %swap3A_659 = vector.shape_cast %and3A_653 : vector<16xi32> to vector<1x16xi32>
        tpu.vector_store %arg6[%swap3A_655, %swap3A_656], %swap3A_659 {strides = array<i32>} : memref<2x80xi32, #tpu.memory_space<vmem>>, vector<1x16xi32>,
        %shift_right_logical3A_660 = arith.constant 16 : i32
        %shift_right_logical3A_661 = vector.broadcast %shift_right_logical3A_660 : i32 to vector<16xi32>
        %shift_right_logical3A_662 = arith.shrui %get3A_650, %shift_right_logical3A_661 : vector<16xi32>
        %swap3A_663 = arith.constant 1 : i32
        %swap3A_664 = arith.index_cast %swap3A_663 : i32 to index
        %swap3A_665 = arith.constant 64 : index
        %swap3A_666 = tpu.vector_load %arg6[%swap3A_664, %swap3A_665] {strides = array<i32>} : memref<2x80xi32, #tpu.memory_space<vmem>>, vector<1x16xi32>,
        %swap3A_667 = vector.shape_cast %swap3A_666 : vector<1x16xi32> to vector<16xi32>
        %swap3A_668 = vector.shape_cast %shift_right_logical3A_662 : vector<16xi32> to vector<1x16xi32>
        tpu.vector_store %arg6[%swap3A_664, %swap3A_665], %swap3A_668 {strides = array<i32>} : memref<2x80xi32, #tpu.memory_space<vmem>>, vector<1x16xi32>,
        %dma_start3A_669 = arith.constant 0 : i32
        %dma_start3A_670 = arith.constant 0 : i32
        %dma_start3A_671 = tpu.memref_slice %arg6[%dma_start3A_669, %dma_start3A_670] : memref<2x80xi32, #tpu.memory_space<vmem>> -> memref<1x80xi32, #tpu.memory_space<vmem>>
        %dma_start3A_672 = tpu.memref_squeeze %dma_start3A_671 : memref<1x80xi32, #tpu.memory_space<vmem>> -> memref<80xi32, #tpu.memory_space<vmem>>
        %dma_start3A_673 = arith.constant 0 : i32
        %dma_start3A_674 = arith.constant 0 : i32
        %dma_start3A_675 = tpu.memref_slice %arg2[%dma_start3A_673, %dma_start3A_674] : memref<10000x128xf32, #tpu.memory_space<hbm>> -> memref<10000x128xf32, #tpu.memory_space<hbm>>
        tpu.enqueue_indirect_dma source(%dma_start3A_675 : memref<10000x128xf32, #tpu.memory_space<hbm>>) target(%arg9 : memref<80x128xf32, #tpu.memory_space<vmem>>) offsets(%dma_start3A_672 : memref<80xi32, #tpu.memory_space<vmem>>) semaphore(%arg13 : memref<!tpu.dma_semaphore, #tpu.memory_space<semaphore_mem>>)
      } else {
      }
      %mul3A_516 = arith.constant 3 : i32
      %mul3A_517 = arith.muli %mul3A_516, %scan3A_481 : i32
      %add3A_518 = arith.constant 2 : i32
      %add3A_519 = arith.addi %mul3A_517, %add3A_518 : i32
      %lt3A_520 = arith.constant 125 : i32
      %lt3A_521 = arith.cmpi slt, %add3A_519, %lt3A_520 : i32
      %convert_element_type3A_522 = arith.extui %lt3A_521 : i1 to i32
      %cond3A_523 = arith.constant 0 : i32
      %cond3A_524 = arith.cmpi ne, %convert_element_type3A_522, %cond3A_523 : i32
      scf.if %cond3A_524 {
        %dma_wait3A_535 = arith.constant 0 : i32
        %dma_wait3A_536 = arith.constant 0 : i32
        %dma_wait3A_537 = tpu.memref_slice %arg8[%dma_wait3A_535, %dma_wait3A_536] : memref<2x80xi32, #tpu.memory_space<vmem>> -> memref<1x80xi32, #tpu.memory_space<vmem>>
        %dma_wait3A_538 = tpu.memref_squeeze %dma_wait3A_537 : memref<1x80xi32, #tpu.memory_space<vmem>> -> memref<80xi32, #tpu.memory_space<vmem>>
        %dma_wait3A_539 = arith.constant 0 : i32
        %dma_wait3A_540 = arith.constant 0 : i32
        %dma_wait3A_541 = tpu.memref_slice %arg2[%dma_wait3A_539, %dma_wait3A_540] : memref<10000x128xf32, #tpu.memory_space<hbm>> -> memref<10000x128xf32, #tpu.memory_space<hbm>>
        tpu.wait_indirect_dma semaphore(%arg15 : memref<!tpu.dma_semaphore, #tpu.memory_space<semaphore_mem>>) src(%dma_wait3A_541 : memref<10000x128xf32, #tpu.memory_space<hbm>>) dst(%arg11 : memref<80x128xf32, #tpu.memory_space<vmem>>)
        %dma_start3A_542 = arith.constant 1 : i32
        %dma_start3A_543 = arith.constant 0 : i32
        %dma_start3A_544 = tpu.memref_slice %arg8[%dma_start3A_542, %dma_start3A_543] : memref<2x80xi32, #tpu.memory_space<vmem>> -> memref<1x80xi32, #tpu.memory_space<vmem>>
        %dma_start3A_545 = tpu.memref_squeeze %dma_start3A_544 : memref<1x80xi32, #tpu.memory_space<vmem>> -> memref<80xi32, #tpu.memory_space<vmem>>
        %dma_start3A_546 = arith.constant 0 : i32
        %dma_start3A_547 = arith.constant 0 : i32
        %dma_start3A_548 = tpu.memref_slice %arg12[%dma_start3A_546, %dma_start3A_547] : memref<10112x128xf32, #tpu.memory_space<vmem_shared>> -> memref<10112x128xf32, #tpu.memory_space<vmem_shared>>
        tpu.enqueue_indirect_dma source(%arg11 : memref<80x128xf32, #tpu.memory_space<vmem>>) target(%dma_start3A_548 : memref<10112x128xf32, #tpu.memory_space<vmem_shared>>) offsets(%dma_start3A_545 : memref<80xi32, #tpu.memory_space<vmem>>) semaphore(%arg18 : memref<!tpu.dma_semaphore, #tpu.memory_space<semaphore_mem>>) {add = true}
      } else {
      }
      %ge3A_525 = arith.constant 1 : i32
      %ge3A_526 = arith.cmpi sge, %add3A_519, %ge3A_525 : i32
      %add3A_527 = arith.constant 2 : i32
      %add3A_528 = arith.addi %add3A_519, %add3A_527 : i32
      %lt3A_529 = arith.constant 125 : i32
      %lt3A_530 = arith.cmpi slt, %add3A_528, %lt3A_529 : i32
      %and3A_531 = arith.andi %ge3A_526, %lt3A_530 : i1
      %convert_element_type3A_532 = arith.extui %and3A_531 : i1 to i32
      %cond3A_533 = arith.constant 0 : i32
      %cond3A_534 = arith.cmpi ne, %convert_element_type3A_532, %cond3A_533 : i32
      scf.if %cond3A_534 {
        %dma_wait3A_535 = arith.constant 1 : i32
        %dma_wait3A_536 = arith.constant 0 : i32
        %dma_wait3A_537 = tpu.memref_slice %arg7[%dma_wait3A_535, %dma_wait3A_536] : memref<2x80xi32, #tpu.memory_space<vmem>> -> memref<1x80xi32, #tpu.memory_space<vmem>>
        %dma_wait3A_538 = tpu.memref_squeeze %dma_wait3A_537 : memref<1x80xi32, #tpu.memory_space<vmem>> -> memref<80xi32, #tpu.memory_space<vmem>>
        %dma_wait3A_539 = arith.constant 0 : i32
        %dma_wait3A_540 = arith.constant 0 : i32
        %dma_wait3A_541 = tpu.memref_slice %arg12[%dma_wait3A_539, %dma_wait3A_540] : memref<10112x128xf32, #tpu.memory_space<vmem_shared>> -> memref<10112x128xf32, #tpu.memory_space<vmem_shared>>
        tpu.wait_indirect_dma semaphore(%arg17 : memref<!tpu.dma_semaphore, #tpu.memory_space<semaphore_mem>>) src(%arg10 : memref<80x128xf32, #tpu.memory_space<vmem>>) dst(%dma_wait3A_541 : memref<10112x128xf32, #tpu.memory_space<vmem_shared>>)
        %add3A_542 = arith.constant 2 : i32
        %add3A_543 = arith.addi %add3A_519, %add3A_542 : i32
        %mul3A_544 = arith.constant 80 : i32
        %mul3A_545 = arith.muli %add3A_543, %mul3A_544 : i32
        %add3A_546 = arith.constant 0 : i32
        %add3A_547 = arith.addi %mul3A_545, %add3A_546 : i32
        %get3A_548 = arith.index_cast %add3A_547 : i32 to index
        %get3A_549 = tpu.vector_load %arg5[%get3A_548] {strides = array<i32>} : memref<10000xi32, #tpu.memory_space<vmem>>, vector<16xi32>,
        %get3A_550 = vector.shape_cast %get3A_549 : vector<16xi32> to vector<16xi32>
        %and3A_551 = arith.constant 65535 : i32
        %and3A_552 = vector.broadcast %and3A_551 : i32 to vector<16xi32>
        %and3A_553 = arith.andi %get3A_550, %and3A_552 : vector<16xi32>
        %swap3A_554 = arith.constant 0 : i32
        %swap3A_555 = arith.index_cast %swap3A_554 : i32 to index
        %swap3A_556 = arith.constant 0 : index
        %swap3A_557 = tpu.vector_load %arg7[%swap3A_555, %swap3A_556] {strides = array<i32>} : memref<2x80xi32, #tpu.memory_space<vmem>>, vector<1x16xi32>,
        %swap3A_558 = vector.shape_cast %swap3A_557 : vector<1x16xi32> to vector<16xi32>
        %swap3A_559 = vector.shape_cast %and3A_553 : vector<16xi32> to vector<1x16xi32>
        tpu.vector_store %arg7[%swap3A_555, %swap3A_556], %swap3A_559 {strides = array<i32>} : memref<2x80xi32, #tpu.memory_space<vmem>>, vector<1x16xi32>,
        %shift_right_logical3A_560 = arith.constant 16 : i32
        %shift_right_logical3A_561 = vector.broadcast %shift_right_logical3A_560 : i32 to vector<16xi32>
        %shift_right_logical3A_562 = arith.shrui %get3A_550, %shift_right_logical3A_561 : vector<16xi32>
        %swap3A_563 = arith.constant 1 : i32
        %swap3A_564 = arith.index_cast %swap3A_563 : i32 to index
        %swap3A_565 = arith.constant 0 : index
        %swap3A_566 = tpu.vector_load %arg7[%swap3A_564, %swap3A_565] {strides = array<i32>} : memref<2x80xi32, #tpu.memory_space<vmem>>, vector<1x16xi32>,
        %swap3A_567 = vector.shape_cast %swap3A_566 : vector<1x16xi32> to vector<16xi32>
        %swap3A_568 = vector.shape_cast %shift_right_logical3A_562 : vector<16xi32> to vector<1x16xi32>
        tpu.vector_store %arg7[%swap3A_564, %swap3A_565], %swap3A_568 {strides = array<i32>} : memref<2x80xi32, #tpu.memory_space<vmem>>, vector<1x16xi32>,
        %mul3A_569 = arith.constant 80 : i32
        %mul3A_570 = arith.muli %add3A_543, %mul3A_569 : i32
        %add3A_571 = arith.constant 16 : i32
        %add3A_572 = arith.addi %mul3A_570, %add3A_571 : i32
        %get3A_573 = arith.index_cast %add3A_572 : i32 to index
        %get3A_574 = tpu.vector_load %arg5[%get3A_573] {strides = array<i32>} : memref<10000xi32, #tpu.memory_space<vmem>>, vector<16xi32>,
        %get3A_575 = vector.shape_cast %get3A_574 : vector<16xi32> to vector<16xi32>
        %and3A_576 = arith.constant 65535 : i32
        %and3A_577 = vector.broadcast %and3A_576 : i32 to vector<16xi32>
        %and3A_578 = arith.andi %get3A_575, %and3A_577 : vector<16xi32>
        %swap3A_579 = arith.constant 0 : i32
        %swap3A_580 = arith.index_cast %swap3A_579 : i32 to index
        %swap3A_581 = arith.constant 16 : index
        %swap3A_582 = tpu.vector_load %arg7[%swap3A_580, %swap3A_581] {strides = array<i32>} : memref<2x80xi32, #tpu.memory_space<vmem>>, vector<1x16xi32>,
        %swap3A_583 = vector.shape_cast %swap3A_582 : vector<1x16xi32> to vector<16xi32>
        %swap3A_584 = vector.shape_cast %and3A_578 : vector<16xi32> to vector<1x16xi32>
        tpu.vector_store %arg7[%swap3A_580, %swap3A_581], %swap3A_584 {strides = array<i32>} : memref<2x80xi32, #tpu.memory_space<vmem>>, vector<1x16xi32>,
        %shift_right_logical3A_585 = arith.constant 16 : i32
        %shift_right_logical3A_586 = vector.broadcast %shift_right_logical3A_585 : i32 to vector<16xi32>
        %shift_right_logical3A_587 = arith.shrui %get3A_575, %shift_right_logical3A_586 : vector<16xi32>
        %swap3A_588 = arith.constant 1 : i32
        %swap3A_589 = arith.index_cast %swap3A_588 : i32 to index
        %swap3A_590 = arith.constant 16 : index
        %swap3A_591 = tpu.vector_load %arg7[%swap3A_589, %swap3A_590] {strides = array<i32>} : memref<2x80xi32, #tpu.memory_space<vmem>>, vector<1x16xi32>,
        %swap3A_592 = vector.shape_cast %swap3A_591 : vector<1x16xi32> to vector<16xi32>
        %swap3A_593 = vector.shape_cast %shift_right_logical3A_587 : vector<16xi32> to vector<1x16xi32>
        tpu.vector_store %arg7[%swap3A_589, %swap3A_590], %swap3A_593 {strides = array<i32>} : memref<2x80xi32, #tpu.memory_space<vmem>>, vector<1x16xi32>,
        %mul3A_594 = arith.constant 80 : i32
        %mul3A_595 = arith.muli %add3A_543, %mul3A_594 : i32
        %add3A_596 = arith.constant 32 : i32
        %add3A_597 = arith.addi %mul3A_595, %add3A_596 : i32
        %get3A_598 = arith.index_cast %add3A_597 : i32 to index
        %get3A_599 = tpu.vector_load %arg5[%get3A_598] {strides = array<i32>} : memref<10000xi32, #tpu.memory_space<vmem>>, vector<16xi32>,
        %get3A_600 = vector.shape_cast %get3A_599 : vector<16xi32> to vector<16xi32>
        %and3A_601 = arith.constant 65535 : i32
        %and3A_602 = vector.broadcast %and3A_601 : i32 to vector<16xi32>
        %and3A_603 = arith.andi %get3A_600, %and3A_602 : vector<16xi32>
        %swap3A_604 = arith.constant 0 : i32
        %swap3A_605 = arith.index_cast %swap3A_604 : i32 to index
        %swap3A_606 = arith.constant 32 : index
        %swap3A_607 = tpu.vector_load %arg7[%swap3A_605, %swap3A_606] {strides = array<i32>} : memref<2x80xi32, #tpu.memory_space<vmem>>, vector<1x16xi32>,
        %swap3A_608 = vector.shape_cast %swap3A_607 : vector<1x16xi32> to vector<16xi32>
        %swap3A_609 = vector.shape_cast %and3A_603 : vector<16xi32> to vector<1x16xi32>
        tpu.vector_store %arg7[%swap3A_605, %swap3A_606], %swap3A_609 {strides = array<i32>} : memref<2x80xi32, #tpu.memory_space<vmem>>, vector<1x16xi32>,
        %shift_right_logical3A_610 = arith.constant 16 : i32
        %shift_right_logical3A_611 = vector.broadcast %shift_right_logical3A_610 : i32 to vector<16xi32>
        %shift_right_logical3A_612 = arith.shrui %get3A_600, %shift_right_logical3A_611 : vector<16xi32>
        %swap3A_613 = arith.constant 1 : i32
        %swap3A_614 = arith.index_cast %swap3A_613 : i32 to index
        %swap3A_615 = arith.constant 32 : index
        %swap3A_616 = tpu.vector_load %arg7[%swap3A_614, %swap3A_615] {strides = array<i32>} : memref<2x80xi32, #tpu.memory_space<vmem>>, vector<1x16xi32>,
        %swap3A_617 = vector.shape_cast %swap3A_616 : vector<1x16xi32> to vector<16xi32>
        %swap3A_618 = vector.shape_cast %shift_right_logical3A_612 : vector<16xi32> to vector<1x16xi32>
        tpu.vector_store %arg7[%swap3A_614, %swap3A_615], %swap3A_618 {strides = array<i32>} : memref<2x80xi32, #tpu.memory_space<vmem>>, vector<1x16xi32>,
        %mul3A_619 = arith.constant 80 : i32
        %mul3A_620 = arith.muli %add3A_543, %mul3A_619 : i32
        %add3A_621 = arith.constant 48 : i32
        %add3A_622 = arith.addi %mul3A_620, %add3A_621 : i32
        %get3A_623 = arith.index_cast %add3A_622 : i32 to index
        %get3A_624 = tpu.vector_load %arg5[%get3A_623] {strides = array<i32>} : memref<10000xi32, #tpu.memory_space<vmem>>, vector<16xi32>,
        %get3A_625 = vector.shape_cast %get3A_624 : vector<16xi32> to vector<16xi32>
        %and3A_626 = arith.constant 65535 : i32
        %and3A_627 = vector.broadcast %and3A_626 : i32 to vector<16xi32>
        %and3A_628 = arith.andi %get3A_625, %and3A_627 : vector<16xi32>
        %swap3A_629 = arith.constant 0 : i32
        %swap3A_630 = arith.index_cast %swap3A_629 : i32 to index
        %swap3A_631 = arith.constant 48 : index
        %swap3A_632 = tpu.vector_load %arg7[%swap3A_630, %swap3A_631] {strides = array<i32>} : memref<2x80xi32, #tpu.memory_space<vmem>>, vector<1x16xi32>,
        %swap3A_633 = vector.shape_cast %swap3A_632 : vector<1x16xi32> to vector<16xi32>
        %swap3A_634 = vector.shape_cast %and3A_628 : vector<16xi32> to vector<1x16xi32>
        tpu.vector_store %arg7[%swap3A_630, %swap3A_631], %swap3A_634 {strides = array<i32>} : memref<2x80xi32, #tpu.memory_space<vmem>>, vector<1x16xi32>,
        %shift_right_logical3A_635 = arith.constant 16 : i32
        %shift_right_logical3A_636 = vector.broadcast %shift_right_logical3A_635 : i32 to vector<16xi32>
        %shift_right_logical3A_637 = arith.shrui %get3A_625, %shift_right_logical3A_636 : vector<16xi32>
        %swap3A_638 = arith.constant 1 : i32
        %swap3A_639 = arith.index_cast %swap3A_638 : i32 to index
        %swap3A_640 = arith.constant 48 : index
        %swap3A_641 = tpu.vector_load %arg7[%swap3A_639, %swap3A_640] {strides = array<i32>} : memref<2x80xi32, #tpu.memory_space<vmem>>, vector<1x16xi32>,
        %swap3A_642 = vector.shape_cast %swap3A_641 : vector<1x16xi32> to vector<16xi32>
        %swap3A_643 = vector.shape_cast %shift_right_logical3A_637 : vector<16xi32> to vector<1x16xi32>
        tpu.vector_store %arg7[%swap3A_639, %swap3A_640], %swap3A_643 {strides = array<i32>} : memref<2x80xi32, #tpu.memory_space<vmem>>, vector<1x16xi32>,
        %mul3A_644 = arith.constant 80 : i32
        %mul3A_645 = arith.muli %add3A_543, %mul3A_644 : i32
        %add3A_646 = arith.constant 64 : i32
        %add3A_647 = arith.addi %mul3A_645, %add3A_646 : i32
        %get3A_648 = arith.index_cast %add3A_647 : i32 to index
        %get3A_649 = tpu.vector_load %arg5[%get3A_648] {strides = array<i32>} : memref<10000xi32, #tpu.memory_space<vmem>>, vector<16xi32>,
        %get3A_650 = vector.shape_cast %get3A_649 : vector<16xi32> to vector<16xi32>
        %and3A_651 = arith.constant 65535 : i32
        %and3A_652 = vector.broadcast %and3A_651 : i32 to vector<16xi32>
        %and3A_653 = arith.andi %get3A_650, %and3A_652 : vector<16xi32>
        %swap3A_654 = arith.constant 0 : i32
        %swap3A_655 = arith.index_cast %swap3A_654 : i32 to index
        %swap3A_656 = arith.constant 64 : index
        %swap3A_657 = tpu.vector_load %arg7[%swap3A_655, %swap3A_656] {strides = array<i32>} : memref<2x80xi32, #tpu.memory_space<vmem>>, vector<1x16xi32>,
        %swap3A_658 = vector.shape_cast %swap3A_657 : vector<1x16xi32> to vector<16xi32>
        %swap3A_659 = vector.shape_cast %and3A_653 : vector<16xi32> to vector<1x16xi32>
        tpu.vector_store %arg7[%swap3A_655, %swap3A_656], %swap3A_659 {strides = array<i32>} : memref<2x80xi32, #tpu.memory_space<vmem>>, vector<1x16xi32>,
        %shift_right_logical3A_660 = arith.constant 16 : i32
        %shift_right_logical3A_661 = vector.broadcast %shift_right_logical3A_660 : i32 to vector<16xi32>
        %shift_right_logical3A_662 = arith.shrui %get3A_650, %shift_right_logical3A_661 : vector<16xi32>
        %swap3A_663 = arith.constant 1 : i32
        %swap3A_664 = arith.index_cast %swap3A_663 : i32 to index
        %swap3A_665 = arith.constant 64 : index
        %swap3A_666 = tpu.vector_load %arg7[%swap3A_664, %swap3A_665] {strides = array<i32>} : memref<2x80xi32, #tpu.memory_space<vmem>>, vector<1x16xi32>,
        %swap3A_667 = vector.shape_cast %swap3A_666 : vector<1x16xi32> to vector<16xi32>
        %swap3A_668 = vector.shape_cast %shift_right_logical3A_662 : vector<16xi32> to vector<1x16xi32>
        tpu.vector_store %arg7[%swap3A_664, %swap3A_665], %swap3A_668 {strides = array<i32>} : memref<2x80xi32, #tpu.memory_space<vmem>>, vector<1x16xi32>,
        %dma_start3A_669 = arith.constant 0 : i32
        %dma_start3A_670 = arith.constant 0 : i32
        %dma_start3A_671 = tpu.memref_slice %arg7[%dma_start3A_669, %dma_start3A_670] : memref<2x80xi32, #tpu.memory_space<vmem>> -> memref<1x80xi32, #tpu.memory_space<vmem>>
        %dma_start3A_672 = tpu.memref_squeeze %dma_start3A_671 : memref<1x80xi32, #tpu.memory_space<vmem>> -> memref<80xi32, #tpu.memory_space<vmem>>
        %dma_start3A_673 = arith.constant 0 : i32
        %dma_start3A_674 = arith.constant 0 : i32
        %dma_start3A_675 = tpu.memref_slice %arg2[%dma_start3A_673, %dma_start3A_674] : memref<10000x128xf32, #tpu.memory_space<hbm>> -> memref<10000x128xf32, #tpu.memory_space<hbm>>
        tpu.enqueue_indirect_dma source(%dma_start3A_675 : memref<10000x128xf32, #tpu.memory_space<hbm>>) target(%arg10 : memref<80x128xf32, #tpu.memory_space<vmem>>) offsets(%dma_start3A_672 : memref<80xi32, #tpu.memory_space<vmem>>) semaphore(%arg14 : memref<!tpu.dma_semaphore, #tpu.memory_space<semaphore_mem>>)
      } else {
      }
    }
    %scan3A_454 = arith.constant 42 : i32
    %dma_wait3A_455 = arith.constant 1 : i32
    %dma_wait3A_456 = arith.constant 0 : i32
    %dma_wait3A_457 = tpu.memref_slice %arg6[%dma_wait3A_455, %dma_wait3A_456] : memref<2x80xi32, #tpu.memory_space<vmem>> -> memref<1x80xi32, #tpu.memory_space<vmem>>
    %dma_wait3A_458 = tpu.memref_squeeze %dma_wait3A_457 : memref<1x80xi32, #tpu.memory_space<vmem>> -> memref<80xi32, #tpu.memory_space<vmem>>
    %dma_wait3A_459 = arith.constant 0 : i32
    %dma_wait3A_460 = arith.constant 0 : i32
    %dma_wait3A_461 = tpu.memref_slice %arg12[%dma_wait3A_459, %dma_wait3A_460] : memref<10112x128xf32, #tpu.memory_space<vmem_shared>> -> memref<10112x128xf32, #tpu.memory_space<vmem_shared>>
    tpu.wait_indirect_dma semaphore(%arg16 : memref<!tpu.dma_semaphore, #tpu.memory_space<semaphore_mem>>) src(%arg9 : memref<80x128xf32, #tpu.memory_space<vmem>>) dst(%dma_wait3A_461 : memref<10112x128xf32, #tpu.memory_space<vmem_shared>>)
    %dma_wait3A_462 = arith.constant 1 : i32
    %dma_wait3A_463 = arith.constant 0 : i32
    %dma_wait3A_464 = tpu.memref_slice %arg7[%dma_wait3A_462, %dma_wait3A_463] : memref<2x80xi32, #tpu.memory_space<vmem>> -> memref<1x80xi32, #tpu.memory_space<vmem>>
    %dma_wait3A_465 = tpu.memref_squeeze %dma_wait3A_464 : memref<1x80xi32, #tpu.memory_space<vmem>> -> memref<80xi32, #tpu.memory_space<vmem>>
    %dma_wait3A_466 = arith.constant 0 : i32
    %dma_wait3A_467 = arith.constant 0 : i32
    %dma_wait3A_468 = tpu.memref_slice %arg12[%dma_wait3A_466, %dma_wait3A_467] : memref<10112x128xf32, #tpu.memory_space<vmem_shared>> -> memref<10112x128xf32, #tpu.memory_space<vmem_shared>>
    tpu.wait_indirect_dma semaphore(%arg17 : memref<!tpu.dma_semaphore, #tpu.memory_space<semaphore_mem>>) src(%arg10 : memref<80x128xf32, #tpu.memory_space<vmem>>) dst(%dma_wait3A_468 : memref<10112x128xf32, #tpu.memory_space<vmem_shared>>)
    %dma_wait3A_469 = arith.constant 1 : i32
    %dma_wait3A_470 = arith.constant 0 : i32
    %dma_wait3A_471 = tpu.memref_slice %arg8[%dma_wait3A_469, %dma_wait3A_470] : memref<2x80xi32, #tpu.memory_space<vmem>> -> memref<1x80xi32, #tpu.memory_space<vmem>>
    %dma_wait3A_472 = tpu.memref_squeeze %dma_wait3A_471 : memref<1x80xi32, #tpu.memory_space<vmem>> -> memref<80xi32, #tpu.memory_space<vmem>>
    %dma_wait3A_473 = arith.constant 0 : i32
    %dma_wait3A_474 = arith.constant 0 : i32
    %dma_wait3A_475 = tpu.memref_slice %arg12[%dma_wait3A_473, %dma_wait3A_474] : memref<10112x128xf32, #tpu.memory_space<vmem_shared>> -> memref<10112x128xf32, #tpu.memory_space<vmem_shared>>
    tpu.wait_indirect_dma semaphore(%arg18 : memref<!tpu.dma_semaphore, #tpu.memory_space<semaphore_mem>>) src(%arg11 : memref<80x128xf32, #tpu.memory_space<vmem>>) dst(%dma_wait3A_475 : memref<10112x128xf32, #tpu.memory_space<vmem_shared>>)
    %barrier3A_476 = arith.constant 0 : index
    tpu.barrier barrier_id(%barrier3A_476)
    %mul3A_477 = arith.constant 632 : i32
    %mul3A_478 = arith.muli %arg1, %mul3A_477 : i32
    %mul3A_479 = arith.constant 632 : i32
    %mul3A_480 = arith.muli %arg1, %mul3A_479 : i32
    "tpu.region"() ({
      %run_scoped3A = tpu.sem_alloc : memref<!tpu.dma_semaphore, #tpu.memory_space<semaphore_mem>>
      %dma_start3A_481 = arith.constant 0 : i32
      %dma_start3A_482 = tpu.memref_slice %arg4[%arg0, %mul3A_480, %dma_start3A_481] : memref<2x10112x128xf32, #tpu.memory_space<hbm>> -> memref<1x632x128xf32, #tpu.memory_space<hbm>>
      %dma_start3A_483 = tpu.memref_squeeze %dma_start3A_482 : memref<1x632x128xf32, #tpu.memory_space<hbm>> -> memref<632x128xf32, #tpu.memory_space<hbm>>
      %dma_start3A_484 = arith.constant 0 : i32
      %dma_start3A_485 = tpu.memref_slice %arg12[%mul3A_478, %dma_start3A_484] : memref<10112x128xf32, #tpu.memory_space<vmem_shared>> -> memref<632x128xf32, #tpu.memory_space<vmem_shared>>
      tpu.enqueue_dma source(%dma_start3A_485 : memref<632x128xf32, #tpu.memory_space<vmem_shared>>) target(%dma_start3A_483 : memref<632x128xf32, #tpu.memory_space<hbm>>) target_semaphore(%run_scoped3A : memref<!tpu.dma_semaphore, #tpu.memory_space<semaphore_mem>>)
      %dma_wait3A_486 = arith.constant 0 : i32
      %dma_wait3A_487 = tpu.memref_slice %arg4[%arg0, %mul3A_480, %dma_wait3A_486] : memref<2x10112x128xf32, #tpu.memory_space<hbm>> -> memref<1x632x128xf32, #tpu.memory_space<hbm>>
      %dma_wait3A_488 = tpu.memref_squeeze %dma_wait3A_487 : memref<1x632x128xf32, #tpu.memory_space<hbm>> -> memref<632x128xf32, #tpu.memory_space<hbm>>
      %dma_wait3A_489 = arith.constant 0 : i32
      %dma_wait3A_490 = tpu.memref_slice %arg12[%mul3A_478, %dma_wait3A_489] : memref<10112x128xf32, #tpu.memory_space<vmem_shared>> -> memref<632x128xf32, #tpu.memory_space<vmem_shared>>
      tpu.wait_dma2 semaphore(%run_scoped3A : memref<!tpu.dma_semaphore, #tpu.memory_space<semaphore_mem>>) src(%dma_wait3A_490 : memref<632x128xf32, #tpu.memory_space<vmem_shared>>) dst(%dma_wait3A_488 : memref<632x128xf32, #tpu.memory_space<hbm>>)
      tpu.yield
    }) : () -> ()
    return
  }
}

#map = affine_map<(d0, d1) -> (0, 0)>
#map1 = affine_map<(d0, d1) -> (0)>
#map2 = affine_map<(d0, d1) -> (0, 0, 0)>
module attributes {stable_mosaic.version = 14 : i64} {
  func.func @_segsum(%arg0: i32, %arg1: i32, %arg2: memref<10000x128xf32, #tpu.memory_space<hbm>>, %arg3: memref<320000xi32, #tpu.memory_space<hbm>>, %arg4: memref<2x10112x128xf32, #tpu.memory_space<hbm>>, %arg5: memref<10000xi32, #tpu.memory_space<vmem>>, %arg6: memref<2x80xi32, #tpu.memory_space<vmem>>, %arg7: memref<2x80xi32, #tpu.memory_space<vmem>>, %arg8: memref<2x80xi32, #tpu.memory_space<vmem>>, %arg9: memref<80x128xf32, #tpu.memory_space<vmem>>, %arg10: memref<80x128xf32, #tpu.memory_space<vmem>>, %arg11: memref<80x128xf32, #tpu.memory_space<vmem>>, %arg12: memref<10112x128xf32, #tpu.memory_space<vmem_shared>>, %arg13: memref<!tpu.dma_semaphore, #tpu.memory_space<semaphore_mem>>, %arg14: memref<!tpu.dma_semaphore, #tpu.memory_space<semaphore_mem>>, %arg15: memref<!tpu.dma_semaphore, #tpu.memory_space<semaphore_mem>>, %arg16: memref<!tpu.dma_semaphore, #tpu.memory_space<semaphore_mem>>, %arg17: memref<!tpu.dma_semaphore, #tpu.memory_space<semaphore_mem>>, %arg18: memref<!tpu.dma_semaphore, #tpu.memory_space<semaphore_mem>>) attributes {dimension_semantics = [#tpu.dimension_semantics<core_parallel>, #tpu.dimension_semantics<subcore_parallel>], iteration_bounds = array<i64: 2, 16>, scalar_prefetch = 0 : i64, scratch_operands = 14 : i64, tpu.core_type = #tpu.core_type<sc_vector_subcore>, window_params = [{transform_indices = #map}, {transform_indices = #map1}, {transform_indices = #map2}]} {
    %mul3A = arith.constant 2 : i32
    %mul3A_0 = arith.muli %arg1, %mul3A : i32
    %add3A = arith.addi %mul3A_0, %arg0 : i32
    %mul3A_1 = arith.constant 10000 : i32
    %mul3A_2 = arith.muli %add3A, %mul3A_1 : i32
    "tpu.region"() ({
      %run_scoped3A = tpu.sem_alloc : memref<!tpu.dma_semaphore, #tpu.memory_space<semaphore_mem>>
      %dma_start3A_481 = tpu.memref_slice %arg3[%mul3A_2] : memref<320000xi32, #tpu.memory_space<hbm>> -> memref<10000xi32, #tpu.memory_space<hbm>>
      %dma_start3A_482 = tpu.memref_slice %arg3[%mul3A_2] : memref<320000xi32, #tpu.memory_space<hbm>> -> memref<10000xi32, #tpu.memory_space<hbm>>
      tpu.enqueue_dma source(%dma_start3A_482 : memref<10000xi32, #tpu.memory_space<hbm>>) target(%arg5 : memref<10000xi32, #tpu.memory_space<vmem>>) target_semaphore(%run_scoped3A : memref<!tpu.dma_semaphore, #tpu.memory_space<semaphore_mem>>)
      %dma_wait3A_483 = tpu.memref_slice %arg3[%mul3A_2] : memref<320000xi32, #tpu.memory_space<hbm>> -> memref<10000xi32, #tpu.memory_space<hbm>>
      %dma_wait3A_484 = tpu.memref_slice %arg3[%mul3A_2] : memref<320000xi32, #tpu.memory_space<hbm>> -> memref<10000xi32, #tpu.memory_space<hbm>>
      tpu.wait_dma2 semaphore(%run_scoped3A : memref<!tpu.dma_semaphore, #tpu.memory_space<semaphore_mem>>) src(%dma_wait3A_484 : memref<10000xi32, #tpu.memory_space<hbm>>) dst(%arg5 : memref<10000xi32, #tpu.memory_space<vmem>>)
      tpu.yield
    }) : () -> ()
    %get3A = arith.constant 0 : index
    %get3A_3 = tpu.vector_load %arg5[%get3A] {strides = array<i32>} : memref<10000xi32, #tpu.memory_space<vmem>>, vector<16xi32>,
    %get3A_4 = vector.shape_cast %get3A_3 : vector<16xi32> to vector<16xi32>
    %and3A = arith.constant 65535 : i32
    %and3A_5 = vector.broadcast %and3A : i32 to vector<16xi32>
    %and3A_6 = arith.andi %get3A_4, %and3A_5 : vector<16xi32>
    %swap3A = arith.constant 0 : i32
    %swap3A_7 = arith.index_cast %swap3A : i32 to index
    %swap3A_8 = arith.constant 0 : index
    %swap3A_9 = tpu.vector_load %arg6[%swap3A_7, %swap3A_8] {strides = array<i32>} : memref<2x80xi32, #tpu.memory_space<vmem>>, vector<1x16xi32>,
    %swap3A_10 = vector.shape_cast %swap3A_9 : vector<1x16xi32> to vector<16xi32>
    %swap3A_11 = vector.shape_cast %and3A_6 : vector<16xi32> to vector<1x16xi32>
    tpu.vector_store %arg6[%swap3A_7, %swap3A_8], %swap3A_11 {strides = array<i32>} : memref<2x80xi32, #tpu.memory_space<vmem>>, vector<1x16xi32>,
    %shift_right_logical3A = arith.constant 16 : i32
    %shift_right_logical3A_12 = vector.broadcast %shift_right_logical3A : i32 to vector<16xi32>
    %shift_right_logical3A_13 = arith.shrui %get3A_4, %shift_right_logical3A_12 : vector<16xi32>
    %swap3A_14 = arith.constant 1 : i32
    %swap3A_15 = arith.index_cast %swap3A_14 : i32 to index
    %swap3A_16 = arith.constant 0 : index
    %swap3A_17 = tpu.vector_load %arg6[%swap3A_15, %swap3A_16] {strides = array<i32>} : memref<2x80xi32, #tpu.memory_space<vmem>>, vector<1x16xi32>,
    %swap3A_18 = vector.shape_cast %swap3A_17 : vector<1x16xi32> to vector<16xi32>
    %swap3A_19 = vector.shape_cast %shift_right_logical3A_13 : vector<16xi32> to vector<1x16xi32>
    tpu.vector_store %arg6[%swap3A_15, %swap3A_16], %swap3A_19 {strides = array<i32>} : memref<2x80xi32, #tpu.memory_space<vmem>>, vector<1x16xi32>,
    %get3A_20 = arith.constant 16 : index
    %get3A_21 = tpu.vector_load %arg5[%get3A_20] {strides = array<i32>} : memref<10000xi32, #tpu.memory_space<vmem>>, vector<16xi32>,
    %get3A_22 = vector.shape_cast %get3A_21 : vector<16xi32> to vector<16xi32>
    %and3A_23 = arith.constant 65535 : i32
    %and3A_24 = vector.broadcast %and3A_23 : i32 to vector<16xi32>
    %and3A_25 = arith.andi %get3A_22, %and3A_24 : vector<16xi32>
    %swap3A_26 = arith.constant 0 : i32
    %swap3A_27 = arith.index_cast %swap3A_26 : i32 to index
    %swap3A_28 = arith.constant 16 : index
    %swap3A_29 = tpu.vector_load %arg6[%swap3A_27, %swap3A_28] {strides = array<i32>} : memref<2x80xi32, #tpu.memory_space<vmem>>, vector<1x16xi32>,
    %swap3A_30 = vector.shape_cast %swap3A_29 : vector<1x16xi32> to vector<16xi32>
    %swap3A_31 = vector.shape_cast %and3A_25 : vector<16xi32> to vector<1x16xi32>
    tpu.vector_store %arg6[%swap3A_27, %swap3A_28], %swap3A_31 {strides = array<i32>} : memref<2x80xi32, #tpu.memory_space<vmem>>, vector<1x16xi32>,
    %shift_right_logical3A_32 = arith.constant 16 : i32
    %shift_right_logical3A_33 = vector.broadcast %shift_right_logical3A_32 : i32 to vector<16xi32>
    %shift_right_logical3A_34 = arith.shrui %get3A_22, %shift_right_logical3A_33 : vector<16xi32>
    %swap3A_35 = arith.constant 1 : i32
    %swap3A_36 = arith.index_cast %swap3A_35 : i32 to index
    %swap3A_37 = arith.constant 16 : index
    %swap3A_38 = tpu.vector_load %arg6[%swap3A_36, %swap3A_37] {strides = array<i32>} : memref<2x80xi32, #tpu.memory_space<vmem>>, vector<1x16xi32>,
    %swap3A_39 = vector.shape_cast %swap3A_38 : vector<1x16xi32> to vector<16xi32>
    %swap3A_40 = vector.shape_cast %shift_right_logical3A_34 : vector<16xi32> to vector<1x16xi32>
    tpu.vector_store %arg6[%swap3A_36, %swap3A_37], %swap3A_40 {strides = array<i32>} : memref<2x80xi32, #tpu.memory_space<vmem>>, vector<1x16xi32>,
    %get3A_41 = arith.constant 32 : index
    %get3A_42 = tpu.vector_load %arg5[%get3A_41] {strides = array<i32>} : memref<10000xi32, #tpu.memory_space<vmem>>, vector<16xi32>,
    %get3A_43 = vector.shape_cast %get3A_42 : vector<16xi32> to vector<16xi32>
    %and3A_44 = arith.constant 65535 : i32
    %and3A_45 = vector.broadcast %and3A_44 : i32 to vector<16xi32>
    %and3A_46 = arith.andi %get3A_43, %and3A_45 : vector<16xi32>
    %swap3A_47 = arith.constant 0 : i32
    %swap3A_48 = arith.index_cast %swap3A_47 : i32 to index
    %swap3A_49 = arith.constant 32 : index
    %swap3A_50 = tpu.vector_load %arg6[%swap3A_48, %swap3A_49] {strides = array<i32>} : memref<2x80xi32, #tpu.memory_space<vmem>>, vector<1x16xi32>,
    %swap3A_51 = vector.shape_cast %swap3A_50 : vector<1x16xi32> to vector<16xi32>
    %swap3A_52 = vector.shape_cast %and3A_46 : vector<16xi32> to vector<1x16xi32>
    tpu.vector_store %arg6[%swap3A_48, %swap3A_49], %swap3A_52 {strides = array<i32>} : memref<2x80xi32, #tpu.memory_space<vmem>>, vector<1x16xi32>,
    %shift_right_logical3A_53 = arith.constant 16 : i32
    %shift_right_logical3A_54 = vector.broadcast %shift_right_logical3A_53 : i32 to vector<16xi32>
    %shift_right_logical3A_55 = arith.shrui %get3A_43, %shift_right_logical3A_54 : vector<16xi32>
    %swap3A_56 = arith.constant 1 : i32
    %swap3A_57 = arith.index_cast %swap3A_56 : i32 to index
    %swap3A_58 = arith.constant 32 : index
    %swap3A_59 = tpu.vector_load %arg6[%swap3A_57, %swap3A_58] {strides = array<i32>} : memref<2x80xi32, #tpu.memory_space<vmem>>, vector<1x16xi32>,
    %swap3A_60 = vector.shape_cast %swap3A_59 : vector<1x16xi32> to vector<16xi32>
    %swap3A_61 = vector.shape_cast %shift_right_logical3A_55 : vector<16xi32> to vector<1x16xi32>
    tpu.vector_store %arg6[%swap3A_57, %swap3A_58], %swap3A_61 {strides = array<i32>} : memref<2x80xi32, #tpu.memory_space<vmem>>, vector<1x16xi32>,
    %get3A_62 = arith.constant 48 : index
    %get3A_63 = tpu.vector_load %arg5[%get3A_62] {strides = array<i32>} : memref<10000xi32, #tpu.memory_space<vmem>>, vector<16xi32>,
    %get3A_64 = vector.shape_cast %get3A_63 : vector<16xi32> to vector<16xi32>
    %and3A_65 = arith.constant 65535 : i32
    %and3A_66 = vector.broadcast %and3A_65 : i32 to vector<16xi32>
    %and3A_67 = arith.andi %get3A_64, %and3A_66 : vector<16xi32>
    %swap3A_68 = arith.constant 0 : i32
    %swap3A_69 = arith.index_cast %swap3A_68 : i32 to index
    %swap3A_70 = arith.constant 48 : index
    %swap3A_71 = tpu.vector_load %arg6[%swap3A_69, %swap3A_70] {strides = array<i32>} : memref<2x80xi32, #tpu.memory_space<vmem>>, vector<1x16xi32>,
    %swap3A_72 = vector.shape_cast %swap3A_71 : vector<1x16xi32> to vector<16xi32>
    %swap3A_73 = vector.shape_cast %and3A_67 : vector<16xi32> to vector<1x16xi32>
    tpu.vector_store %arg6[%swap3A_69, %swap3A_70], %swap3A_73 {strides = array<i32>} : memref<2x80xi32, #tpu.memory_space<vmem>>, vector<1x16xi32>,
    %shift_right_logical3A_74 = arith.constant 16 : i32
    %shift_right_logical3A_75 = vector.broadcast %shift_right_logical3A_74 : i32 to vector<16xi32>
    %shift_right_logical3A_76 = arith.shrui %get3A_64, %shift_right_logical3A_75 : vector<16xi32>
    %swap3A_77 = arith.constant 1 : i32
    %swap3A_78 = arith.index_cast %swap3A_77 : i32 to index
    %swap3A_79 = arith.constant 48 : index
    %swap3A_80 = tpu.vector_load %arg6[%swap3A_78, %swap3A_79] {strides = array<i32>} : memref<2x80xi32, #tpu.memory_space<vmem>>, vector<1x16xi32>,
    %swap3A_81 = vector.shape_cast %swap3A_80 : vector<1x16xi32> to vector<16xi32>
    %swap3A_82 = vector.shape_cast %shift_right_logical3A_76 : vector<16xi32> to vector<1x16xi32>
    tpu.vector_store %arg6[%swap3A_78, %swap3A_79], %swap3A_82 {strides = array<i32>} : memref<2x80xi32, #tpu.memory_space<vmem>>, vector<1x16xi32>,
    %get3A_83 = arith.constant 64 : index
    %get3A_84 = tpu.vector_load %arg5[%get3A_83] {strides = array<i32>} : memref<10000xi32, #tpu.memory_space<vmem>>, vector<16xi32>,
    %get3A_85 = vector.shape_cast %get3A_84 : vector<16xi32> to vector<16xi32>
    %and3A_86 = arith.constant 65535 : i32
    %and3A_87 = vector.broadcast %and3A_86 : i32 to vector<16xi32>
    %and3A_88 = arith.andi %get3A_85, %and3A_87 : vector<16xi32>
    %swap3A_89 = arith.constant 0 : i32
    %swap3A_90 = arith.index_cast %swap3A_89 : i32 to index
    %swap3A_91 = arith.constant 64 : index
    %swap3A_92 = tpu.vector_load %arg6[%swap3A_90, %swap3A_91] {strides = array<i32>} : memref<2x80xi32, #tpu.memory_space<vmem>>, vector<1x16xi32>,
    %swap3A_93 = vector.shape_cast %swap3A_92 : vector<1x16xi32> to vector<16xi32>
    %swap3A_94 = vector.shape_cast %and3A_88 : vector<16xi32> to vector<1x16xi32>
    tpu.vector_store %arg6[%swap3A_90, %swap3A_91], %swap3A_94 {strides = array<i32>} : memref<2x80xi32, #tpu.memory_space<vmem>>, vector<1x16xi32>,
    %shift_right_logical3A_95 = arith.constant 16 : i32
    %shift_right_logical3A_96 = vector.broadcast %shift_right_logical3A_95 : i32 to vector<16xi32>
    %shift_right_logical3A_97 = arith.shrui %get3A_85, %shift_right_logical3A_96 : vector<16xi32>
    %swap3A_98 = arith.constant 1 : i32
    %swap3A_99 = arith.index_cast %swap3A_98 : i32 to index
    %swap3A_100 = arith.constant 64 : index
    %swap3A_101 = tpu.vector_load %arg6[%swap3A_99, %swap3A_100] {strides = array<i32>} : memref<2x80xi32, #tpu.memory_space<vmem>>, vector<1x16xi32>,
    %swap3A_102 = vector.shape_cast %swap3A_101 : vector<1x16xi32> to vector<16xi32>
    %swap3A_103 = vector.shape_cast %shift_right_logical3A_97 : vector<16xi32> to vector<1x16xi32>
    tpu.vector_store %arg6[%swap3A_99, %swap3A_100], %swap3A_103 {strides = array<i32>} : memref<2x80xi32, #tpu.memory_space<vmem>>, vector<1x16xi32>,
    %dma_start3A = arith.constant 0 : i32
    %dma_start3A_104 = arith.constant 0 : i32
    %dma_start3A_105 = tpu.memref_slice %arg6[%dma_start3A, %dma_start3A_104] : memref<2x80xi32, #tpu.memory_space<vmem>> -> memref<1x80xi32, #tpu.memory_space<vmem>>
    %dma_start3A_106 = tpu.memref_squeeze %dma_start3A_105 : memref<1x80xi32, #tpu.memory_space<vmem>> -> memref<80xi32, #tpu.memory_space<vmem>>
    %dma_start3A_107 = arith.constant 0 : i32
    %dma_start3A_108 = arith.constant 0 : i32
    %dma_start3A_109 = tpu.memref_slice %arg2[%dma_start3A_107, %dma_start3A_108] : memref<10000x128xf32, #tpu.memory_space<hbm>> -> memref<10000x128xf32, #tpu.memory_space<hbm>>
    tpu.enqueue_indirect_dma source(%dma_start3A_109 : memref<10000x128xf32, #tpu.memory_space<hbm>>) target(%arg9 : memref<80x128xf32, #tpu.memory_space<vmem>>) offsets(%dma_start3A_106 : memref<80xi32, #tpu.memory_space<vmem>>) semaphore(%arg13 : memref<!tpu.dma_semaphore, #tpu.memory_space<semaphore_mem>>)
    %get3A_110 = arith.constant 80 : index
    %get3A_111 = tpu.vector_load %arg5[%get3A_110] {strides = array<i32>} : memref<10000xi32, #tpu.memory_space<vmem>>, vector<16xi32>,
    %get3A_112 = vector.shape_cast %get3A_111 : vector<16xi32> to vector<16xi32>
    %and3A_113 = arith.constant 65535 : i32
    %and3A_114 = vector.broadcast %and3A_113 : i32 to vector<16xi32>
    %and3A_115 = arith.andi %get3A_112, %and3A_114 : vector<16xi32>
    %swap3A_116 = arith.constant 0 : i32
    %swap3A_117 = arith.index_cast %swap3A_116 : i32 to index
    %swap3A_118 = arith.constant 0 : index
    %swap3A_119 = tpu.vector_load %arg7[%swap3A_117, %swap3A_118] {strides = array<i32>} : memref<2x80xi32, #tpu.memory_space<vmem>>, vector<1x16xi32>,
    %swap3A_120 = vector.shape_cast %swap3A_119 : vector<1x16xi32> to vector<16xi32>
    %swap3A_121 = vector.shape_cast %and3A_115 : vector<16xi32> to vector<1x16xi32>
    tpu.vector_store %arg7[%swap3A_117, %swap3A_118], %swap3A_121 {strides = array<i32>} : memref<2x80xi32, #tpu.memory_space<vmem>>, vector<1x16xi32>,
    %shift_right_logical3A_122 = arith.constant 16 : i32
    %shift_right_logical3A_123 = vector.broadcast %shift_right_logical3A_122 : i32 to vector<16xi32>
    %shift_right_logical3A_124 = arith.shrui %get3A_112, %shift_right_logical3A_123 : vector<16xi32>
    %swap3A_125 = arith.constant 1 : i32
    %swap3A_126 = arith.index_cast %swap3A_125 : i32 to index
    %swap3A_127 = arith.constant 0 : index
    %swap3A_128 = tpu.vector_load %arg7[%swap3A_126, %swap3A_127] {strides = array<i32>} : memref<2x80xi32, #tpu.memory_space<vmem>>, vector<1x16xi32>,
    %swap3A_129 = vector.shape_cast %swap3A_128 : vector<1x16xi32> to vector<16xi32>
    %swap3A_130 = vector.shape_cast %shift_right_logical3A_124 : vector<16xi32> to vector<1x16xi32>
    tpu.vector_store %arg7[%swap3A_126, %swap3A_127], %swap3A_130 {strides = array<i32>} : memref<2x80xi32, #tpu.memory_space<vmem>>, vector<1x16xi32>,
    %get3A_131 = arith.constant 96 : index
    %get3A_132 = tpu.vector_load %arg5[%get3A_131] {strides = array<i32>} : memref<10000xi32, #tpu.memory_space<vmem>>, vector<16xi32>,
    %get3A_133 = vector.shape_cast %get3A_132 : vector<16xi32> to vector<16xi32>
    %and3A_134 = arith.constant 65535 : i32
    %and3A_135 = vector.broadcast %and3A_134 : i32 to vector<16xi32>
    %and3A_136 = arith.andi %get3A_133, %and3A_135 : vector<16xi32>
    %swap3A_137 = arith.constant 0 : i32
    %swap3A_138 = arith.index_cast %swap3A_137 : i32 to index
    %swap3A_139 = arith.constant 16 : index
    %swap3A_140 = tpu.vector_load %arg7[%swap3A_138, %swap3A_139] {strides = array<i32>} : memref<2x80xi32, #tpu.memory_space<vmem>>, vector<1x16xi32>,
    %swap3A_141 = vector.shape_cast %swap3A_140 : vector<1x16xi32> to vector<16xi32>
    %swap3A_142 = vector.shape_cast %and3A_136 : vector<16xi32> to vector<1x16xi32>
    tpu.vector_store %arg7[%swap3A_138, %swap3A_139], %swap3A_142 {strides = array<i32>} : memref<2x80xi32, #tpu.memory_space<vmem>>, vector<1x16xi32>,
    %shift_right_logical3A_143 = arith.constant 16 : i32
    %shift_right_logical3A_144 = vector.broadcast %shift_right_logical3A_143 : i32 to vector<16xi32>
    %shift_right_logical3A_145 = arith.shrui %get3A_133, %shift_right_logical3A_144 : vector<16xi32>
    %swap3A_146 = arith.constant 1 : i32
    %swap3A_147 = arith.index_cast %swap3A_146 : i32 to index
    %swap3A_148 = arith.constant 16 : index
    %swap3A_149 = tpu.vector_load %arg7[%swap3A_147, %swap3A_148] {strides = array<i32>} : memref<2x80xi32, #tpu.memory_space<vmem>>, vector<1x16xi32>,
    %swap3A_150 = vector.shape_cast %swap3A_149 : vector<1x16xi32> to vector<16xi32>
    %swap3A_151 = vector.shape_cast %shift_right_logical3A_145 : vector<16xi32> to vector<1x16xi32>
    tpu.vector_store %arg7[%swap3A_147, %swap3A_148], %swap3A_151 {strides = array<i32>} : memref<2x80xi32, #tpu.memory_space<vmem>>, vector<1x16xi32>,
    %get3A_152 = arith.constant 112 : index
    %get3A_153 = tpu.vector_load %arg5[%get3A_152] {strides = array<i32>} : memref<10000xi32, #tpu.memory_space<vmem>>, vector<16xi32>,
    %get3A_154 = vector.shape_cast %get3A_153 : vector<16xi32> to vector<16xi32>
    %and3A_155 = arith.constant 65535 : i32
    %and3A_156 = vector.broadcast %and3A_155 : i32 to vector<16xi32>
    %and3A_157 = arith.andi %get3A_154, %and3A_156 : vector<16xi32>
    %swap3A_158 = arith.constant 0 : i32
    %swap3A_159 = arith.index_cast %swap3A_158 : i32 to index
    %swap3A_160 = arith.constant 32 : index
    %swap3A_161 = tpu.vector_load %arg7[%swap3A_159, %swap3A_160] {strides = array<i32>} : memref<2x80xi32, #tpu.memory_space<vmem>>, vector<1x16xi32>,
    %swap3A_162 = vector.shape_cast %swap3A_161 : vector<1x16xi32> to vector<16xi32>
    %swap3A_163 = vector.shape_cast %and3A_157 : vector<16xi32> to vector<1x16xi32>
    tpu.vector_store %arg7[%swap3A_159, %swap3A_160], %swap3A_163 {strides = array<i32>} : memref<2x80xi32, #tpu.memory_space<vmem>>, vector<1x16xi32>,
    %shift_right_logical3A_164 = arith.constant 16 : i32
    %shift_right_logical3A_165 = vector.broadcast %shift_right_logical3A_164 : i32 to vector<16xi32>
    %shift_right_logical3A_166 = arith.shrui %get3A_154, %shift_right_logical3A_165 : vector<16xi32>
    %swap3A_167 = arith.constant 1 : i32
    %swap3A_168 = arith.index_cast %swap3A_167 : i32 to index
    %swap3A_169 = arith.constant 32 : index
    %swap3A_170 = tpu.vector_load %arg7[%swap3A_168, %swap3A_169] {strides = array<i32>} : memref<2x80xi32, #tpu.memory_space<vmem>>, vector<1x16xi32>,
    %swap3A_171 = vector.shape_cast %swap3A_170 : vector<1x16xi32> to vector<16xi32>
    %swap3A_172 = vector.shape_cast %shift_right_logical3A_166 : vector<16xi32> to vector<1x16xi32>
    tpu.vector_store %arg7[%swap3A_168, %swap3A_169], %swap3A_172 {strides = array<i32>} : memref<2x80xi32, #tpu.memory_space<vmem>>, vector<1x16xi32>,
    %get3A_173 = arith.constant 128 : index
    %get3A_174 = tpu.vector_load %arg5[%get3A_173] {strides = array<i32>} : memref<10000xi32, #tpu.memory_space<vmem>>, vector<16xi32>,
    %get3A_175 = vector.shape_cast %get3A_174 : vector<16xi32> to vector<16xi32>
    %and3A_176 = arith.constant 65535 : i32
    %and3A_177 = vector.broadcast %and3A_176 : i32 to vector<16xi32>
    %and3A_178 = arith.andi %get3A_175, %and3A_177 : vector<16xi32>
    %swap3A_179 = arith.constant 0 : i32
    %swap3A_180 = arith.index_cast %swap3A_179 : i32 to index
    %swap3A_181 = arith.constant 48 : index
    %swap3A_182 = tpu.vector_load %arg7[%swap3A_180, %swap3A_181] {strides = array<i32>} : memref<2x80xi32, #tpu.memory_space<vmem>>, vector<1x16xi32>,
    %swap3A_183 = vector.shape_cast %swap3A_182 : vector<1x16xi32> to vector<16xi32>
    %swap3A_184 = vector.shape_cast %and3A_178 : vector<16xi32> to vector<1x16xi32>
    tpu.vector_store %arg7[%swap3A_180, %swap3A_181], %swap3A_184 {strides = array<i32>} : memref<2x80xi32, #tpu.memory_space<vmem>>, vector<1x16xi32>,
    %shift_right_logical3A_185 = arith.constant 16 : i32
    %shift_right_logical3A_186 = vector.broadcast %shift_right_logical3A_185 : i32 to vector<16xi32>
    %shift_right_logical3A_187 = arith.shrui %get3A_175, %shift_right_logical3A_186 : vector<16xi32>
    %swap3A_188 = arith.constant 1 : i32
    %swap3A_189 = arith.index_cast %swap3A_188 : i32 to index
    %swap3A_190 = arith.constant 48 : index
    %swap3A_191 = tpu.vector_load %arg7[%swap3A_189, %swap3A_190] {strides = array<i32>} : memref<2x80xi32, #tpu.memory_space<vmem>>, vector<1x16xi32>,
    %swap3A_192 = vector.shape_cast %swap3A_191 : vector<1x16xi32> to vector<16xi32>
    %swap3A_193 = vector.shape_cast %shift_right_logical3A_187 : vector<16xi32> to vector<1x16xi32>
    tpu.vector_store %arg7[%swap3A_189, %swap3A_190], %swap3A_193 {strides = array<i32>} : memref<2x80xi32, #tpu.memory_space<vmem>>, vector<1x16xi32>,
    %get3A_194 = arith.constant 144 : index
    %get3A_195 = tpu.vector_load %arg5[%get3A_194] {strides = array<i32>} : memref<10000xi32, #tpu.memory_space<vmem>>, vector<16xi32>,
    %get3A_196 = vector.shape_cast %get3A_195 : vector<16xi32> to vector<16xi32>
    %and3A_197 = arith.constant 65535 : i32
    %and3A_198 = vector.broadcast %and3A_197 : i32 to vector<16xi32>
    %and3A_199 = arith.andi %get3A_196, %and3A_198 : vector<16xi32>
    %swap3A_200 = arith.constant 0 : i32
    %swap3A_201 = arith.index_cast %swap3A_200 : i32 to index
    %swap3A_202 = arith.constant 64 : index
    %swap3A_203 = tpu.vector_load %arg7[%swap3A_201, %swap3A_202] {strides = array<i32>} : memref<2x80xi32, #tpu.memory_space<vmem>>, vector<1x16xi32>,
    %swap3A_204 = vector.shape_cast %swap3A_203 : vector<1x16xi32> to vector<16xi32>
    %swap3A_205 = vector.shape_cast %and3A_199 : vector<16xi32> to vector<1x16xi32>
    tpu.vector_store %arg7[%swap3A_201, %swap3A_202], %swap3A_205 {strides = array<i32>} : memref<2x80xi32, #tpu.memory_space<vmem>>, vector<1x16xi32>,
    %shift_right_logical3A_206 = arith.constant 16 : i32
    %shift_right_logical3A_207 = vector.broadcast %shift_right_logical3A_206 : i32 to vector<16xi32>
    %shift_right_logical3A_208 = arith.shrui %get3A_196, %shift_right_logical3A_207 : vector<16xi32>
    %swap3A_209 = arith.constant 1 : i32
    %swap3A_210 = arith.index_cast %swap3A_209 : i32 to index
    %swap3A_211 = arith.constant 64 : index
    %swap3A_212 = tpu.vector_load %arg7[%swap3A_210, %swap3A_211] {strides = array<i32>} : memref<2x80xi32, #tpu.memory_space<vmem>>, vector<1x16xi32>,
    %swap3A_213 = vector.shape_cast %swap3A_212 : vector<1x16xi32> to vector<16xi32>
    %swap3A_214 = vector.shape_cast %shift_right_logical3A_208 : vector<16xi32> to vector<1x16xi32>
    tpu.vector_store %arg7[%swap3A_210, %swap3A_211], %swap3A_214 {strides = array<i32>} : memref<2x80xi32, #tpu.memory_space<vmem>>, vector<1x16xi32>,
    %dma_start3A_215 = arith.constant 0 : i32
    %dma_start3A_216 = arith.constant 0 : i32
    %dma_start3A_217 = tpu.memref_slice %arg7[%dma_start3A_215, %dma_start3A_216] : memref<2x80xi32, #tpu.memory_space<vmem>> -> memref<1x80xi32, #tpu.memory_space<vmem>>
    %dma_start3A_218 = tpu.memref_squeeze %dma_start3A_217 : memref<1x80xi32, #tpu.memory_space<vmem>> -> memref<80xi32, #tpu.memory_space<vmem>>
    %dma_start3A_219 = arith.constant 0 : i32
    %dma_start3A_220 = arith.constant 0 : i32
    %dma_start3A_221 = tpu.memref_slice %arg2[%dma_start3A_219, %dma_start3A_220] : memref<10000x128xf32, #tpu.memory_space<hbm>> -> memref<10000x128xf32, #tpu.memory_space<hbm>>
    tpu.enqueue_indirect_dma source(%dma_start3A_221 : memref<10000x128xf32, #tpu.memory_space<hbm>>) target(%arg10 : memref<80x128xf32, #tpu.memory_space<vmem>>) offsets(%dma_start3A_218 : memref<80xi32, #tpu.memory_space<vmem>>) semaphore(%arg14 : memref<!tpu.dma_semaphore, #tpu.memory_space<semaphore_mem>>)
    %broadcast_in_dim3A = arith.constant 0.000000e+00 : f32
    %broadcast_in_dim3A_222 = vector.broadcast %broadcast_in_dim3A : f32 to vector<16xf32>
    %scan3A = arith.constant 0 : i32
    %scan3A_223 = arith.constant 0 : i32
    %scan3A_224 = arith.constant 80 : i32
    %scan3A_225 = arith.addi %scan3A_223, %scan3A_224 : i32
    %scan3A_226 = arith.constant 1 : i32
    scf.for %scan3A_481 = %scan3A_223 to %scan3A_225 step %scan3A_226  : i32 {
      %swap3A_482 = arith.index_cast %scan3A_481 : i32 to index
      %swap3A_483 = arith.constant 0 : index
      %swap3A_484 = tpu.vector_load %arg11[%swap3A_482, %swap3A_483] {strides = array<i32>} : memref<80x128xf32, #tpu.memory_space<vmem>>, vector<1x16xf32>,
      %swap3A_485 = vector.shape_cast %swap3A_484 : vector<1x16xf32> to vector<16xf32>
      %swap3A_486 = vector.shape_cast %broadcast_in_dim3A_222 : vector<16xf32> to vector<1x16xf32>
      tpu.vector_store %arg11[%swap3A_482, %swap3A_483], %swap3A_486 {strides = array<i32>} : memref<80x128xf32, #tpu.memory_space<vmem>>, vector<1x16xf32>,
      %swap3A_487 = arith.index_cast %scan3A_481 : i32 to index
      %swap3A_488 = arith.constant 16 : index
      %swap3A_489 = tpu.vector_load %arg11[%swap3A_487, %swap3A_488] {strides = array<i32>} : memref<80x128xf32, #tpu.memory_space<vmem>>, vector<1x16xf32>,
      %swap3A_490 = vector.shape_cast %swap3A_489 : vector<1x16xf32> to vector<16xf32>
      %swap3A_491 = vector.shape_cast %broadcast_in_dim3A_222 : vector<16xf32> to vector<1x16xf32>
      tpu.vector_store %arg11[%swap3A_487, %swap3A_488], %swap3A_491 {strides = array<i32>} : memref<80x128xf32, #tpu.memory_space<vmem>>, vector<1x16xf32>,
      %swap3A_492 = arith.index_cast %scan3A_481 : i32 to index
      %swap3A_493 = arith.constant 32 : index
      %swap3A_494 = tpu.vector_load %arg11[%swap3A_492, %swap3A_493] {strides = array<i32>} : memref<80x128xf32, #tpu.memory_space<vmem>>, vector<1x16xf32>,
      %swap3A_495 = vector.shape_cast %swap3A_494 : vector<1x16xf32> to vector<16xf32>
      %swap3A_496 = vector.shape_cast %broadcast_in_dim3A_222 : vector<16xf32> to vector<1x16xf32>
      tpu.vector_store %arg11[%swap3A_492, %swap3A_493], %swap3A_496 {strides = array<i32>} : memref<80x128xf32, #tpu.memory_space<vmem>>, vector<1x16xf32>,
      %swap3A_497 = arith.index_cast %scan3A_481 : i32 to index
      %swap3A_498 = arith.constant 48 : index
      %swap3A_499 = tpu.vector_load %arg11[%swap3A_497, %swap3A_498] {strides = array<i32>} : memref<80x128xf32, #tpu.memory_space<vmem>>, vector<1x16xf32>,
      %swap3A_500 = vector.shape_cast %swap3A_499 : vector<1x16xf32> to vector<16xf32>
      %swap3A_501 = vector.shape_cast %broadcast_in_dim3A_222 : vector<16xf32> to vector<1x16xf32>
      tpu.vector_store %arg11[%swap3A_497, %swap3A_498], %swap3A_501 {strides = array<i32>} : memref<80x128xf32, #tpu.memory_space<vmem>>, vector<1x16xf32>,
      %swap3A_502 = arith.index_cast %scan3A_481 : i32 to index
      %swap3A_503 = arith.constant 64 : index
      %swap3A_504 = tpu.vector_load %arg11[%swap3A_502, %swap3A_503] {strides = array<i32>} : memref<80x128xf32, #tpu.memory_space<vmem>>, vector<1x16xf32>,
      %swap3A_505 = vector.shape_cast %swap3A_504 : vector<1x16xf32> to vector<16xf32>
      %swap3A_506 = vector.shape_cast %broadcast_in_dim3A_222 : vector<16xf32> to vector<1x16xf32>
      tpu.vector_store %arg11[%swap3A_502, %swap3A_503], %swap3A_506 {strides = array<i32>} : memref<80x128xf32, #tpu.memory_space<vmem>>, vector<1x16xf32>,
      %swap3A_507 = arith.index_cast %scan3A_481 : i32 to index
      %swap3A_508 = arith.constant 80 : index
      %swap3A_509 = tpu.vector_load %arg11[%swap3A_507, %swap3A_508] {strides = array<i32>} : memref<80x128xf32, #tpu.memory_space<vmem>>, vector<1x16xf32>,
      %swap3A_510 = vector.shape_cast %swap3A_509 : vector<1x16xf32> to vector<16xf32>
      %swap3A_511 = vector.shape_cast %broadcast_in_dim3A_222 : vector<16xf32> to vector<1x16xf32>
      tpu.vector_store %arg11[%swap3A_507, %swap3A_508], %swap3A_511 {strides = array<i32>} : memref<80x128xf32, #tpu.memory_space<vmem>>, vector<1x16xf32>,
      %swap3A_512 = arith.index_cast %scan3A_481 : i32 to index
      %swap3A_513 = arith.constant 96 : index
      %swap3A_514 = tpu.vector_load %arg11[%swap3A_512, %swap3A_513] {strides = array<i32>} : memref<80x128xf32, #tpu.memory_space<vmem>>, vector<1x16xf32>,
      %swap3A_515 = vector.shape_cast %swap3A_514 : vector<1x16xf32> to vector<16xf32>
      %swap3A_516 = vector.shape_cast %broadcast_in_dim3A_222 : vector<16xf32> to vector<1x16xf32>
      tpu.vector_store %arg11[%swap3A_512, %swap3A_513], %swap3A_516 {strides = array<i32>} : memref<80x128xf32, #tpu.memory_space<vmem>>, vector<1x16xf32>,
      %swap3A_517 = arith.index_cast %scan3A_481 : i32 to index
      %swap3A_518 = arith.constant 112 : index
      %swap3A_519 = tpu.vector_load %arg11[%swap3A_517, %swap3A_518] {strides = array<i32>} : memref<80x128xf32, #tpu.memory_space<vmem>>, vector<1x16xf32>,
      %swap3A_520 = vector.shape_cast %swap3A_519 : vector<1x16xf32> to vector<16xf32>
      %swap3A_521 = vector.shape_cast %broadcast_in_dim3A_222 : vector<16xf32> to vector<1x16xf32>
      tpu.vector_store %arg11[%swap3A_517, %swap3A_518], %swap3A_521 {strides = array<i32>} : memref<80x128xf32, #tpu.memory_space<vmem>>, vector<1x16xf32>,
    }
    %scan3A_227 = arith.constant 80 : i32
    %mul3A_228 = arith.constant 632 : i32
    %mul3A_229 = arith.muli %arg1, %mul3A_228 : i32
    %add3A_230 = arith.constant 0 : i32
    %add3A_231 = arith.addi %mul3A_229, %add3A_230 : i32
    %dma_start3A_232 = arith.constant 0 : i32
    %dma_start3A_233 = tpu.memref_slice %arg12[%add3A_231, %dma_start3A_232] : memref<10112x128xf32, #tpu.memory_space<vmem_shared>> -> memref<80x128xf32, #tpu.memory_space<vmem_shared>>
    %dma_start3A_234 = arith.constant 0 : i32
    %dma_start3A_235 = tpu.memref_slice %arg12[%add3A_231, %dma_start3A_234] : memref<10112x128xf32, #tpu.memory_space<vmem_shared>> -> memref<80x128xf32, #tpu.memory_space<vmem_shared>>
    tpu.enqueue_dma source(%arg11 : memref<80x128xf32, #tpu.memory_space<vmem>>) target(%dma_start3A_235 : memref<80x128xf32, #tpu.memory_space<vmem_shared>>) target_semaphore(%arg15 : memref<!tpu.dma_semaphore, #tpu.memory_space<semaphore_mem>>)
    %add3A_236 = arith.constant 80 : i32
    %add3A_237 = arith.addi %mul3A_229, %add3A_236 : i32
    %dma_start3A_238 = arith.constant 0 : i32
    %dma_start3A_239 = tpu.memref_slice %arg12[%add3A_237, %dma_start3A_238] : memref<10112x128xf32, #tpu.memory_space<vmem_shared>> -> memref<80x128xf32, #tpu.memory_space<vmem_shared>>
    %dma_start3A_240 = arith.constant 0 : i32
    %dma_start3A_241 = tpu.memref_slice %arg12[%add3A_237, %dma_start3A_240] : memref<10112x128xf32, #tpu.memory_space<vmem_shared>> -> memref<80x128xf32, #tpu.memory_space<vmem_shared>>
    tpu.enqueue_dma source(%arg11 : memref<80x128xf32, #tpu.memory_space<vmem>>) target(%dma_start3A_241 : memref<80x128xf32, #tpu.memory_space<vmem_shared>>) target_semaphore(%arg15 : memref<!tpu.dma_semaphore, #tpu.memory_space<semaphore_mem>>)
    %add3A_242 = arith.constant 160 : i32
    %add3A_243 = arith.addi %mul3A_229, %add3A_242 : i32
    %dma_start3A_244 = arith.constant 0 : i32
    %dma_start3A_245 = tpu.memref_slice %arg12[%add3A_243, %dma_start3A_244] : memref<10112x128xf32, #tpu.memory_space<vmem_shared>> -> memref<80x128xf32, #tpu.memory_space<vmem_shared>>
    %dma_start3A_246 = arith.constant 0 : i32
    %dma_start3A_247 = tpu.memref_slice %arg12[%add3A_243, %dma_start3A_246] : memref<10112x128xf32, #tpu.memory_space<vmem_shared>> -> memref<80x128xf32, #tpu.memory_space<vmem_shared>>
    tpu.enqueue_dma source(%arg11 : memref<80x128xf32, #tpu.memory_space<vmem>>) target(%dma_start3A_247 : memref<80x128xf32, #tpu.memory_space<vmem_shared>>) target_semaphore(%arg15 : memref<!tpu.dma_semaphore, #tpu.memory_space<semaphore_mem>>)
    %add3A_248 = arith.constant 240 : i32
    %add3A_249 = arith.addi %mul3A_229, %add3A_248 : i32
    %dma_start3A_250 = arith.constant 0 : i32
    %dma_start3A_251 = tpu.memref_slice %arg12[%add3A_249, %dma_start3A_250] : memref<10112x128xf32, #tpu.memory_space<vmem_shared>> -> memref<80x128xf32, #tpu.memory_space<vmem_shared>>
    %dma_start3A_252 = arith.constant 0 : i32
    %dma_start3A_253 = tpu.memref_slice %arg12[%add3A_249, %dma_start3A_252] : memref<10112x128xf32, #tpu.memory_space<vmem_shared>> -> memref<80x128xf32, #tpu.memory_space<vmem_shared>>
    tpu.enqueue_dma source(%arg11 : memref<80x128xf32, #tpu.memory_space<vmem>>) target(%dma_start3A_253 : memref<80x128xf32, #tpu.memory_space<vmem_shared>>) target_semaphore(%arg15 : memref<!tpu.dma_semaphore, #tpu.memory_space<semaphore_mem>>)
    %add3A_254 = arith.constant 320 : i32
    %add3A_255 = arith.addi %mul3A_229, %add3A_254 : i32
    %dma_start3A_256 = arith.constant 0 : i32
    %dma_start3A_257 = tpu.memref_slice %arg12[%add3A_255, %dma_start3A_256] : memref<10112x128xf32, #tpu.memory_space<vmem_shared>> -> memref<80x128xf32, #tpu.memory_space<vmem_shared>>
    %dma_start3A_258 = arith.constant 0 : i32
    %dma_start3A_259 = tpu.memref_slice %arg12[%add3A_255, %dma_start3A_258] : memref<10112x128xf32, #tpu.memory_space<vmem_shared>> -> memref<80x128xf32, #tpu.memory_space<vmem_shared>>
    tpu.enqueue_dma source(%arg11 : memref<80x128xf32, #tpu.memory_space<vmem>>) target(%dma_start3A_259 : memref<80x128xf32, #tpu.memory_space<vmem_shared>>) target_semaphore(%arg15 : memref<!tpu.dma_semaphore, #tpu.memory_space<semaphore_mem>>)
    %add3A_260 = arith.constant 400 : i32
    %add3A_261 = arith.addi %mul3A_229, %add3A_260 : i32
    %dma_start3A_262 = arith.constant 0 : i32
    %dma_start3A_263 = tpu.memref_slice %arg12[%add3A_261, %dma_start3A_262] : memref<10112x128xf32, #tpu.memory_space<vmem_shared>> -> memref<80x128xf32, #tpu.memory_space<vmem_shared>>
    %dma_start3A_264 = arith.constant 0 : i32
    %dma_start3A_265 = tpu.memref_slice %arg12[%add3A_261, %dma_start3A_264] : memref<10112x128xf32, #tpu.memory_space<vmem_shared>> -> memref<80x128xf32, #tpu.memory_space<vmem_shared>>
    tpu.enqueue_dma source(%arg11 : memref<80x128xf32, #tpu.memory_space<vmem>>) target(%dma_start3A_265 : memref<80x128xf32, #tpu.memory_space<vmem_shared>>) target_semaphore(%arg15 : memref<!tpu.dma_semaphore, #tpu.memory_space<semaphore_mem>>)
    %add3A_266 = arith.constant 480 : i32
    %add3A_267 = arith.addi %mul3A_229, %add3A_266 : i32
    %dma_start3A_268 = arith.constant 0 : i32
    %dma_start3A_269 = tpu.memref_slice %arg12[%add3A_267, %dma_start3A_268] : memref<10112x128xf32, #tpu.memory_space<vmem_shared>> -> memref<80x128xf32, #tpu.memory_space<vmem_shared>>
    %dma_start3A_270 = arith.constant 0 : i32
    %dma_start3A_271 = tpu.memref_slice %arg12[%add3A_267, %dma_start3A_270] : memref<10112x128xf32, #tpu.memory_space<vmem_shared>> -> memref<80x128xf32, #tpu.memory_space<vmem_shared>>
    tpu.enqueue_dma source(%arg11 : memref<80x128xf32, #tpu.memory_space<vmem>>) target(%dma_start3A_271 : memref<80x128xf32, #tpu.memory_space<vmem_shared>>) target_semaphore(%arg15 : memref<!tpu.dma_semaphore, #tpu.memory_space<semaphore_mem>>)
    %add3A_272 = arith.constant 560 : i32
    %add3A_273 = arith.addi %mul3A_229, %add3A_272 : i32
    %dma_start3A_274 = arith.constant 0 : i32
    %dma_start3A_275 = arith.constant 0 : i32
    %dma_start3A_276 = tpu.memref_slice %arg11[%dma_start3A_274, %dma_start3A_275] : memref<80x128xf32, #tpu.memory_space<vmem>> -> memref<72x128xf32, #tpu.memory_space<vmem>>
    %dma_start3A_277 = arith.constant 0 : i32
    %dma_start3A_278 = tpu.memref_slice %arg12[%add3A_273, %dma_start3A_277] : memref<10112x128xf32, #tpu.memory_space<vmem_shared>> -> memref<72x128xf32, #tpu.memory_space<vmem_shared>>
    %dma_start3A_279 = arith.constant 0 : i32
    %dma_start3A_280 = tpu.memref_slice %arg12[%add3A_273, %dma_start3A_279] : memref<10112x128xf32, #tpu.memory_space<vmem_shared>> -> memref<72x128xf32, #tpu.memory_space<vmem_shared>>
    %dma_start3A_281 = arith.constant 0 : i32
    %dma_start3A_282 = arith.constant 0 : i32
    %dma_start3A_283 = tpu.memref_slice %arg11[%dma_start3A_281, %dma_start3A_282] : memref<80x128xf32, #tpu.memory_space<vmem>> -> memref<72x128xf32, #tpu.memory_space<vmem>>
    tpu.enqueue_dma source(%dma_start3A_283 : memref<72x128xf32, #tpu.memory_space<vmem>>) target(%dma_start3A_280 : memref<72x128xf32, #tpu.memory_space<vmem_shared>>) target_semaphore(%arg15 : memref<!tpu.dma_semaphore, #tpu.memory_space<semaphore_mem>>)
    %add3A_284 = arith.constant 0 : i32
    %add3A_285 = arith.addi %mul3A_229, %add3A_284 : i32
    %dma_wait3A = arith.constant 0 : i32
    %dma_wait3A_286 = tpu.memref_slice %arg12[%add3A_285, %dma_wait3A] : memref<10112x128xf32, #tpu.memory_space<vmem_shared>> -> memref<80x128xf32, #tpu.memory_space<vmem_shared>>
    %dma_wait3A_287 = arith.constant 0 : i32
    %dma_wait3A_288 = tpu.memref_slice %arg12[%add3A_285, %dma_wait3A_287] : memref<10112x128xf32, #tpu.memory_space<vmem_shared>> -> memref<80x128xf32, #tpu.memory_space<vmem_shared>>
    tpu.wait_dma2 semaphore(%arg15 : memref<!tpu.dma_semaphore, #tpu.memory_space<semaphore_mem>>) src(%arg11 : memref<80x128xf32, #tpu.memory_space<vmem>>) dst(%dma_wait3A_288 : memref<80x128xf32, #tpu.memory_space<vmem_shared>>)
    %add3A_289 = arith.constant 80 : i32
    %add3A_290 = arith.addi %mul3A_229, %add3A_289 : i32
    %dma_wait3A_291 = arith.constant 0 : i32
    %dma_wait3A_292 = tpu.memref_slice %arg12[%add3A_290, %dma_wait3A_291] : memref<10112x128xf32, #tpu.memory_space<vmem_shared>> -> memref<80x128xf32, #tpu.memory_space<vmem_shared>>
    %dma_wait3A_293 = arith.constant 0 : i32
    %dma_wait3A_294 = tpu.memref_slice %arg12[%add3A_290, %dma_wait3A_293] : memref<10112x128xf32, #tpu.memory_space<vmem_shared>> -> memref<80x128xf32, #tpu.memory_space<vmem_shared>>
    tpu.wait_dma2 semaphore(%arg15 : memref<!tpu.dma_semaphore, #tpu.memory_space<semaphore_mem>>) src(%arg11 : memref<80x128xf32, #tpu.memory_space<vmem>>) dst(%dma_wait3A_294 : memref<80x128xf32, #tpu.memory_space<vmem_shared>>)
    %add3A_295 = arith.constant 160 : i32
    %add3A_296 = arith.addi %mul3A_229, %add3A_295 : i32
    %dma_wait3A_297 = arith.constant 0 : i32
    %dma_wait3A_298 = tpu.memref_slice %arg12[%add3A_296, %dma_wait3A_297] : memref<10112x128xf32, #tpu.memory_space<vmem_shared>> -> memref<80x128xf32, #tpu.memory_space<vmem_shared>>
    %dma_wait3A_299 = arith.constant 0 : i32
    %dma_wait3A_300 = tpu.memref_slice %arg12[%add3A_296, %dma_wait3A_299] : memref<10112x128xf32, #tpu.memory_space<vmem_shared>> -> memref<80x128xf32, #tpu.memory_space<vmem_shared>>
    tpu.wait_dma2 semaphore(%arg15 : memref<!tpu.dma_semaphore, #tpu.memory_space<semaphore_mem>>) src(%arg11 : memref<80x128xf32, #tpu.memory_space<vmem>>) dst(%dma_wait3A_300 : memref<80x128xf32, #tpu.memory_space<vmem_shared>>)
    %add3A_301 = arith.constant 240 : i32
    %add3A_302 = arith.addi %mul3A_229, %add3A_301 : i32
    %dma_wait3A_303 = arith.constant 0 : i32
    %dma_wait3A_304 = tpu.memref_slice %arg12[%add3A_302, %dma_wait3A_303] : memref<10112x128xf32, #tpu.memory_space<vmem_shared>> -> memref<80x128xf32, #tpu.memory_space<vmem_shared>>
    %dma_wait3A_305 = arith.constant 0 : i32
    %dma_wait3A_306 = tpu.memref_slice %arg12[%add3A_302, %dma_wait3A_305] : memref<10112x128xf32, #tpu.memory_space<vmem_shared>> -> memref<80x128xf32, #tpu.memory_space<vmem_shared>>
    tpu.wait_dma2 semaphore(%arg15 : memref<!tpu.dma_semaphore, #tpu.memory_space<semaphore_mem>>) src(%arg11 : memref<80x128xf32, #tpu.memory_space<vmem>>) dst(%dma_wait3A_306 : memref<80x128xf32, #tpu.memory_space<vmem_shared>>)
    %add3A_307 = arith.constant 320 : i32
    %add3A_308 = arith.addi %mul3A_229, %add3A_307 : i32
    %dma_wait3A_309 = arith.constant 0 : i32
    %dma_wait3A_310 = tpu.memref_slice %arg12[%add3A_308, %dma_wait3A_309] : memref<10112x128xf32, #tpu.memory_space<vmem_shared>> -> memref<80x128xf32, #tpu.memory_space<vmem_shared>>
    %dma_wait3A_311 = arith.constant 0 : i32
    %dma_wait3A_312 = tpu.memref_slice %arg12[%add3A_308, %dma_wait3A_311] : memref<10112x128xf32, #tpu.memory_space<vmem_shared>> -> memref<80x128xf32, #tpu.memory_space<vmem_shared>>
    tpu.wait_dma2 semaphore(%arg15 : memref<!tpu.dma_semaphore, #tpu.memory_space<semaphore_mem>>) src(%arg11 : memref<80x128xf32, #tpu.memory_space<vmem>>) dst(%dma_wait3A_312 : memref<80x128xf32, #tpu.memory_space<vmem_shared>>)
    %add3A_313 = arith.constant 400 : i32
    %add3A_314 = arith.addi %mul3A_229, %add3A_313 : i32
    %dma_wait3A_315 = arith.constant 0 : i32
    %dma_wait3A_316 = tpu.memref_slice %arg12[%add3A_314, %dma_wait3A_315] : memref<10112x128xf32, #tpu.memory_space<vmem_shared>> -> memref<80x128xf32, #tpu.memory_space<vmem_shared>>
    %dma_wait3A_317 = arith.constant 0 : i32
    %dma_wait3A_318 = tpu.memref_slice %arg12[%add3A_314, %dma_wait3A_317] : memref<10112x128xf32, #tpu.memory_space<vmem_shared>> -> memref<80x128xf32, #tpu.memory_space<vmem_shared>>
    tpu.wait_dma2 semaphore(%arg15 : memref<!tpu.dma_semaphore, #tpu.memory_space<semaphore_mem>>) src(%arg11 : memref<80x128xf32, #tpu.memory_space<vmem>>) dst(%dma_wait3A_318 : memref<80x128xf32, #tpu.memory_space<vmem_shared>>)
    %add3A_319 = arith.constant 480 : i32
    %add3A_320 = arith.addi %mul3A_229, %add3A_319 : i32
    %dma_wait3A_321 = arith.constant 0 : i32
    %dma_wait3A_322 = tpu.memref_slice %arg12[%add3A_320, %dma_wait3A_321] : memref<10112x128xf32, #tpu.memory_space<vmem_shared>> -> memref<80x128xf32, #tpu.memory_space<vmem_shared>>
    %dma_wait3A_323 = arith.constant 0 : i32
    %dma_wait3A_324 = tpu.memref_slice %arg12[%add3A_320, %dma_wait3A_323] : memref<10112x128xf32, #tpu.memory_space<vmem_shared>> -> memref<80x128xf32, #tpu.memory_space<vmem_shared>>
    tpu.wait_dma2 semaphore(%arg15 : memref<!tpu.dma_semaphore, #tpu.memory_space<semaphore_mem>>) src(%arg11 : memref<80x128xf32, #tpu.memory_space<vmem>>) dst(%dma_wait3A_324 : memref<80x128xf32, #tpu.memory_space<vmem_shared>>)
    %add3A_325 = arith.constant 560 : i32
    %add3A_326 = arith.addi %mul3A_229, %add3A_325 : i32
    %dma_wait3A_327 = arith.constant 0 : i32
    %dma_wait3A_328 = arith.constant 0 : i32
    %dma_wait3A_329 = tpu.memref_slice %arg11[%dma_wait3A_327, %dma_wait3A_328] : memref<80x128xf32, #tpu.memory_space<vmem>> -> memref<72x128xf32, #tpu.memory_space<vmem>>
    %dma_wait3A_330 = arith.constant 0 : i32
    %dma_wait3A_331 = tpu.memref_slice %arg12[%add3A_326, %dma_wait3A_330] : memref<10112x128xf32, #tpu.memory_space<vmem_shared>> -> memref<72x128xf32, #tpu.memory_space<vmem_shared>>
    %dma_wait3A_332 = arith.constant 0 : i32
    %dma_wait3A_333 = tpu.memref_slice %arg12[%add3A_326, %dma_wait3A_332] : memref<10112x128xf32, #tpu.memory_space<vmem_shared>> -> memref<72x128xf32, #tpu.memory_space<vmem_shared>>
    %dma_wait3A_334 = arith.constant 0 : i32
    %dma_wait3A_335 = arith.constant 0 : i32
    %dma_wait3A_336 = tpu.memref_slice %arg11[%dma_wait3A_334, %dma_wait3A_335] : memref<80x128xf32, #tpu.memory_space<vmem>> -> memref<72x128xf32, #tpu.memory_space<vmem>>
    tpu.wait_dma2 semaphore(%arg15 : memref<!tpu.dma_semaphore, #tpu.memory_space<semaphore_mem>>) src(%dma_wait3A_336 : memref<72x128xf32, #tpu.memory_space<vmem>>) dst(%dma_wait3A_333 : memref<72x128xf32, #tpu.memory_space<vmem_shared>>)
    %get3A_337 = arith.constant 160 : index
    %get3A_338 = tpu.vector_load %arg5[%get3A_337] {strides = array<i32>} : memref<10000xi32, #tpu.memory_space<vmem>>, vector<16xi32>,
    %get3A_339 = vector.shape_cast %get3A_338 : vector<16xi32> to vector<16xi32>
    %and3A_340 = arith.constant 65535 : i32
    %and3A_341 = vector.broadcast %and3A_340 : i32 to vector<16xi32>
    %and3A_342 = arith.andi %get3A_339, %and3A_341 : vector<16xi32>
    %swap3A_343 = arith.constant 0 : i32
    %swap3A_344 = arith.index_cast %swap3A_343 : i32 to index
    %swap3A_345 = arith.constant 0 : index
    %swap3A_346 = tpu.vector_load %arg8[%swap3A_344, %swap3A_345] {strides = array<i32>} : memref<2x80xi32, #tpu.memory_space<vmem>>, vector<1x16xi32>,
    %swap3A_347 = vector.shape_cast %swap3A_346 : vector<1x16xi32> to vector<16xi32>
    %swap3A_348 = vector.shape_cast %and3A_342 : vector<16xi32> to vector<1x16xi32>
    tpu.vector_store %arg8[%swap3A_344, %swap3A_345], %swap3A_348 {strides = array<i32>} : memref<2x80xi32, #tpu.memory_space<vmem>>, vector<1x16xi32>,
    %shift_right_logical3A_349 = arith.constant 16 : i32
    %shift_right_logical3A_350 = vector.broadcast %shift_right_logical3A_349 : i32 to vector<16xi32>
    %shift_right_logical3A_351 = arith.shrui %get3A_339, %shift_right_logical3A_350 : vector<16xi32>
    %swap3A_352 = arith.constant 1 : i32
    %swap3A_353 = arith.index_cast %swap3A_352 : i32 to index
    %swap3A_354 = arith.constant 0 : index
    %swap3A_355 = tpu.vector_load %arg8[%swap3A_353, %swap3A_354] {strides = array<i32>} : memref<2x80xi32, #tpu.memory_space<vmem>>, vector<1x16xi32>,
    %swap3A_356 = vector.shape_cast %swap3A_355 : vector<1x16xi32> to vector<16xi32>
    %swap3A_357 = vector.shape_cast %shift_right_logical3A_351 : vector<16xi32> to vector<1x16xi32>
    tpu.vector_store %arg8[%swap3A_353, %swap3A_354], %swap3A_357 {strides = array<i32>} : memref<2x80xi32, #tpu.memory_space<vmem>>, vector<1x16xi32>,
    %get3A_358 = arith.constant 176 : index
    %get3A_359 = tpu.vector_load %arg5[%get3A_358] {strides = array<i32>} : memref<10000xi32, #tpu.memory_space<vmem>>, vector<16xi32>,
    %get3A_360 = vector.shape_cast %get3A_359 : vector<16xi32> to vector<16xi32>
    %and3A_361 = arith.constant 65535 : i32
    %and3A_362 = vector.broadcast %and3A_361 : i32 to vector<16xi32>
    %and3A_363 = arith.andi %get3A_360, %and3A_362 : vector<16xi32>
    %swap3A_364 = arith.constant 0 : i32
    %swap3A_365 = arith.index_cast %swap3A_364 : i32 to index
    %swap3A_366 = arith.constant 16 : index
    %swap3A_367 = tpu.vector_load %arg8[%swap3A_365, %swap3A_366] {strides = array<i32>} : memref<2x80xi32, #tpu.memory_space<vmem>>, vector<1x16xi32>,
    %swap3A_368 = vector.shape_cast %swap3A_367 : vector<1x16xi32> to vector<16xi32>
    %swap3A_369 = vector.shape_cast %and3A_363 : vector<16xi32> to vector<1x16xi32>
    tpu.vector_store %arg8[%swap3A_365, %swap3A_366], %swap3A_369 {strides = array<i32>} : memref<2x80xi32, #tpu.memory_space<vmem>>, vector<1x16xi32>,
    %shift_right_logical3A_370 = arith.constant 16 : i32
    %shift_right_logical3A_371 = vector.broadcast %shift_right_logical3A_370 : i32 to vector<16xi32>
    %shift_right_logical3A_372 = arith.shrui %get3A_360, %shift_right_logical3A_371 : vector<16xi32>
    %swap3A_373 = arith.constant 1 : i32
    %swap3A_374 = arith.index_cast %swap3A_373 : i32 to index
    %swap3A_375 = arith.constant 16 : index
    %swap3A_376 = tpu.vector_load %arg8[%swap3A_374, %swap3A_375] {strides = array<i32>} : memref<2x80xi32, #tpu.memory_space<vmem>>, vector<1x16xi32>,
    %swap3A_377 = vector.shape_cast %swap3A_376 : vector<1x16xi32> to vector<16xi32>
    %swap3A_378 = vector.shape_cast %shift_right_logical3A_372 : vector<16xi32> to vector<1x16xi32>
    tpu.vector_store %arg8[%swap3A_374, %swap3A_375], %swap3A_378 {strides = array<i32>} : memref<2x80xi32, #tpu.memory_space<vmem>>, vector<1x16xi32>,
    %get3A_379 = arith.constant 192 : index
    %get3A_380 = tpu.vector_load %arg5[%get3A_379] {strides = array<i32>} : memref<10000xi32, #tpu.memory_space<vmem>>, vector<16xi32>,
    %get3A_381 = vector.shape_cast %get3A_380 : vector<16xi32> to vector<16xi32>
    %and3A_382 = arith.constant 65535 : i32
    %and3A_383 = vector.broadcast %and3A_382 : i32 to vector<16xi32>
    %and3A_384 = arith.andi %get3A_381, %and3A_383 : vector<16xi32>
    %swap3A_385 = arith.constant 0 : i32
    %swap3A_386 = arith.index_cast %swap3A_385 : i32 to index
    %swap3A_387 = arith.constant 32 : index
    %swap3A_388 = tpu.vector_load %arg8[%swap3A_386, %swap3A_387] {strides = array<i32>} : memref<2x80xi32, #tpu.memory_space<vmem>>, vector<1x16xi32>,
    %swap3A_389 = vector.shape_cast %swap3A_388 : vector<1x16xi32> to vector<16xi32>
    %swap3A_390 = vector.shape_cast %and3A_384 : vector<16xi32> to vector<1x16xi32>
    tpu.vector_store %arg8[%swap3A_386, %swap3A_387], %swap3A_390 {strides = array<i32>} : memref<2x80xi32, #tpu.memory_space<vmem>>, vector<1x16xi32>,
    %shift_right_logical3A_391 = arith.constant 16 : i32
    %shift_right_logical3A_392 = vector.broadcast %shift_right_logical3A_391 : i32 to vector<16xi32>
    %shift_right_logical3A_393 = arith.shrui %get3A_381, %shift_right_logical3A_392 : vector<16xi32>
    %swap3A_394 = arith.constant 1 : i32
    %swap3A_395 = arith.index_cast %swap3A_394 : i32 to index
    %swap3A_396 = arith.constant 32 : index
    %swap3A_397 = tpu.vector_load %arg8[%swap3A_395, %swap3A_396] {strides = array<i32>} : memref<2x80xi32, #tpu.memory_space<vmem>>, vector<1x16xi32>,
    %swap3A_398 = vector.shape_cast %swap3A_397 : vector<1x16xi32> to vector<16xi32>
    %swap3A_399 = vector.shape_cast %shift_right_logical3A_393 : vector<16xi32> to vector<1x16xi32>
    tpu.vector_store %arg8[%swap3A_395, %swap3A_396], %swap3A_399 {strides = array<i32>} : memref<2x80xi32, #tpu.memory_space<vmem>>, vector<1x16xi32>,
    %get3A_400 = arith.constant 208 : index
    %get3A_401 = tpu.vector_load %arg5[%get3A_400] {strides = array<i32>} : memref<10000xi32, #tpu.memory_space<vmem>>, vector<16xi32>,
    %get3A_402 = vector.shape_cast %get3A_401 : vector<16xi32> to vector<16xi32>
    %and3A_403 = arith.constant 65535 : i32
    %and3A_404 = vector.broadcast %and3A_403 : i32 to vector<16xi32>
    %and3A_405 = arith.andi %get3A_402, %and3A_404 : vector<16xi32>
    %swap3A_406 = arith.constant 0 : i32
    %swap3A_407 = arith.index_cast %swap3A_406 : i32 to index
    %swap3A_408 = arith.constant 48 : index
    %swap3A_409 = tpu.vector_load %arg8[%swap3A_407, %swap3A_408] {strides = array<i32>} : memref<2x80xi32, #tpu.memory_space<vmem>>, vector<1x16xi32>,
    %swap3A_410 = vector.shape_cast %swap3A_409 : vector<1x16xi32> to vector<16xi32>
    %swap3A_411 = vector.shape_cast %and3A_405 : vector<16xi32> to vector<1x16xi32>
    tpu.vector_store %arg8[%swap3A_407, %swap3A_408], %swap3A_411 {strides = array<i32>} : memref<2x80xi32, #tpu.memory_space<vmem>>, vector<1x16xi32>,
    %shift_right_logical3A_412 = arith.constant 16 : i32
    %shift_right_logical3A_413 = vector.broadcast %shift_right_logical3A_412 : i32 to vector<16xi32>
    %shift_right_logical3A_414 = arith.shrui %get3A_402, %shift_right_logical3A_413 : vector<16xi32>
    %swap3A_415 = arith.constant 1 : i32
    %swap3A_416 = arith.index_cast %swap3A_415 : i32 to index
    %swap3A_417 = arith.constant 48 : index
    %swap3A_418 = tpu.vector_load %arg8[%swap3A_416, %swap3A_417] {strides = array<i32>} : memref<2x80xi32, #tpu.memory_space<vmem>>, vector<1x16xi32>,
    %swap3A_419 = vector.shape_cast %swap3A_418 : vector<1x16xi32> to vector<16xi32>
    %swap3A_420 = vector.shape_cast %shift_right_logical3A_414 : vector<16xi32> to vector<1x16xi32>
    tpu.vector_store %arg8[%swap3A_416, %swap3A_417], %swap3A_420 {strides = array<i32>} : memref<2x80xi32, #tpu.memory_space<vmem>>, vector<1x16xi32>,
    %get3A_421 = arith.constant 224 : index
    %get3A_422 = tpu.vector_load %arg5[%get3A_421] {strides = array<i32>} : memref<10000xi32, #tpu.memory_space<vmem>>, vector<16xi32>,
    %get3A_423 = vector.shape_cast %get3A_422 : vector<16xi32> to vector<16xi32>
    %and3A_424 = arith.constant 65535 : i32
    %and3A_425 = vector.broadcast %and3A_424 : i32 to vector<16xi32>
    %and3A_426 = arith.andi %get3A_423, %and3A_425 : vector<16xi32>
    %swap3A_427 = arith.constant 0 : i32
    %swap3A_428 = arith.index_cast %swap3A_427 : i32 to index
    %swap3A_429 = arith.constant 64 : index
    %swap3A_430 = tpu.vector_load %arg8[%swap3A_428, %swap3A_429] {strides = array<i32>} : memref<2x80xi32, #tpu.memory_space<vmem>>, vector<1x16xi32>,
    %swap3A_431 = vector.shape_cast %swap3A_430 : vector<1x16xi32> to vector<16xi32>
    %swap3A_432 = vector.shape_cast %and3A_426 : vector<16xi32> to vector<1x16xi32>
    tpu.vector_store %arg8[%swap3A_428, %swap3A_429], %swap3A_432 {strides = array<i32>} : memref<2x80xi32, #tpu.memory_space<vmem>>, vector<1x16xi32>,
    %shift_right_logical3A_433 = arith.constant 16 : i32
    %shift_right_logical3A_434 = vector.broadcast %shift_right_logical3A_433 : i32 to vector<16xi32>
    %shift_right_logical3A_435 = arith.shrui %get3A_423, %shift_right_logical3A_434 : vector<16xi32>
    %swap3A_436 = arith.constant 1 : i32
    %swap3A_437 = arith.index_cast %swap3A_436 : i32 to index
    %swap3A_438 = arith.constant 64 : index
    %swap3A_439 = tpu.vector_load %arg8[%swap3A_437, %swap3A_438] {strides = array<i32>} : memref<2x80xi32, #tpu.memory_space<vmem>>, vector<1x16xi32>,
    %swap3A_440 = vector.shape_cast %swap3A_439 : vector<1x16xi32> to vector<16xi32>
    %swap3A_441 = vector.shape_cast %shift_right_logical3A_435 : vector<16xi32> to vector<1x16xi32>
    tpu.vector_store %arg8[%swap3A_437, %swap3A_438], %swap3A_441 {strides = array<i32>} : memref<2x80xi32, #tpu.memory_space<vmem>>, vector<1x16xi32>,
    %dma_start3A_442 = arith.constant 0 : i32
    %dma_start3A_443 = arith.constant 0 : i32
    %dma_start3A_444 = tpu.memref_slice %arg8[%dma_start3A_442, %dma_start3A_443] : memref<2x80xi32, #tpu.memory_space<vmem>> -> memref<1x80xi32, #tpu.memory_space<vmem>>
    %dma_start3A_445 = tpu.memref_squeeze %dma_start3A_444 : memref<1x80xi32, #tpu.memory_space<vmem>> -> memref<80xi32, #tpu.memory_space<vmem>>
    %dma_start3A_446 = arith.constant 0 : i32
    %dma_start3A_447 = arith.constant 0 : i32
    %dma_start3A_448 = tpu.memref_slice %arg2[%dma_start3A_446, %dma_start3A_447] : memref<10000x128xf32, #tpu.memory_space<hbm>> -> memref<10000x128xf32, #tpu.memory_space<hbm>>
    tpu.enqueue_indirect_dma source(%dma_start3A_448 : memref<10000x128xf32, #tpu.memory_space<hbm>>) target(%arg11 : memref<80x128xf32, #tpu.memory_space<vmem>>) offsets(%dma_start3A_445 : memref<80xi32, #tpu.memory_space<vmem>>) semaphore(%arg15 : memref<!tpu.dma_semaphore, #tpu.memory_space<semaphore_mem>>)
    %barrier3A = arith.constant 0 : index
    tpu.barrier barrier_id(%barrier3A)
    %scan3A_449 = arith.constant 0 : i32
    %scan3A_450 = arith.constant 0 : i32
    %scan3A_451 = arith.constant 42 : i32
    %scan3A_452 = arith.addi %scan3A_450, %scan3A_451 : i32
    %scan3A_453 = arith.constant 1 : i32
    scf.for %scan3A_481 = %scan3A_450 to %scan3A_452 step %scan3A_453  : i32 {
      %mul3A_482 = arith.constant 3 : i32
      %mul3A_483 = arith.muli %mul3A_482, %scan3A_481 : i32
      %add3A_484 = arith.constant 0 : i32
      %add3A_485 = arith.addi %mul3A_483, %add3A_484 : i32
      %lt3A = arith.constant 125 : i32
      %lt3A_486 = arith.cmpi slt, %add3A_485, %lt3A : i32
      %convert_element_type3A = arith.extui %lt3A_486 : i1 to i32
      %cond3A = arith.constant 0 : i32
      %cond3A_487 = arith.cmpi ne, %convert_element_type3A, %cond3A : i32
      scf.if %cond3A_487 {
        %dma_wait3A_535 = arith.constant 0 : i32
        %dma_wait3A_536 = arith.constant 0 : i32
        %dma_wait3A_537 = tpu.memref_slice %arg6[%dma_wait3A_535, %dma_wait3A_536] : memref<2x80xi32, #tpu.memory_space<vmem>> -> memref<1x80xi32, #tpu.memory_space<vmem>>
        %dma_wait3A_538 = tpu.memref_squeeze %dma_wait3A_537 : memref<1x80xi32, #tpu.memory_space<vmem>> -> memref<80xi32, #tpu.memory_space<vmem>>
        %dma_wait3A_539 = arith.constant 0 : i32
        %dma_wait3A_540 = arith.constant 0 : i32
        %dma_wait3A_541 = tpu.memref_slice %arg2[%dma_wait3A_539, %dma_wait3A_540] : memref<10000x128xf32, #tpu.memory_space<hbm>> -> memref<10000x128xf32, #tpu.memory_space<hbm>>
        tpu.wait_indirect_dma semaphore(%arg13 : memref<!tpu.dma_semaphore, #tpu.memory_space<semaphore_mem>>) src(%dma_wait3A_541 : memref<10000x128xf32, #tpu.memory_space<hbm>>) dst(%arg9 : memref<80x128xf32, #tpu.memory_space<vmem>>)
        %dma_start3A_542 = arith.constant 1 : i32
        %dma_start3A_543 = arith.constant 0 : i32
        %dma_start3A_544 = tpu.memref_slice %arg6[%dma_start3A_542, %dma_start3A_543] : memref<2x80xi32, #tpu.memory_space<vmem>> -> memref<1x80xi32, #tpu.memory_space<vmem>>
        %dma_start3A_545 = tpu.memref_squeeze %dma_start3A_544 : memref<1x80xi32, #tpu.memory_space<vmem>> -> memref<80xi32, #tpu.memory_space<vmem>>
        %dma_start3A_546 = arith.constant 0 : i32
        %dma_start3A_547 = arith.constant 0 : i32
        %dma_start3A_548 = tpu.memref_slice %arg12[%dma_start3A_546, %dma_start3A_547] : memref<10112x128xf32, #tpu.memory_space<vmem_shared>> -> memref<10112x128xf32, #tpu.memory_space<vmem_shared>>
        tpu.enqueue_indirect_dma source(%arg9 : memref<80x128xf32, #tpu.memory_space<vmem>>) target(%dma_start3A_548 : memref<10112x128xf32, #tpu.memory_space<vmem_shared>>) offsets(%dma_start3A_545 : memref<80xi32, #tpu.memory_space<vmem>>) semaphore(%arg16 : memref<!tpu.dma_semaphore, #tpu.memory_space<semaphore_mem>>) {add = true}
      } else {
      }
      %ge3A = arith.constant 1 : i32
      %ge3A_488 = arith.cmpi sge, %add3A_485, %ge3A : i32
      %add3A_489 = arith.constant 2 : i32
      %add3A_490 = arith.addi %add3A_485, %add3A_489 : i32
      %lt3A_491 = arith.constant 125 : i32
      %lt3A_492 = arith.cmpi slt, %add3A_490, %lt3A_491 : i32
      %and3A_493 = arith.andi %ge3A_488, %lt3A_492 : i1
      %convert_element_type3A_494 = arith.extui %and3A_493 : i1 to i32
      %cond3A_495 = arith.constant 0 : i32
      %cond3A_496 = arith.cmpi ne, %convert_element_type3A_494, %cond3A_495 : i32
      scf.if %cond3A_496 {
        %dma_wait3A_535 = arith.constant 1 : i32
        %dma_wait3A_536 = arith.constant 0 : i32
        %dma_wait3A_537 = tpu.memref_slice %arg8[%dma_wait3A_535, %dma_wait3A_536] : memref<2x80xi32, #tpu.memory_space<vmem>> -> memref<1x80xi32, #tpu.memory_space<vmem>>
        %dma_wait3A_538 = tpu.memref_squeeze %dma_wait3A_537 : memref<1x80xi32, #tpu.memory_space<vmem>> -> memref<80xi32, #tpu.memory_space<vmem>>
        %dma_wait3A_539 = arith.constant 0 : i32
        %dma_wait3A_540 = arith.constant 0 : i32
        %dma_wait3A_541 = tpu.memref_slice %arg12[%dma_wait3A_539, %dma_wait3A_540] : memref<10112x128xf32, #tpu.memory_space<vmem_shared>> -> memref<10112x128xf32, #tpu.memory_space<vmem_shared>>
        tpu.wait_indirect_dma semaphore(%arg18 : memref<!tpu.dma_semaphore, #tpu.memory_space<semaphore_mem>>) src(%arg11 : memref<80x128xf32, #tpu.memory_space<vmem>>) dst(%dma_wait3A_541 : memref<10112x128xf32, #tpu.memory_space<vmem_shared>>)
        %add3A_542 = arith.constant 2 : i32
        %add3A_543 = arith.addi %add3A_485, %add3A_542 : i32
        %mul3A_544 = arith.constant 80 : i32
        %mul3A_545 = arith.muli %add3A_543, %mul3A_544 : i32
        %add3A_546 = arith.constant 0 : i32
        %add3A_547 = arith.addi %mul3A_545, %add3A_546 : i32
        %get3A_548 = arith.index_cast %add3A_547 : i32 to index
        %get3A_549 = tpu.vector_load %arg5[%get3A_548] {strides = array<i32>} : memref<10000xi32, #tpu.memory_space<vmem>>, vector<16xi32>,
        %get3A_550 = vector.shape_cast %get3A_549 : vector<16xi32> to vector<16xi32>
        %and3A_551 = arith.constant 65535 : i32
        %and3A_552 = vector.broadcast %and3A_551 : i32 to vector<16xi32>
        %and3A_553 = arith.andi %get3A_550, %and3A_552 : vector<16xi32>
        %swap3A_554 = arith.constant 0 : i32
        %swap3A_555 = arith.index_cast %swap3A_554 : i32 to index
        %swap3A_556 = arith.constant 0 : index
        %swap3A_557 = tpu.vector_load %arg8[%swap3A_555, %swap3A_556] {strides = array<i32>} : memref<2x80xi32, #tpu.memory_space<vmem>>, vector<1x16xi32>,
        %swap3A_558 = vector.shape_cast %swap3A_557 : vector<1x16xi32> to vector<16xi32>
        %swap3A_559 = vector.shape_cast %and3A_553 : vector<16xi32> to vector<1x16xi32>
        tpu.vector_store %arg8[%swap3A_555, %swap3A_556], %swap3A_559 {strides = array<i32>} : memref<2x80xi32, #tpu.memory_space<vmem>>, vector<1x16xi32>,
        %shift_right_logical3A_560 = arith.constant 16 : i32
        %shift_right_logical3A_561 = vector.broadcast %shift_right_logical3A_560 : i32 to vector<16xi32>
        %shift_right_logical3A_562 = arith.shrui %get3A_550, %shift_right_logical3A_561 : vector<16xi32>
        %swap3A_563 = arith.constant 1 : i32
        %swap3A_564 = arith.index_cast %swap3A_563 : i32 to index
        %swap3A_565 = arith.constant 0 : index
        %swap3A_566 = tpu.vector_load %arg8[%swap3A_564, %swap3A_565] {strides = array<i32>} : memref<2x80xi32, #tpu.memory_space<vmem>>, vector<1x16xi32>,
        %swap3A_567 = vector.shape_cast %swap3A_566 : vector<1x16xi32> to vector<16xi32>
        %swap3A_568 = vector.shape_cast %shift_right_logical3A_562 : vector<16xi32> to vector<1x16xi32>
        tpu.vector_store %arg8[%swap3A_564, %swap3A_565], %swap3A_568 {strides = array<i32>} : memref<2x80xi32, #tpu.memory_space<vmem>>, vector<1x16xi32>,
        %mul3A_569 = arith.constant 80 : i32
        %mul3A_570 = arith.muli %add3A_543, %mul3A_569 : i32
        %add3A_571 = arith.constant 16 : i32
        %add3A_572 = arith.addi %mul3A_570, %add3A_571 : i32
        %get3A_573 = arith.index_cast %add3A_572 : i32 to index
        %get3A_574 = tpu.vector_load %arg5[%get3A_573] {strides = array<i32>} : memref<10000xi32, #tpu.memory_space<vmem>>, vector<16xi32>,
        %get3A_575 = vector.shape_cast %get3A_574 : vector<16xi32> to vector<16xi32>
        %and3A_576 = arith.constant 65535 : i32
        %and3A_577 = vector.broadcast %and3A_576 : i32 to vector<16xi32>
        %and3A_578 = arith.andi %get3A_575, %and3A_577 : vector<16xi32>
        %swap3A_579 = arith.constant 0 : i32
        %swap3A_580 = arith.index_cast %swap3A_579 : i32 to index
        %swap3A_581 = arith.constant 16 : index
        %swap3A_582 = tpu.vector_load %arg8[%swap3A_580, %swap3A_581] {strides = array<i32>} : memref<2x80xi32, #tpu.memory_space<vmem>>, vector<1x16xi32>,
        %swap3A_583 = vector.shape_cast %swap3A_582 : vector<1x16xi32> to vector<16xi32>
        %swap3A_584 = vector.shape_cast %and3A_578 : vector<16xi32> to vector<1x16xi32>
        tpu.vector_store %arg8[%swap3A_580, %swap3A_581], %swap3A_584 {strides = array<i32>} : memref<2x80xi32, #tpu.memory_space<vmem>>, vector<1x16xi32>,
        %shift_right_logical3A_585 = arith.constant 16 : i32
        %shift_right_logical3A_586 = vector.broadcast %shift_right_logical3A_585 : i32 to vector<16xi32>
        %shift_right_logical3A_587 = arith.shrui %get3A_575, %shift_right_logical3A_586 : vector<16xi32>
        %swap3A_588 = arith.constant 1 : i32
        %swap3A_589 = arith.index_cast %swap3A_588 : i32 to index
        %swap3A_590 = arith.constant 16 : index
        %swap3A_591 = tpu.vector_load %arg8[%swap3A_589, %swap3A_590] {strides = array<i32>} : memref<2x80xi32, #tpu.memory_space<vmem>>, vector<1x16xi32>,
        %swap3A_592 = vector.shape_cast %swap3A_591 : vector<1x16xi32> to vector<16xi32>
        %swap3A_593 = vector.shape_cast %shift_right_logical3A_587 : vector<16xi32> to vector<1x16xi32>
        tpu.vector_store %arg8[%swap3A_589, %swap3A_590], %swap3A_593 {strides = array<i32>} : memref<2x80xi32, #tpu.memory_space<vmem>>, vector<1x16xi32>,
        %mul3A_594 = arith.constant 80 : i32
        %mul3A_595 = arith.muli %add3A_543, %mul3A_594 : i32
        %add3A_596 = arith.constant 32 : i32
        %add3A_597 = arith.addi %mul3A_595, %add3A_596 : i32
        %get3A_598 = arith.index_cast %add3A_597 : i32 to index
        %get3A_599 = tpu.vector_load %arg5[%get3A_598] {strides = array<i32>} : memref<10000xi32, #tpu.memory_space<vmem>>, vector<16xi32>,
        %get3A_600 = vector.shape_cast %get3A_599 : vector<16xi32> to vector<16xi32>
        %and3A_601 = arith.constant 65535 : i32
        %and3A_602 = vector.broadcast %and3A_601 : i32 to vector<16xi32>
        %and3A_603 = arith.andi %get3A_600, %and3A_602 : vector<16xi32>
        %swap3A_604 = arith.constant 0 : i32
        %swap3A_605 = arith.index_cast %swap3A_604 : i32 to index
        %swap3A_606 = arith.constant 32 : index
        %swap3A_607 = tpu.vector_load %arg8[%swap3A_605, %swap3A_606] {strides = array<i32>} : memref<2x80xi32, #tpu.memory_space<vmem>>, vector<1x16xi32>,
        %swap3A_608 = vector.shape_cast %swap3A_607 : vector<1x16xi32> to vector<16xi32>
        %swap3A_609 = vector.shape_cast %and3A_603 : vector<16xi32> to vector<1x16xi32>
        tpu.vector_store %arg8[%swap3A_605, %swap3A_606], %swap3A_609 {strides = array<i32>} : memref<2x80xi32, #tpu.memory_space<vmem>>, vector<1x16xi32>,
        %shift_right_logical3A_610 = arith.constant 16 : i32
        %shift_right_logical3A_611 = vector.broadcast %shift_right_logical3A_610 : i32 to vector<16xi32>
        %shift_right_logical3A_612 = arith.shrui %get3A_600, %shift_right_logical3A_611 : vector<16xi32>
        %swap3A_613 = arith.constant 1 : i32
        %swap3A_614 = arith.index_cast %swap3A_613 : i32 to index
        %swap3A_615 = arith.constant 32 : index
        %swap3A_616 = tpu.vector_load %arg8[%swap3A_614, %swap3A_615] {strides = array<i32>} : memref<2x80xi32, #tpu.memory_space<vmem>>, vector<1x16xi32>,
        %swap3A_617 = vector.shape_cast %swap3A_616 : vector<1x16xi32> to vector<16xi32>
        %swap3A_618 = vector.shape_cast %shift_right_logical3A_612 : vector<16xi32> to vector<1x16xi32>
        tpu.vector_store %arg8[%swap3A_614, %swap3A_615], %swap3A_618 {strides = array<i32>} : memref<2x80xi32, #tpu.memory_space<vmem>>, vector<1x16xi32>,
        %mul3A_619 = arith.constant 80 : i32
        %mul3A_620 = arith.muli %add3A_543, %mul3A_619 : i32
        %add3A_621 = arith.constant 48 : i32
        %add3A_622 = arith.addi %mul3A_620, %add3A_621 : i32
        %get3A_623 = arith.index_cast %add3A_622 : i32 to index
        %get3A_624 = tpu.vector_load %arg5[%get3A_623] {strides = array<i32>} : memref<10000xi32, #tpu.memory_space<vmem>>, vector<16xi32>,
        %get3A_625 = vector.shape_cast %get3A_624 : vector<16xi32> to vector<16xi32>
        %and3A_626 = arith.constant 65535 : i32
        %and3A_627 = vector.broadcast %and3A_626 : i32 to vector<16xi32>
        %and3A_628 = arith.andi %get3A_625, %and3A_627 : vector<16xi32>
        %swap3A_629 = arith.constant 0 : i32
        %swap3A_630 = arith.index_cast %swap3A_629 : i32 to index
        %swap3A_631 = arith.constant 48 : index
        %swap3A_632 = tpu.vector_load %arg8[%swap3A_630, %swap3A_631] {strides = array<i32>} : memref<2x80xi32, #tpu.memory_space<vmem>>, vector<1x16xi32>,
        %swap3A_633 = vector.shape_cast %swap3A_632 : vector<1x16xi32> to vector<16xi32>
        %swap3A_634 = vector.shape_cast %and3A_628 : vector<16xi32> to vector<1x16xi32>
        tpu.vector_store %arg8[%swap3A_630, %swap3A_631], %swap3A_634 {strides = array<i32>} : memref<2x80xi32, #tpu.memory_space<vmem>>, vector<1x16xi32>,
        %shift_right_logical3A_635 = arith.constant 16 : i32
        %shift_right_logical3A_636 = vector.broadcast %shift_right_logical3A_635 : i32 to vector<16xi32>
        %shift_right_logical3A_637 = arith.shrui %get3A_625, %shift_right_logical3A_636 : vector<16xi32>
        %swap3A_638 = arith.constant 1 : i32
        %swap3A_639 = arith.index_cast %swap3A_638 : i32 to index
        %swap3A_640 = arith.constant 48 : index
        %swap3A_641 = tpu.vector_load %arg8[%swap3A_639, %swap3A_640] {strides = array<i32>} : memref<2x80xi32, #tpu.memory_space<vmem>>, vector<1x16xi32>,
        %swap3A_642 = vector.shape_cast %swap3A_641 : vector<1x16xi32> to vector<16xi32>
        %swap3A_643 = vector.shape_cast %shift_right_logical3A_637 : vector<16xi32> to vector<1x16xi32>
        tpu.vector_store %arg8[%swap3A_639, %swap3A_640], %swap3A_643 {strides = array<i32>} : memref<2x80xi32, #tpu.memory_space<vmem>>, vector<1x16xi32>,
        %mul3A_644 = arith.constant 80 : i32
        %mul3A_645 = arith.muli %add3A_543, %mul3A_644 : i32
        %add3A_646 = arith.constant 64 : i32
        %add3A_647 = arith.addi %mul3A_645, %add3A_646 : i32
        %get3A_648 = arith.index_cast %add3A_647 : i32 to index
        %get3A_649 = tpu.vector_load %arg5[%get3A_648] {strides = array<i32>} : memref<10000xi32, #tpu.memory_space<vmem>>, vector<16xi32>,
        %get3A_650 = vector.shape_cast %get3A_649 : vector<16xi32> to vector<16xi32>
        %and3A_651 = arith.constant 65535 : i32
        %and3A_652 = vector.broadcast %and3A_651 : i32 to vector<16xi32>
        %and3A_653 = arith.andi %get3A_650, %and3A_652 : vector<16xi32>
        %swap3A_654 = arith.constant 0 : i32
        %swap3A_655 = arith.index_cast %swap3A_654 : i32 to index
        %swap3A_656 = arith.constant 64 : index
        %swap3A_657 = tpu.vector_load %arg8[%swap3A_655, %swap3A_656] {strides = array<i32>} : memref<2x80xi32, #tpu.memory_space<vmem>>, vector<1x16xi32>,
        %swap3A_658 = vector.shape_cast %swap3A_657 : vector<1x16xi32> to vector<16xi32>
        %swap3A_659 = vector.shape_cast %and3A_653 : vector<16xi32> to vector<1x16xi32>
        tpu.vector_store %arg8[%swap3A_655, %swap3A_656], %swap3A_659 {strides = array<i32>} : memref<2x80xi32, #tpu.memory_space<vmem>>, vector<1x16xi32>,
        %shift_right_logical3A_660 = arith.constant 16 : i32
        %shift_right_logical3A_661 = vector.broadcast %shift_right_logical3A_660 : i32 to vector<16xi32>
        %shift_right_logical3A_662 = arith.shrui %get3A_650, %shift_right_logical3A_661 : vector<16xi32>
        %swap3A_663 = arith.constant 1 : i32
        %swap3A_664 = arith.index_cast %swap3A_663 : i32 to index
        %swap3A_665 = arith.constant 64 : index
        %swap3A_666 = tpu.vector_load %arg8[%swap3A_664, %swap3A_665] {strides = array<i32>} : memref<2x80xi32, #tpu.memory_space<vmem>>, vector<1x16xi32>,
        %swap3A_667 = vector.shape_cast %swap3A_666 : vector<1x16xi32> to vector<16xi32>
        %swap3A_668 = vector.shape_cast %shift_right_logical3A_662 : vector<16xi32> to vector<1x16xi32>
        tpu.vector_store %arg8[%swap3A_664, %swap3A_665], %swap3A_668 {strides = array<i32>} : memref<2x80xi32, #tpu.memory_space<vmem>>, vector<1x16xi32>,
        %dma_start3A_669 = arith.constant 0 : i32
        %dma_start3A_670 = arith.constant 0 : i32
        %dma_start3A_671 = tpu.memref_slice %arg8[%dma_start3A_669, %dma_start3A_670] : memref<2x80xi32, #tpu.memory_space<vmem>> -> memref<1x80xi32, #tpu.memory_space<vmem>>
        %dma_start3A_672 = tpu.memref_squeeze %dma_start3A_671 : memref<1x80xi32, #tpu.memory_space<vmem>> -> memref<80xi32, #tpu.memory_space<vmem>>
        %dma_start3A_673 = arith.constant 0 : i32
        %dma_start3A_674 = arith.constant 0 : i32
        %dma_start3A_675 = tpu.memref_slice %arg2[%dma_start3A_673, %dma_start3A_674] : memref<10000x128xf32, #tpu.memory_space<hbm>> -> memref<10000x128xf32, #tpu.memory_space<hbm>>
        tpu.enqueue_indirect_dma source(%dma_start3A_675 : memref<10000x128xf32, #tpu.memory_space<hbm>>) target(%arg11 : memref<80x128xf32, #tpu.memory_space<vmem>>) offsets(%dma_start3A_672 : memref<80xi32, #tpu.memory_space<vmem>>) semaphore(%arg15 : memref<!tpu.dma_semaphore, #tpu.memory_space<semaphore_mem>>)
      } else {
      }
      %mul3A_497 = arith.constant 3 : i32
      %mul3A_498 = arith.muli %mul3A_497, %scan3A_481 : i32
      %add3A_499 = arith.constant 1 : i32
      %add3A_500 = arith.addi %mul3A_498, %add3A_499 : i32
      %lt3A_501 = arith.constant 125 : i32
      %lt3A_502 = arith.cmpi slt, %add3A_500, %lt3A_501 : i32
      %convert_element_type3A_503 = arith.extui %lt3A_502 : i1 to i32
      %cond3A_504 = arith.constant 0 : i32
      %cond3A_505 = arith.cmpi ne, %convert_element_type3A_503, %cond3A_504 : i32
      scf.if %cond3A_505 {
        %dma_wait3A_535 = arith.constant 0 : i32
        %dma_wait3A_536 = arith.constant 0 : i32
        %dma_wait3A_537 = tpu.memref_slice %arg7[%dma_wait3A_535, %dma_wait3A_536] : memref<2x80xi32, #tpu.memory_space<vmem>> -> memref<1x80xi32, #tpu.memory_space<vmem>>
        %dma_wait3A_538 = tpu.memref_squeeze %dma_wait3A_537 : memref<1x80xi32, #tpu.memory_space<vmem>> -> memref<80xi32, #tpu.memory_space<vmem>>
        %dma_wait3A_539 = arith.constant 0 : i32
        %dma_wait3A_540 = arith.constant 0 : i32
        %dma_wait3A_541 = tpu.memref_slice %arg2[%dma_wait3A_539, %dma_wait3A_540] : memref<10000x128xf32, #tpu.memory_space<hbm>> -> memref<10000x128xf32, #tpu.memory_space<hbm>>
        tpu.wait_indirect_dma semaphore(%arg14 : memref<!tpu.dma_semaphore, #tpu.memory_space<semaphore_mem>>) src(%dma_wait3A_541 : memref<10000x128xf32, #tpu.memory_space<hbm>>) dst(%arg10 : memref<80x128xf32, #tpu.memory_space<vmem>>)
        %dma_start3A_542 = arith.constant 1 : i32
        %dma_start3A_543 = arith.constant 0 : i32
        %dma_start3A_544 = tpu.memref_slice %arg7[%dma_start3A_542, %dma_start3A_543] : memref<2x80xi32, #tpu.memory_space<vmem>> -> memref<1x80xi32, #tpu.memory_space<vmem>>
        %dma_start3A_545 = tpu.memref_squeeze %dma_start3A_544 : memref<1x80xi32, #tpu.memory_space<vmem>> -> memref<80xi32, #tpu.memory_space<vmem>>
        %dma_start3A_546 = arith.constant 0 : i32
        %dma_start3A_547 = arith.constant 0 : i32
        %dma_start3A_548 = tpu.memref_slice %arg12[%dma_start3A_546, %dma_start3A_547] : memref<10112x128xf32, #tpu.memory_space<vmem_shared>> -> memref<10112x128xf32, #tpu.memory_space<vmem_shared>>
        tpu.enqueue_indirect_dma source(%arg10 : memref<80x128xf32, #tpu.memory_space<vmem>>) target(%dma_start3A_548 : memref<10112x128xf32, #tpu.memory_space<vmem_shared>>) offsets(%dma_start3A_545 : memref<80xi32, #tpu.memory_space<vmem>>) semaphore(%arg17 : memref<!tpu.dma_semaphore, #tpu.memory_space<semaphore_mem>>) {add = true}
      } else {
      }
      %ge3A_506 = arith.constant 1 : i32
      %ge3A_507 = arith.cmpi sge, %add3A_500, %ge3A_506 : i32
      %add3A_508 = arith.constant 2 : i32
      %add3A_509 = arith.addi %add3A_500, %add3A_508 : i32
      %lt3A_510 = arith.constant 125 : i32
      %lt3A_511 = arith.cmpi slt, %add3A_509, %lt3A_510 : i32
      %and3A_512 = arith.andi %ge3A_507, %lt3A_511 : i1
      %convert_element_type3A_513 = arith.extui %and3A_512 : i1 to i32
      %cond3A_514 = arith.constant 0 : i32
      %cond3A_515 = arith.cmpi ne, %convert_element_type3A_513, %cond3A_514 : i32
      scf.if %cond3A_515 {
        %dma_wait3A_535 = arith.constant 1 : i32
        %dma_wait3A_536 = arith.constant 0 : i32
        %dma_wait3A_537 = tpu.memref_slice %arg6[%dma_wait3A_535, %dma_wait3A_536] : memref<2x80xi32, #tpu.memory_space<vmem>> -> memref<1x80xi32, #tpu.memory_space<vmem>>
        %dma_wait3A_538 = tpu.memref_squeeze %dma_wait3A_537 : memref<1x80xi32, #tpu.memory_space<vmem>> -> memref<80xi32, #tpu.memory_space<vmem>>
        %dma_wait3A_539 = arith.constant 0 : i32
        %dma_wait3A_540 = arith.constant 0 : i32
        %dma_wait3A_541 = tpu.memref_slice %arg12[%dma_wait3A_539, %dma_wait3A_540] : memref<10112x128xf32, #tpu.memory_space<vmem_shared>> -> memref<10112x128xf32, #tpu.memory_space<vmem_shared>>
        tpu.wait_indirect_dma semaphore(%arg16 : memref<!tpu.dma_semaphore, #tpu.memory_space<semaphore_mem>>) src(%arg9 : memref<80x128xf32, #tpu.memory_space<vmem>>) dst(%dma_wait3A_541 : memref<10112x128xf32, #tpu.memory_space<vmem_shared>>)
        %add3A_542 = arith.constant 2 : i32
        %add3A_543 = arith.addi %add3A_500, %add3A_542 : i32
        %mul3A_544 = arith.constant 80 : i32
        %mul3A_545 = arith.muli %add3A_543, %mul3A_544 : i32
        %add3A_546 = arith.constant 0 : i32
        %add3A_547 = arith.addi %mul3A_545, %add3A_546 : i32
        %get3A_548 = arith.index_cast %add3A_547 : i32 to index
        %get3A_549 = tpu.vector_load %arg5[%get3A_548] {strides = array<i32>} : memref<10000xi32, #tpu.memory_space<vmem>>, vector<16xi32>,
        %get3A_550 = vector.shape_cast %get3A_549 : vector<16xi32> to vector<16xi32>
        %and3A_551 = arith.constant 65535 : i32
        %and3A_552 = vector.broadcast %and3A_551 : i32 to vector<16xi32>
        %and3A_553 = arith.andi %get3A_550, %and3A_552 : vector<16xi32>
        %swap3A_554 = arith.constant 0 : i32
        %swap3A_555 = arith.index_cast %swap3A_554 : i32 to index
        %swap3A_556 = arith.constant 0 : index
        %swap3A_557 = tpu.vector_load %arg6[%swap3A_555, %swap3A_556] {strides = array<i32>} : memref<2x80xi32, #tpu.memory_space<vmem>>, vector<1x16xi32>,
        %swap3A_558 = vector.shape_cast %swap3A_557 : vector<1x16xi32> to vector<16xi32>
        %swap3A_559 = vector.shape_cast %and3A_553 : vector<16xi32> to vector<1x16xi32>
        tpu.vector_store %arg6[%swap3A_555, %swap3A_556], %swap3A_559 {strides = array<i32>} : memref<2x80xi32, #tpu.memory_space<vmem>>, vector<1x16xi32>,
        %shift_right_logical3A_560 = arith.constant 16 : i32
        %shift_right_logical3A_561 = vector.broadcast %shift_right_logical3A_560 : i32 to vector<16xi32>
        %shift_right_logical3A_562 = arith.shrui %get3A_550, %shift_right_logical3A_561 : vector<16xi32>
        %swap3A_563 = arith.constant 1 : i32
        %swap3A_564 = arith.index_cast %swap3A_563 : i32 to index
        %swap3A_565 = arith.constant 0 : index
        %swap3A_566 = tpu.vector_load %arg6[%swap3A_564, %swap3A_565] {strides = array<i32>} : memref<2x80xi32, #tpu.memory_space<vmem>>, vector<1x16xi32>,
        %swap3A_567 = vector.shape_cast %swap3A_566 : vector<1x16xi32> to vector<16xi32>
        %swap3A_568 = vector.shape_cast %shift_right_logical3A_562 : vector<16xi32> to vector<1x16xi32>
        tpu.vector_store %arg6[%swap3A_564, %swap3A_565], %swap3A_568 {strides = array<i32>} : memref<2x80xi32, #tpu.memory_space<vmem>>, vector<1x16xi32>,
        %mul3A_569 = arith.constant 80 : i32
        %mul3A_570 = arith.muli %add3A_543, %mul3A_569 : i32
        %add3A_571 = arith.constant 16 : i32
        %add3A_572 = arith.addi %mul3A_570, %add3A_571 : i32
        %get3A_573 = arith.index_cast %add3A_572 : i32 to index
        %get3A_574 = tpu.vector_load %arg5[%get3A_573] {strides = array<i32>} : memref<10000xi32, #tpu.memory_space<vmem>>, vector<16xi32>,
        %get3A_575 = vector.shape_cast %get3A_574 : vector<16xi32> to vector<16xi32>
        %and3A_576 = arith.constant 65535 : i32
        %and3A_577 = vector.broadcast %and3A_576 : i32 to vector<16xi32>
        %and3A_578 = arith.andi %get3A_575, %and3A_577 : vector<16xi32>
        %swap3A_579 = arith.constant 0 : i32
        %swap3A_580 = arith.index_cast %swap3A_579 : i32 to index
        %swap3A_581 = arith.constant 16 : index
        %swap3A_582 = tpu.vector_load %arg6[%swap3A_580, %swap3A_581] {strides = array<i32>} : memref<2x80xi32, #tpu.memory_space<vmem>>, vector<1x16xi32>,
        %swap3A_583 = vector.shape_cast %swap3A_582 : vector<1x16xi32> to vector<16xi32>
        %swap3A_584 = vector.shape_cast %and3A_578 : vector<16xi32> to vector<1x16xi32>
        tpu.vector_store %arg6[%swap3A_580, %swap3A_581], %swap3A_584 {strides = array<i32>} : memref<2x80xi32, #tpu.memory_space<vmem>>, vector<1x16xi32>,
        %shift_right_logical3A_585 = arith.constant 16 : i32
        %shift_right_logical3A_586 = vector.broadcast %shift_right_logical3A_585 : i32 to vector<16xi32>
        %shift_right_logical3A_587 = arith.shrui %get3A_575, %shift_right_logical3A_586 : vector<16xi32>
        %swap3A_588 = arith.constant 1 : i32
        %swap3A_589 = arith.index_cast %swap3A_588 : i32 to index
        %swap3A_590 = arith.constant 16 : index
        %swap3A_591 = tpu.vector_load %arg6[%swap3A_589, %swap3A_590] {strides = array<i32>} : memref<2x80xi32, #tpu.memory_space<vmem>>, vector<1x16xi32>,
        %swap3A_592 = vector.shape_cast %swap3A_591 : vector<1x16xi32> to vector<16xi32>
        %swap3A_593 = vector.shape_cast %shift_right_logical3A_587 : vector<16xi32> to vector<1x16xi32>
        tpu.vector_store %arg6[%swap3A_589, %swap3A_590], %swap3A_593 {strides = array<i32>} : memref<2x80xi32, #tpu.memory_space<vmem>>, vector<1x16xi32>,
        %mul3A_594 = arith.constant 80 : i32
        %mul3A_595 = arith.muli %add3A_543, %mul3A_594 : i32
        %add3A_596 = arith.constant 32 : i32
        %add3A_597 = arith.addi %mul3A_595, %add3A_596 : i32
        %get3A_598 = arith.index_cast %add3A_597 : i32 to index
        %get3A_599 = tpu.vector_load %arg5[%get3A_598] {strides = array<i32>} : memref<10000xi32, #tpu.memory_space<vmem>>, vector<16xi32>,
        %get3A_600 = vector.shape_cast %get3A_599 : vector<16xi32> to vector<16xi32>
        %and3A_601 = arith.constant 65535 : i32
        %and3A_602 = vector.broadcast %and3A_601 : i32 to vector<16xi32>
        %and3A_603 = arith.andi %get3A_600, %and3A_602 : vector<16xi32>
        %swap3A_604 = arith.constant 0 : i32
        %swap3A_605 = arith.index_cast %swap3A_604 : i32 to index
        %swap3A_606 = arith.constant 32 : index
        %swap3A_607 = tpu.vector_load %arg6[%swap3A_605, %swap3A_606] {strides = array<i32>} : memref<2x80xi32, #tpu.memory_space<vmem>>, vector<1x16xi32>,
        %swap3A_608 = vector.shape_cast %swap3A_607 : vector<1x16xi32> to vector<16xi32>
        %swap3A_609 = vector.shape_cast %and3A_603 : vector<16xi32> to vector<1x16xi32>
        tpu.vector_store %arg6[%swap3A_605, %swap3A_606], %swap3A_609 {strides = array<i32>} : memref<2x80xi32, #tpu.memory_space<vmem>>, vector<1x16xi32>,
        %shift_right_logical3A_610 = arith.constant 16 : i32
        %shift_right_logical3A_611 = vector.broadcast %shift_right_logical3A_610 : i32 to vector<16xi32>
        %shift_right_logical3A_612 = arith.shrui %get3A_600, %shift_right_logical3A_611 : vector<16xi32>
        %swap3A_613 = arith.constant 1 : i32
        %swap3A_614 = arith.index_cast %swap3A_613 : i32 to index
        %swap3A_615 = arith.constant 32 : index
        %swap3A_616 = tpu.vector_load %arg6[%swap3A_614, %swap3A_615] {strides = array<i32>} : memref<2x80xi32, #tpu.memory_space<vmem>>, vector<1x16xi32>,
        %swap3A_617 = vector.shape_cast %swap3A_616 : vector<1x16xi32> to vector<16xi32>
        %swap3A_618 = vector.shape_cast %shift_right_logical3A_612 : vector<16xi32> to vector<1x16xi32>
        tpu.vector_store %arg6[%swap3A_614, %swap3A_615], %swap3A_618 {strides = array<i32>} : memref<2x80xi32, #tpu.memory_space<vmem>>, vector<1x16xi32>,
        %mul3A_619 = arith.constant 80 : i32
        %mul3A_620 = arith.muli %add3A_543, %mul3A_619 : i32
        %add3A_621 = arith.constant 48 : i32
        %add3A_622 = arith.addi %mul3A_620, %add3A_621 : i32
        %get3A_623 = arith.index_cast %add3A_622 : i32 to index
        %get3A_624 = tpu.vector_load %arg5[%get3A_623] {strides = array<i32>} : memref<10000xi32, #tpu.memory_space<vmem>>, vector<16xi32>,
        %get3A_625 = vector.shape_cast %get3A_624 : vector<16xi32> to vector<16xi32>
        %and3A_626 = arith.constant 65535 : i32
        %and3A_627 = vector.broadcast %and3A_626 : i32 to vector<16xi32>
        %and3A_628 = arith.andi %get3A_625, %and3A_627 : vector<16xi32>
        %swap3A_629 = arith.constant 0 : i32
        %swap3A_630 = arith.index_cast %swap3A_629 : i32 to index
        %swap3A_631 = arith.constant 48 : index
        %swap3A_632 = tpu.vector_load %arg6[%swap3A_630, %swap3A_631] {strides = array<i32>} : memref<2x80xi32, #tpu.memory_space<vmem>>, vector<1x16xi32>,
        %swap3A_633 = vector.shape_cast %swap3A_632 : vector<1x16xi32> to vector<16xi32>
        %swap3A_634 = vector.shape_cast %and3A_628 : vector<16xi32> to vector<1x16xi32>
        tpu.vector_store %arg6[%swap3A_630, %swap3A_631], %swap3A_634 {strides = array<i32>} : memref<2x80xi32, #tpu.memory_space<vmem>>, vector<1x16xi32>,
        %shift_right_logical3A_635 = arith.constant 16 : i32
        %shift_right_logical3A_636 = vector.broadcast %shift_right_logical3A_635 : i32 to vector<16xi32>
        %shift_right_logical3A_637 = arith.shrui %get3A_625, %shift_right_logical3A_636 : vector<16xi32>
        %swap3A_638 = arith.constant 1 : i32
        %swap3A_639 = arith.index_cast %swap3A_638 : i32 to index
        %swap3A_640 = arith.constant 48 : index
        %swap3A_641 = tpu.vector_load %arg6[%swap3A_639, %swap3A_640] {strides = array<i32>} : memref<2x80xi32, #tpu.memory_space<vmem>>, vector<1x16xi32>,
        %swap3A_642 = vector.shape_cast %swap3A_641 : vector<1x16xi32> to vector<16xi32>
        %swap3A_643 = vector.shape_cast %shift_right_logical3A_637 : vector<16xi32> to vector<1x16xi32>
        tpu.vector_store %arg6[%swap3A_639, %swap3A_640], %swap3A_643 {strides = array<i32>} : memref<2x80xi32, #tpu.memory_space<vmem>>, vector<1x16xi32>,
        %mul3A_644 = arith.constant 80 : i32
        %mul3A_645 = arith.muli %add3A_543, %mul3A_644 : i32
        %add3A_646 = arith.constant 64 : i32
        %add3A_647 = arith.addi %mul3A_645, %add3A_646 : i32
        %get3A_648 = arith.index_cast %add3A_647 : i32 to index
        %get3A_649 = tpu.vector_load %arg5[%get3A_648] {strides = array<i32>} : memref<10000xi32, #tpu.memory_space<vmem>>, vector<16xi32>,
        %get3A_650 = vector.shape_cast %get3A_649 : vector<16xi32> to vector<16xi32>
        %and3A_651 = arith.constant 65535 : i32
        %and3A_652 = vector.broadcast %and3A_651 : i32 to vector<16xi32>
        %and3A_653 = arith.andi %get3A_650, %and3A_652 : vector<16xi32>
        %swap3A_654 = arith.constant 0 : i32
        %swap3A_655 = arith.index_cast %swap3A_654 : i32 to index
        %swap3A_656 = arith.constant 64 : index
        %swap3A_657 = tpu.vector_load %arg6[%swap3A_655, %swap3A_656] {strides = array<i32>} : memref<2x80xi32, #tpu.memory_space<vmem>>, vector<1x16xi32>,
        %swap3A_658 = vector.shape_cast %swap3A_657 : vector<1x16xi32> to vector<16xi32>
        %swap3A_659 = vector.shape_cast %and3A_653 : vector<16xi32> to vector<1x16xi32>
        tpu.vector_store %arg6[%swap3A_655, %swap3A_656], %swap3A_659 {strides = array<i32>} : memref<2x80xi32, #tpu.memory_space<vmem>>, vector<1x16xi32>,
        %shift_right_logical3A_660 = arith.constant 16 : i32
        %shift_right_logical3A_661 = vector.broadcast %shift_right_logical3A_660 : i32 to vector<16xi32>
        %shift_right_logical3A_662 = arith.shrui %get3A_650, %shift_right_logical3A_661 : vector<16xi32>
        %swap3A_663 = arith.constant 1 : i32
        %swap3A_664 = arith.index_cast %swap3A_663 : i32 to index
        %swap3A_665 = arith.constant 64 : index
        %swap3A_666 = tpu.vector_load %arg6[%swap3A_664, %swap3A_665] {strides = array<i32>} : memref<2x80xi32, #tpu.memory_space<vmem>>, vector<1x16xi32>,
        %swap3A_667 = vector.shape_cast %swap3A_666 : vector<1x16xi32> to vector<16xi32>
        %swap3A_668 = vector.shape_cast %shift_right_logical3A_662 : vector<16xi32> to vector<1x16xi32>
        tpu.vector_store %arg6[%swap3A_664, %swap3A_665], %swap3A_668 {strides = array<i32>} : memref<2x80xi32, #tpu.memory_space<vmem>>, vector<1x16xi32>,
        %dma_start3A_669 = arith.constant 0 : i32
        %dma_start3A_670 = arith.constant 0 : i32
        %dma_start3A_671 = tpu.memref_slice %arg6[%dma_start3A_669, %dma_start3A_670] : memref<2x80xi32, #tpu.memory_space<vmem>> -> memref<1x80xi32, #tpu.memory_space<vmem>>
        %dma_start3A_672 = tpu.memref_squeeze %dma_start3A_671 : memref<1x80xi32, #tpu.memory_space<vmem>> -> memref<80xi32, #tpu.memory_space<vmem>>
        %dma_start3A_673 = arith.constant 0 : i32
        %dma_start3A_674 = arith.constant 0 : i32
        %dma_start3A_675 = tpu.memref_slice %arg2[%dma_start3A_673, %dma_start3A_674] : memref<10000x128xf32, #tpu.memory_space<hbm>> -> memref<10000x128xf32, #tpu.memory_space<hbm>>
        tpu.enqueue_indirect_dma source(%dma_start3A_675 : memref<10000x128xf32, #tpu.memory_space<hbm>>) target(%arg9 : memref<80x128xf32, #tpu.memory_space<vmem>>) offsets(%dma_start3A_672 : memref<80xi32, #tpu.memory_space<vmem>>) semaphore(%arg13 : memref<!tpu.dma_semaphore, #tpu.memory_space<semaphore_mem>>)
      } else {
      }
      %mul3A_516 = arith.constant 3 : i32
      %mul3A_517 = arith.muli %mul3A_516, %scan3A_481 : i32
      %add3A_518 = arith.constant 2 : i32
      %add3A_519 = arith.addi %mul3A_517, %add3A_518 : i32
      %lt3A_520 = arith.constant 125 : i32
      %lt3A_521 = arith.cmpi slt, %add3A_519, %lt3A_520 : i32
      %convert_element_type3A_522 = arith.extui %lt3A_521 : i1 to i32
      %cond3A_523 = arith.constant 0 : i32
      %cond3A_524 = arith.cmpi ne, %convert_element_type3A_522, %cond3A_523 : i32
      scf.if %cond3A_524 {
        %dma_wait3A_535 = arith.constant 0 : i32
        %dma_wait3A_536 = arith.constant 0 : i32
        %dma_wait3A_537 = tpu.memref_slice %arg8[%dma_wait3A_535, %dma_wait3A_536] : memref<2x80xi32, #tpu.memory_space<vmem>> -> memref<1x80xi32, #tpu.memory_space<vmem>>
        %dma_wait3A_538 = tpu.memref_squeeze %dma_wait3A_537 : memref<1x80xi32, #tpu.memory_space<vmem>> -> memref<80xi32, #tpu.memory_space<vmem>>
        %dma_wait3A_539 = arith.constant 0 : i32
        %dma_wait3A_540 = arith.constant 0 : i32
        %dma_wait3A_541 = tpu.memref_slice %arg2[%dma_wait3A_539, %dma_wait3A_540] : memref<10000x128xf32, #tpu.memory_space<hbm>> -> memref<10000x128xf32, #tpu.memory_space<hbm>>
        tpu.wait_indirect_dma semaphore(%arg15 : memref<!tpu.dma_semaphore, #tpu.memory_space<semaphore_mem>>) src(%dma_wait3A_541 : memref<10000x128xf32, #tpu.memory_space<hbm>>) dst(%arg11 : memref<80x128xf32, #tpu.memory_space<vmem>>)
        %dma_start3A_542 = arith.constant 1 : i32
        %dma_start3A_543 = arith.constant 0 : i32
        %dma_start3A_544 = tpu.memref_slice %arg8[%dma_start3A_542, %dma_start3A_543] : memref<2x80xi32, #tpu.memory_space<vmem>> -> memref<1x80xi32, #tpu.memory_space<vmem>>
        %dma_start3A_545 = tpu.memref_squeeze %dma_start3A_544 : memref<1x80xi32, #tpu.memory_space<vmem>> -> memref<80xi32, #tpu.memory_space<vmem>>
        %dma_start3A_546 = arith.constant 0 : i32
        %dma_start3A_547 = arith.constant 0 : i32
        %dma_start3A_548 = tpu.memref_slice %arg12[%dma_start3A_546, %dma_start3A_547] : memref<10112x128xf32, #tpu.memory_space<vmem_shared>> -> memref<10112x128xf32, #tpu.memory_space<vmem_shared>>
        tpu.enqueue_indirect_dma source(%arg11 : memref<80x128xf32, #tpu.memory_space<vmem>>) target(%dma_start3A_548 : memref<10112x128xf32, #tpu.memory_space<vmem_shared>>) offsets(%dma_start3A_545 : memref<80xi32, #tpu.memory_space<vmem>>) semaphore(%arg18 : memref<!tpu.dma_semaphore, #tpu.memory_space<semaphore_mem>>) {add = true}
      } else {
      }
      %ge3A_525 = arith.constant 1 : i32
      %ge3A_526 = arith.cmpi sge, %add3A_519, %ge3A_525 : i32
      %add3A_527 = arith.constant 2 : i32
      %add3A_528 = arith.addi %add3A_519, %add3A_527 : i32
      %lt3A_529 = arith.constant 125 : i32
      %lt3A_530 = arith.cmpi slt, %add3A_528, %lt3A_529 : i32
      %and3A_531 = arith.andi %ge3A_526, %lt3A_530 : i1
      %convert_element_type3A_532 = arith.extui %and3A_531 : i1 to i32
      %cond3A_533 = arith.constant 0 : i32
      %cond3A_534 = arith.cmpi ne, %convert_element_type3A_532, %cond3A_533 : i32
      scf.if %cond3A_534 {
        %dma_wait3A_535 = arith.constant 1 : i32
        %dma_wait3A_536 = arith.constant 0 : i32
        %dma_wait3A_537 = tpu.memref_slice %arg7[%dma_wait3A_535, %dma_wait3A_536] : memref<2x80xi32, #tpu.memory_space<vmem>> -> memref<1x80xi32, #tpu.memory_space<vmem>>
        %dma_wait3A_538 = tpu.memref_squeeze %dma_wait3A_537 : memref<1x80xi32, #tpu.memory_space<vmem>> -> memref<80xi32, #tpu.memory_space<vmem>>
        %dma_wait3A_539 = arith.constant 0 : i32
        %dma_wait3A_540 = arith.constant 0 : i32
        %dma_wait3A_541 = tpu.memref_slice %arg12[%dma_wait3A_539, %dma_wait3A_540] : memref<10112x128xf32, #tpu.memory_space<vmem_shared>> -> memref<10112x128xf32, #tpu.memory_space<vmem_shared>>
        tpu.wait_indirect_dma semaphore(%arg17 : memref<!tpu.dma_semaphore, #tpu.memory_space<semaphore_mem>>) src(%arg10 : memref<80x128xf32, #tpu.memory_space<vmem>>) dst(%dma_wait3A_541 : memref<10112x128xf32, #tpu.memory_space<vmem_shared>>)
        %add3A_542 = arith.constant 2 : i32
        %add3A_543 = arith.addi %add3A_519, %add3A_542 : i32
        %mul3A_544 = arith.constant 80 : i32
        %mul3A_545 = arith.muli %add3A_543, %mul3A_544 : i32
        %add3A_546 = arith.constant 0 : i32
        %add3A_547 = arith.addi %mul3A_545, %add3A_546 : i32
        %get3A_548 = arith.index_cast %add3A_547 : i32 to index
        %get3A_549 = tpu.vector_load %arg5[%get3A_548] {strides = array<i32>} : memref<10000xi32, #tpu.memory_space<vmem>>, vector<16xi32>,
        %get3A_550 = vector.shape_cast %get3A_549 : vector<16xi32> to vector<16xi32>
        %and3A_551 = arith.constant 65535 : i32
        %and3A_552 = vector.broadcast %and3A_551 : i32 to vector<16xi32>
        %and3A_553 = arith.andi %get3A_550, %and3A_552 : vector<16xi32>
        %swap3A_554 = arith.constant 0 : i32
        %swap3A_555 = arith.index_cast %swap3A_554 : i32 to index
        %swap3A_556 = arith.constant 0 : index
        %swap3A_557 = tpu.vector_load %arg7[%swap3A_555, %swap3A_556] {strides = array<i32>} : memref<2x80xi32, #tpu.memory_space<vmem>>, vector<1x16xi32>,
        %swap3A_558 = vector.shape_cast %swap3A_557 : vector<1x16xi32> to vector<16xi32>
        %swap3A_559 = vector.shape_cast %and3A_553 : vector<16xi32> to vector<1x16xi32>
        tpu.vector_store %arg7[%swap3A_555, %swap3A_556], %swap3A_559 {strides = array<i32>} : memref<2x80xi32, #tpu.memory_space<vmem>>, vector<1x16xi32>,
        %shift_right_logical3A_560 = arith.constant 16 : i32
        %shift_right_logical3A_561 = vector.broadcast %shift_right_logical3A_560 : i32 to vector<16xi32>
        %shift_right_logical3A_562 = arith.shrui %get3A_550, %shift_right_logical3A_561 : vector<16xi32>
        %swap3A_563 = arith.constant 1 : i32
        %swap3A_564 = arith.index_cast %swap3A_563 : i32 to index
        %swap3A_565 = arith.constant 0 : index
        %swap3A_566 = tpu.vector_load %arg7[%swap3A_564, %swap3A_565] {strides = array<i32>} : memref<2x80xi32, #tpu.memory_space<vmem>>, vector<1x16xi32>,
        %swap3A_567 = vector.shape_cast %swap3A_566 : vector<1x16xi32> to vector<16xi32>
        %swap3A_568 = vector.shape_cast %shift_right_logical3A_562 : vector<16xi32> to vector<1x16xi32>
        tpu.vector_store %arg7[%swap3A_564, %swap3A_565], %swap3A_568 {strides = array<i32>} : memref<2x80xi32, #tpu.memory_space<vmem>>, vector<1x16xi32>,
        %mul3A_569 = arith.constant 80 : i32
        %mul3A_570 = arith.muli %add3A_543, %mul3A_569 : i32
        %add3A_571 = arith.constant 16 : i32
        %add3A_572 = arith.addi %mul3A_570, %add3A_571 : i32
        %get3A_573 = arith.index_cast %add3A_572 : i32 to index
        %get3A_574 = tpu.vector_load %arg5[%get3A_573] {strides = array<i32>} : memref<10000xi32, #tpu.memory_space<vmem>>, vector<16xi32>,
        %get3A_575 = vector.shape_cast %get3A_574 : vector<16xi32> to vector<16xi32>
        %and3A_576 = arith.constant 65535 : i32
        %and3A_577 = vector.broadcast %and3A_576 : i32 to vector<16xi32>
        %and3A_578 = arith.andi %get3A_575, %and3A_577 : vector<16xi32>
        %swap3A_579 = arith.constant 0 : i32
        %swap3A_580 = arith.index_cast %swap3A_579 : i32 to index
        %swap3A_581 = arith.constant 16 : index
        %swap3A_582 = tpu.vector_load %arg7[%swap3A_580, %swap3A_581] {strides = array<i32>} : memref<2x80xi32, #tpu.memory_space<vmem>>, vector<1x16xi32>,
        %swap3A_583 = vector.shape_cast %swap3A_582 : vector<1x16xi32> to vector<16xi32>
        %swap3A_584 = vector.shape_cast %and3A_578 : vector<16xi32> to vector<1x16xi32>
        tpu.vector_store %arg7[%swap3A_580, %swap3A_581], %swap3A_584 {strides = array<i32>} : memref<2x80xi32, #tpu.memory_space<vmem>>, vector<1x16xi32>,
        %shift_right_logical3A_585 = arith.constant 16 : i32
        %shift_right_logical3A_586 = vector.broadcast %shift_right_logical3A_585 : i32 to vector<16xi32>
        %shift_right_logical3A_587 = arith.shrui %get3A_575, %shift_right_logical3A_586 : vector<16xi32>
        %swap3A_588 = arith.constant 1 : i32
        %swap3A_589 = arith.index_cast %swap3A_588 : i32 to index
        %swap3A_590 = arith.constant 16 : index
        %swap3A_591 = tpu.vector_load %arg7[%swap3A_589, %swap3A_590] {strides = array<i32>} : memref<2x80xi32, #tpu.memory_space<vmem>>, vector<1x16xi32>,
        %swap3A_592 = vector.shape_cast %swap3A_591 : vector<1x16xi32> to vector<16xi32>
        %swap3A_593 = vector.shape_cast %shift_right_logical3A_587 : vector<16xi32> to vector<1x16xi32>
        tpu.vector_store %arg7[%swap3A_589, %swap3A_590], %swap3A_593 {strides = array<i32>} : memref<2x80xi32, #tpu.memory_space<vmem>>, vector<1x16xi32>,
        %mul3A_594 = arith.constant 80 : i32
        %mul3A_595 = arith.muli %add3A_543, %mul3A_594 : i32
        %add3A_596 = arith.constant 32 : i32
        %add3A_597 = arith.addi %mul3A_595, %add3A_596 : i32
        %get3A_598 = arith.index_cast %add3A_597 : i32 to index
        %get3A_599 = tpu.vector_load %arg5[%get3A_598] {strides = array<i32>} : memref<10000xi32, #tpu.memory_space<vmem>>, vector<16xi32>,
        %get3A_600 = vector.shape_cast %get3A_599 : vector<16xi32> to vector<16xi32>
        %and3A_601 = arith.constant 65535 : i32
        %and3A_602 = vector.broadcast %and3A_601 : i32 to vector<16xi32>
        %and3A_603 = arith.andi %get3A_600, %and3A_602 : vector<16xi32>
        %swap3A_604 = arith.constant 0 : i32
        %swap3A_605 = arith.index_cast %swap3A_604 : i32 to index
        %swap3A_606 = arith.constant 32 : index
        %swap3A_607 = tpu.vector_load %arg7[%swap3A_605, %swap3A_606] {strides = array<i32>} : memref<2x80xi32, #tpu.memory_space<vmem>>, vector<1x16xi32>,
        %swap3A_608 = vector.shape_cast %swap3A_607 : vector<1x16xi32> to vector<16xi32>
        %swap3A_609 = vector.shape_cast %and3A_603 : vector<16xi32> to vector<1x16xi32>
        tpu.vector_store %arg7[%swap3A_605, %swap3A_606], %swap3A_609 {strides = array<i32>} : memref<2x80xi32, #tpu.memory_space<vmem>>, vector<1x16xi32>,
        %shift_right_logical3A_610 = arith.constant 16 : i32
        %shift_right_logical3A_611 = vector.broadcast %shift_right_logical3A_610 : i32 to vector<16xi32>
        %shift_right_logical3A_612 = arith.shrui %get3A_600, %shift_right_logical3A_611 : vector<16xi32>
        %swap3A_613 = arith.constant 1 : i32
        %swap3A_614 = arith.index_cast %swap3A_613 : i32 to index
        %swap3A_615 = arith.constant 32 : index
        %swap3A_616 = tpu.vector_load %arg7[%swap3A_614, %swap3A_615] {strides = array<i32>} : memref<2x80xi32, #tpu.memory_space<vmem>>, vector<1x16xi32>,
        %swap3A_617 = vector.shape_cast %swap3A_616 : vector<1x16xi32> to vector<16xi32>
        %swap3A_618 = vector.shape_cast %shift_right_logical3A_612 : vector<16xi32> to vector<1x16xi32>
        tpu.vector_store %arg7[%swap3A_614, %swap3A_615], %swap3A_618 {strides = array<i32>} : memref<2x80xi32, #tpu.memory_space<vmem>>, vector<1x16xi32>,
        %mul3A_619 = arith.constant 80 : i32
        %mul3A_620 = arith.muli %add3A_543, %mul3A_619 : i32
        %add3A_621 = arith.constant 48 : i32
        %add3A_622 = arith.addi %mul3A_620, %add3A_621 : i32
        %get3A_623 = arith.index_cast %add3A_622 : i32 to index
        %get3A_624 = tpu.vector_load %arg5[%get3A_623] {strides = array<i32>} : memref<10000xi32, #tpu.memory_space<vmem>>, vector<16xi32>,
        %get3A_625 = vector.shape_cast %get3A_624 : vector<16xi32> to vector<16xi32>
        %and3A_626 = arith.constant 65535 : i32
        %and3A_627 = vector.broadcast %and3A_626 : i32 to vector<16xi32>
        %and3A_628 = arith.andi %get3A_625, %and3A_627 : vector<16xi32>
        %swap3A_629 = arith.constant 0 : i32
        %swap3A_630 = arith.index_cast %swap3A_629 : i32 to index
        %swap3A_631 = arith.constant 48 : index
        %swap3A_632 = tpu.vector_load %arg7[%swap3A_630, %swap3A_631] {strides = array<i32>} : memref<2x80xi32, #tpu.memory_space<vmem>>, vector<1x16xi32>,
        %swap3A_633 = vector.shape_cast %swap3A_632 : vector<1x16xi32> to vector<16xi32>
        %swap3A_634 = vector.shape_cast %and3A_628 : vector<16xi32> to vector<1x16xi32>
        tpu.vector_store %arg7[%swap3A_630, %swap3A_631], %swap3A_634 {strides = array<i32>} : memref<2x80xi32, #tpu.memory_space<vmem>>, vector<1x16xi32>,
        %shift_right_logical3A_635 = arith.constant 16 : i32
        %shift_right_logical3A_636 = vector.broadcast %shift_right_logical3A_635 : i32 to vector<16xi32>
        %shift_right_logical3A_637 = arith.shrui %get3A_625, %shift_right_logical3A_636 : vector<16xi32>
        %swap3A_638 = arith.constant 1 : i32
        %swap3A_639 = arith.index_cast %swap3A_638 : i32 to index
        %swap3A_640 = arith.constant 48 : index
        %swap3A_641 = tpu.vector_load %arg7[%swap3A_639, %swap3A_640] {strides = array<i32>} : memref<2x80xi32, #tpu.memory_space<vmem>>, vector<1x16xi32>,
        %swap3A_642 = vector.shape_cast %swap3A_641 : vector<1x16xi32> to vector<16xi32>
        %swap3A_643 = vector.shape_cast %shift_right_logical3A_637 : vector<16xi32> to vector<1x16xi32>
        tpu.vector_store %arg7[%swap3A_639, %swap3A_640], %swap3A_643 {strides = array<i32>} : memref<2x80xi32, #tpu.memory_space<vmem>>, vector<1x16xi32>,
        %mul3A_644 = arith.constant 80 : i32
        %mul3A_645 = arith.muli %add3A_543, %mul3A_644 : i32
        %add3A_646 = arith.constant 64 : i32
        %add3A_647 = arith.addi %mul3A_645, %add3A_646 : i32
        %get3A_648 = arith.index_cast %add3A_647 : i32 to index
        %get3A_649 = tpu.vector_load %arg5[%get3A_648] {strides = array<i32>} : memref<10000xi32, #tpu.memory_space<vmem>>, vector<16xi32>,
        %get3A_650 = vector.shape_cast %get3A_649 : vector<16xi32> to vector<16xi32>
        %and3A_651 = arith.constant 65535 : i32
        %and3A_652 = vector.broadcast %and3A_651 : i32 to vector<16xi32>
        %and3A_653 = arith.andi %get3A_650, %and3A_652 : vector<16xi32>
        %swap3A_654 = arith.constant 0 : i32
        %swap3A_655 = arith.index_cast %swap3A_654 : i32 to index
        %swap3A_656 = arith.constant 64 : index
        %swap3A_657 = tpu.vector_load %arg7[%swap3A_655, %swap3A_656] {strides = array<i32>} : memref<2x80xi32, #tpu.memory_space<vmem>>, vector<1x16xi32>,
        %swap3A_658 = vector.shape_cast %swap3A_657 : vector<1x16xi32> to vector<16xi32>
        %swap3A_659 = vector.shape_cast %and3A_653 : vector<16xi32> to vector<1x16xi32>
        tpu.vector_store %arg7[%swap3A_655, %swap3A_656], %swap3A_659 {strides = array<i32>} : memref<2x80xi32, #tpu.memory_space<vmem>>, vector<1x16xi32>,
        %shift_right_logical3A_660 = arith.constant 16 : i32
        %shift_right_logical3A_661 = vector.broadcast %shift_right_logical3A_660 : i32 to vector<16xi32>
        %shift_right_logical3A_662 = arith.shrui %get3A_650, %shift_right_logical3A_661 : vector<16xi32>
        %swap3A_663 = arith.constant 1 : i32
        %swap3A_664 = arith.index_cast %swap3A_663 : i32 to index
        %swap3A_665 = arith.constant 64 : index
        %swap3A_666 = tpu.vector_load %arg7[%swap3A_664, %swap3A_665] {strides = array<i32>} : memref<2x80xi32, #tpu.memory_space<vmem>>, vector<1x16xi32>,
        %swap3A_667 = vector.shape_cast %swap3A_666 : vector<1x16xi32> to vector<16xi32>
        %swap3A_668 = vector.shape_cast %shift_right_logical3A_662 : vector<16xi32> to vector<1x16xi32>
        tpu.vector_store %arg7[%swap3A_664, %swap3A_665], %swap3A_668 {strides = array<i32>} : memref<2x80xi32, #tpu.memory_space<vmem>>, vector<1x16xi32>,
        %dma_start3A_669 = arith.constant 0 : i32
        %dma_start3A_670 = arith.constant 0 : i32
        %dma_start3A_671 = tpu.memref_slice %arg7[%dma_start3A_669, %dma_start3A_670] : memref<2x80xi32, #tpu.memory_space<vmem>> -> memref<1x80xi32, #tpu.memory_space<vmem>>
        %dma_start3A_672 = tpu.memref_squeeze %dma_start3A_671 : memref<1x80xi32, #tpu.memory_space<vmem>> -> memref<80xi32, #tpu.memory_space<vmem>>
        %dma_start3A_673 = arith.constant 0 : i32
        %dma_start3A_674 = arith.constant 0 : i32
        %dma_start3A_675 = tpu.memref_slice %arg2[%dma_start3A_673, %dma_start3A_674] : memref<10000x128xf32, #tpu.memory_space<hbm>> -> memref<10000x128xf32, #tpu.memory_space<hbm>>
        tpu.enqueue_indirect_dma source(%dma_start3A_675 : memref<10000x128xf32, #tpu.memory_space<hbm>>) target(%arg10 : memref<80x128xf32, #tpu.memory_space<vmem>>) offsets(%dma_start3A_672 : memref<80xi32, #tpu.memory_space<vmem>>) semaphore(%arg14 : memref<!tpu.dma_semaphore, #tpu.memory_space<semaphore_mem>>)
      } else {
      }
    }
    %scan3A_454 = arith.constant 42 : i32
    %dma_wait3A_455 = arith.constant 1 : i32
    %dma_wait3A_456 = arith.constant 0 : i32
    %dma_wait3A_457 = tpu.memref_slice %arg6[%dma_wait3A_455, %dma_wait3A_456] : memref<2x80xi32, #tpu.memory_space<vmem>> -> memref<1x80xi32, #tpu.memory_space<vmem>>
    %dma_wait3A_458 = tpu.memref_squeeze %dma_wait3A_457 : memref<1x80xi32, #tpu.memory_space<vmem>> -> memref<80xi32, #tpu.memory_space<vmem>>
    %dma_wait3A_459 = arith.constant 0 : i32
    %dma_wait3A_460 = arith.constant 0 : i32
    %dma_wait3A_461 = tpu.memref_slice %arg12[%dma_wait3A_459, %dma_wait3A_460] : memref<10112x128xf32, #tpu.memory_space<vmem_shared>> -> memref<10112x128xf32, #tpu.memory_space<vmem_shared>>
    tpu.wait_indirect_dma semaphore(%arg16 : memref<!tpu.dma_semaphore, #tpu.memory_space<semaphore_mem>>) src(%arg9 : memref<80x128xf32, #tpu.memory_space<vmem>>) dst(%dma_wait3A_461 : memref<10112x128xf32, #tpu.memory_space<vmem_shared>>)
    %dma_wait3A_462 = arith.constant 1 : i32
    %dma_wait3A_463 = arith.constant 0 : i32
    %dma_wait3A_464 = tpu.memref_slice %arg7[%dma_wait3A_462, %dma_wait3A_463] : memref<2x80xi32, #tpu.memory_space<vmem>> -> memref<1x80xi32, #tpu.memory_space<vmem>>
    %dma_wait3A_465 = tpu.memref_squeeze %dma_wait3A_464 : memref<1x80xi32, #tpu.memory_space<vmem>> -> memref<80xi32, #tpu.memory_space<vmem>>
    %dma_wait3A_466 = arith.constant 0 : i32
    %dma_wait3A_467 = arith.constant 0 : i32
    %dma_wait3A_468 = tpu.memref_slice %arg12[%dma_wait3A_466, %dma_wait3A_467] : memref<10112x128xf32, #tpu.memory_space<vmem_shared>> -> memref<10112x128xf32, #tpu.memory_space<vmem_shared>>
    tpu.wait_indirect_dma semaphore(%arg17 : memref<!tpu.dma_semaphore, #tpu.memory_space<semaphore_mem>>) src(%arg10 : memref<80x128xf32, #tpu.memory_space<vmem>>) dst(%dma_wait3A_468 : memref<10112x128xf32, #tpu.memory_space<vmem_shared>>)
    %dma_wait3A_469 = arith.constant 1 : i32
    %dma_wait3A_470 = arith.constant 0 : i32
    %dma_wait3A_471 = tpu.memref_slice %arg8[%dma_wait3A_469, %dma_wait3A_470] : memref<2x80xi32, #tpu.memory_space<vmem>> -> memref<1x80xi32, #tpu.memory_space<vmem>>
    %dma_wait3A_472 = tpu.memref_squeeze %dma_wait3A_471 : memref<1x80xi32, #tpu.memory_space<vmem>> -> memref<80xi32, #tpu.memory_space<vmem>>
    %dma_wait3A_473 = arith.constant 0 : i32
    %dma_wait3A_474 = arith.constant 0 : i32
    %dma_wait3A_475 = tpu.memref_slice %arg12[%dma_wait3A_473, %dma_wait3A_474] : memref<10112x128xf32, #tpu.memory_space<vmem_shared>> -> memref<10112x128xf32, #tpu.memory_space<vmem_shared>>
    tpu.wait_indirect_dma semaphore(%arg18 : memref<!tpu.dma_semaphore, #tpu.memory_space<semaphore_mem>>) src(%arg11 : memref<80x128xf32, #tpu.memory_space<vmem>>) dst(%dma_wait3A_475 : memref<10112x128xf32, #tpu.memory_space<vmem_shared>>)
    %barrier3A_476 = arith.constant 0 : index
    tpu.barrier barrier_id(%barrier3A_476)
    %mul3A_477 = arith.constant 632 : i32
    %mul3A_478 = arith.muli %arg1, %mul3A_477 : i32
    %mul3A_479 = arith.constant 632 : i32
    %mul3A_480 = arith.muli %arg1, %mul3A_479 : i32
    "tpu.region"() ({
      %run_scoped3A = tpu.sem_alloc : memref<!tpu.dma_semaphore, #tpu.memory_space<semaphore_mem>>
      %dma_start3A_481 = arith.constant 0 : i32
      %dma_start3A_482 = tpu.memref_slice %arg4[%arg0, %mul3A_480, %dma_start3A_481] : memref<2x10112x128xf32, #tpu.memory_space<hbm>> -> memref<1x632x128xf32, #tpu.memory_space<hbm>>
      %dma_start3A_483 = tpu.memref_squeeze %dma_start3A_482 : memref<1x632x128xf32, #tpu.memory_space<hbm>> -> memref<632x128xf32, #tpu.memory_space<hbm>>
      %dma_start3A_484 = arith.constant 0 : i32
      %dma_start3A_485 = tpu.memref_slice %arg12[%mul3A_478, %dma_start3A_484] : memref<10112x128xf32, #tpu.memory_space<vmem_shared>> -> memref<632x128xf32, #tpu.memory_space<vmem_shared>>
      tpu.enqueue_dma source(%dma_start3A_485 : memref<632x128xf32, #tpu.memory_space<vmem_shared>>) target(%dma_start3A_483 : memref<632x128xf32, #tpu.memory_space<hbm>>) target_semaphore(%run_scoped3A : memref<!tpu.dma_semaphore, #tpu.memory_space<semaphore_mem>>)
      %dma_wait3A_486 = arith.constant 0 : i32
      %dma_wait3A_487 = tpu.memref_slice %arg4[%arg0, %mul3A_480, %dma_wait3A_486] : memref<2x10112x128xf32, #tpu.memory_space<hbm>> -> memref<1x632x128xf32, #tpu.memory_space<hbm>>
      %dma_wait3A_488 = tpu.memref_squeeze %dma_wait3A_487 : memref<1x632x128xf32, #tpu.memory_space<hbm>> -> memref<632x128xf32, #tpu.memory_space<hbm>>
      %dma_wait3A_489 = arith.constant 0 : i32
      %dma_wait3A_490 = tpu.memref_slice %arg12[%mul3A_478, %dma_wait3A_489] : memref<10112x128xf32, #tpu.memory_space<vmem_shared>> -> memref<632x128xf32, #tpu.memory_space<vmem_shared>>
      tpu.wait_dma2 semaphore(%run_scoped3A : memref<!tpu.dma_semaphore, #tpu.memory_space<semaphore_mem>>) src(%dma_wait3A_490 : memref<632x128xf32, #tpu.memory_space<vmem_shared>>) dst(%dma_wait3A_488 : memref<632x128xf32, #tpu.memory_space<hbm>>)
      tpu.yield
    }) : () -> ()
    return
  }
}

module attributes {stable_mosaic.version = 14 : i64} {
  func.func @_tcw_body(%arg0: i32, %arg1: memref<2000x128xf32, #tpu.memory_space<vmem>>, %arg2: memref<128x128xf32, #tpu.memory_space<vmem>>, %arg3: memref<2000x128xf32, #tpu.memory_space<vmem>>, %arg4: memref<128x128xf32, #tpu.memory_space<vmem>>) attributes {dimension_semantics = [#tpu.dimension_semantics<arbitrary>], iteration_bounds = array<i64: 5>, scalar_prefetch = 0 : i64, scratch_operands = 1 : i64, tpu.core_type = #tpu.core_type<tc>, window_params = [{transform_indices = @transform_0, window_bounds = array<i64: 2000, 128>}, {pipeline_mode = #tpu.pipeline_mode<synchronous>, transform_indices = @transform_1, window_bounds = array<i64: 128, 128>}, {transform_indices = @transform_2, window_bounds = array<i64: 2000, 128>}]} {
    %eq3A = arith.constant 0 : i32
    %eq3A_0 = arith.cmpi eq, %arg0, %eq3A : i32
    %convert_element_type3A = arith.extui %eq3A_0 : i1 to i32
    %cond3A = arith.constant 0 : i32
    %cond3A_1 = arith.cmpi ne, %convert_element_type3A, %cond3A : i32
    scf.if %cond3A_1 {
      %get3A_10 = arith.constant 0 : index
      %get3A_11 = arith.constant 0 : index
      %get3A_12 = vector.load %arg2[%get3A_10, %get3A_11] : memref<128x128xf32, #tpu.memory_space<vmem>>, vector<128x128xf32>
      %dot_general3A_13 = arith.constant dense<0.000000e+00> : vector<128x128xf32>
      %dot_general3A_14 = tpu.matmul %get3A_12, %get3A_12, %dot_general3A_13 {dimension_numbers = #tpu.dot_dimension_numbers<[0], [0], [1], [1], [0, 1, 1, 1], [], []>, transpose_lhs_hint = false} : vector<128x128xf32>, vector<128x128xf32>, vector<128x128xf32> -> vector<128x128xf32>
      %mul3A = arith.mulf %dot_general3A_14, %dot_general3A_14 : vector<128x128xf32>
      %reduce_sum3A = vector.shape_cast %mul3A : vector<128x128xf32> to vector<1x128x128xf32>
      %reduce_sum3A_15 = arith.constant dense<0.000000e+00> : vector<1xf32>
      %reduce_sum3A_16 = vector.multi_reduction <add>, %reduce_sum3A, %reduce_sum3A_15 [1, 2] : vector<1x128x128xf32> to vector<1xf32>
      %reduce_sum3A_17 = vector.shape_cast %reduce_sum3A_16 : vector<1xf32> to vector<1x1x1xf32>
      %reduce_sum3A_18 = vector.extract %reduce_sum3A_17[0, 0, 0] : f32 from vector<1x1x1xf32>
      %sqrt3A = math.sqrt %reduce_sum3A_18 : f32
      %gt3A = arith.constant 1.000000e+00 : f32
      %gt3A_19 = arith.cmpf ogt, %sqrt3A, %gt3A : f32
      %add3A = arith.constant 9.99999974E-6 : f32
      %add3A_20 = arith.addf %sqrt3A, %add3A : f32
      %div3A = vector.broadcast %add3A_20 : f32 to vector<128x128xf32>
      %div3A_21 = arith.divf %dot_general3A_14, %div3A : vector<128x128xf32>
      %select_n3A = arith.select %gt3A_19, %div3A_21, %dot_general3A_14 : vector<128x128xf32>
      %mul3A_22 = arith.constant 0.949999988 : f32
      %mul3A_23 = vector.broadcast %mul3A_22 : f32 to vector<128x128xf32>
      %mul3A_24 = arith.mulf %select_n3A, %mul3A_23 : vector<128x128xf32>
      %swap3A_25 = arith.constant 0 : index
      %swap3A_26 = arith.constant 0 : index
      %swap3A_27 = vector.load %arg4[%swap3A_25, %swap3A_26] : memref<128x128xf32, #tpu.memory_space<vmem>>, vector<128x128xf32>
      tpu.vector_store %arg4[%swap3A_25, %swap3A_26], %mul3A_24 {strides = array<i32>} : memref<128x128xf32, #tpu.memory_space<vmem>>, vector<128x128xf32>,
    } else {
    }
    %get3A = arith.constant 0 : index
    %get3A_2 = arith.constant 0 : index
    %get3A_3 = vector.load %arg1[%get3A, %get3A_2] : memref<2000x128xf32, #tpu.memory_space<vmem>>, vector<2000x128xf32>
    %get3A_4 = arith.constant 0 : index
    %get3A_5 = arith.constant 0 : index
    %get3A_6 = vector.load %arg4[%get3A_4, %get3A_5] : memref<128x128xf32, #tpu.memory_space<vmem>>, vector<128x128xf32>
    %dot_general3A = arith.constant dense<0.000000e+00> : vector<2000x128xf32>
    %dot_general3A_7 = tpu.matmul %get3A_3, %get3A_6, %dot_general3A {dimension_numbers = #tpu.dot_dimension_numbers<[1], [0], [0], [1], [0, 0, 1, 1], [], []>, transpose_lhs_hint = false} : vector<2000x128xf32>, vector<128x128xf32>, vector<2000x128xf32> -> vector<2000x128xf32>
    %swap3A = arith.constant 0 : index
    %swap3A_8 = arith.constant 0 : index
    %swap3A_9 = vector.load %arg3[%swap3A, %swap3A_8] : memref<2000x128xf32, #tpu.memory_space<vmem>>, vector<2000x128xf32>
    tpu.vector_store %arg3[%swap3A, %swap3A_8], %dot_general3A_7 {strides = array<i32>} : memref<2000x128xf32, #tpu.memory_space<vmem>>, vector<2000x128xf32>,
    return
  }
  func.func @transform_0(%arg0: i32) -> (i32, i32) {
    %c0_i32 = arith.constant 0 : i32
    %c0_i32_0 = arith.constant 0 : i32
    return %arg0, %c0_i32 : i32, i32
  }
  func.func @transform_1(%arg0: i32) -> (i32, i32) {
    %c0_i32 = arith.constant 0 : i32
    %c0_i32_0 = arith.constant 0 : i32
    %c0_i32_1 = arith.constant 0 : i32
    return %c0_i32, %c0_i32_0 : i32, i32
  }
  func.func @transform_2(%arg0: i32) -> (i32, i32) {
    %c0_i32 = arith.constant 0 : i32
    %c0_i32_0 = arith.constant 0 : i32
    return %arg0, %c0_i32 : i32, i32
  }
}

module attributes {stable_mosaic.version = 14 : i64} {
  func.func @_tc1_body(%arg0: i32, %arg1: memref<2000x128xf32, #tpu.memory_space<vmem>>, %arg2: memref<128x128xf32, #tpu.memory_space<vmem>>, %arg3: memref<2000x128xf32, #tpu.memory_space<vmem>>) attributes {dimension_semantics = [#tpu.dimension_semantics<arbitrary>], iteration_bounds = array<i64: 5>, scalar_prefetch = 0 : i64, scratch_operands = 0 : i64, tpu.core_type = #tpu.core_type<tc>, window_params = [{transform_indices = @transform_0, window_bounds = array<i64: 2000, 128>}, {pipeline_mode = #tpu.pipeline_mode<synchronous>, transform_indices = @transform_1, window_bounds = array<i64: 128, 128>}, {transform_indices = @transform_2, window_bounds = array<i64: 2000, 128>}]} {
    %get3A = arith.constant 0 : index
    %get3A_0 = arith.constant 0 : index
    %get3A_1 = vector.load %arg1[%get3A, %get3A_0] : memref<2000x128xf32, #tpu.memory_space<vmem>>, vector<2000x128xf32>
    %get3A_2 = arith.constant 0 : index
    %get3A_3 = arith.constant 0 : index
    %get3A_4 = vector.load %arg2[%get3A_2, %get3A_3] : memref<128x128xf32, #tpu.memory_space<vmem>>, vector<128x128xf32>
    %dot_general3A = arith.constant dense<0.000000e+00> : vector<2000x128xf32>
    %dot_general3A_5 = tpu.matmul %get3A_1, %get3A_4, %dot_general3A {dimension_numbers = #tpu.dot_dimension_numbers<[1], [0], [0], [1], [0, 0, 1, 1], [], []>, transpose_lhs_hint = false} : vector<2000x128xf32>, vector<128x128xf32>, vector<2000x128xf32> -> vector<2000x128xf32>
    %swap3A = arith.constant 0 : index
    %swap3A_6 = arith.constant 0 : index
    %swap3A_7 = vector.load %arg3[%swap3A, %swap3A_6] : memref<2000x128xf32, #tpu.memory_space<vmem>>, vector<2000x128xf32>
    tpu.vector_store %arg3[%swap3A, %swap3A_6], %dot_general3A_5 {strides = array<i32>} : memref<2000x128xf32, #tpu.memory_space<vmem>>, vector<2000x128xf32>,
    return
  }
  func.func @transform_0(%arg0: i32) -> (i32, i32) {
    %c0_i32 = arith.constant 0 : i32
    %c0_i32_0 = arith.constant 0 : i32
    return %arg0, %c0_i32 : i32, i32
  }
  func.func @transform_1(%arg0: i32) -> (i32, i32) {
    %c0_i32 = arith.constant 0 : i32
    %c0_i32_0 = arith.constant 0 : i32
    %c0_i32_1 = arith.constant 0 : i32
    return %c0_i32, %c0_i32_0 : i32, i32
  }
  func.func @transform_2(%arg0: i32) -> (i32, i32) {
    %c0_i32 = arith.constant 0 : i32
    %c0_i32_0 = arith.constant 0 : i32
    return %arg0, %c0_i32 : i32, i32
  }
}

module attributes {stable_mosaic.version = 14 : i64} {
  func.func @_pack_body(%arg0: memref<2x320000xi32, #tpu.memory_space<vmem>>, %arg1: memref<320000xi32, #tpu.memory_space<vmem>>) attributes {dimension_semantics = [], scalar_prefetch = 0 : i64, scratch_operands = 0 : i64, tpu.core_type = #tpu.core_type<tc>} {
    %get3A = arith.constant 0 : index
    %get3A_0 = arith.constant 0 : index
    %get3A_1 = vector.load %arg0[%get3A, %get3A_0] : memref<2x320000xi32, #tpu.memory_space<vmem>>, vector<1x320000xi32>
    %get3A_2 = vector.shape_cast %get3A_1 : vector<1x320000xi32> to vector<320000xi32>
    %get3A_3 = arith.constant 1 : index
    %get3A_4 = arith.constant 0 : index
    %get3A_5 = vector.load %arg0[%get3A_3, %get3A_4] : memref<2x320000xi32, #tpu.memory_space<vmem>>, vector<1x320000xi32>
    %get3A_6 = vector.shape_cast %get3A_5 : vector<1x320000xi32> to vector<320000xi32>
    %shift_left3A = arith.constant 16 : i32
    %shift_left3A_7 = vector.broadcast %shift_left3A : i32 to vector<320000xi32>
    %shift_left3A_8 = arith.shli %get3A_6, %shift_left3A_7 : vector<320000xi32>
    %or3A = arith.ori %get3A_2, %shift_left3A_8 : vector<320000xi32>
    %swap3A = arith.constant 0 : index
    %swap3A_9 = vector.load %arg1[%swap3A] : memref<320000xi32, #tpu.memory_space<vmem>>, vector<320000xi32>
    tpu.vector_store %arg1[%swap3A], %or3A {strides = array<i32>} : memref<320000xi32, #tpu.memory_space<vmem>>, vector<320000xi32>,
    return
  }
}

module attributes {stable_mosaic.version = 14 : i64} {
  func.func @_tc2_body(%arg0: i32, %arg1: memref<1x2000x128xf32, #tpu.memory_space<vmem>>, %arg2: memref<1x2000x128xf32, #tpu.memory_space<vmem>>, %arg3: memref<1x128xf32, #tpu.memory_space<vmem>>, %arg4: memref<128x128xf32, #tpu.memory_space<vmem>>, %arg5: memref<2000x128xf32, #tpu.memory_space<vmem>>, %arg6: memref<2000x128xf32, #tpu.memory_space<vmem>>) attributes {dimension_semantics = [#tpu.dimension_semantics<arbitrary>], iteration_bounds = array<i64: 5>, scalar_prefetch = 0 : i64, scratch_operands = 0 : i64, tpu.core_type = #tpu.core_type<tc>, window_params = [{transform_indices = @transform_0, window_bounds = array<i64: 1, 2000, 128>}, {transform_indices = @transform_1, window_bounds = array<i64: 1, 2000, 128>}, {pipeline_mode = #tpu.pipeline_mode<synchronous>, transform_indices = @transform_2, window_bounds = array<i64: 1, 128>}, {pipeline_mode = #tpu.pipeline_mode<synchronous>, transform_indices = @transform_3, window_bounds = array<i64: 128, 128>}, {transform_indices = @transform_4, window_bounds = array<i64: 2000, 128>}, {transform_indices = @transform_5, window_bounds = array<i64: 2000, 128>}]} {
    %get3A = arith.constant 0 : index
    %get3A_0 = arith.constant 0 : index
    %get3A_1 = arith.constant 0 : index
    %get3A_2 = vector.load %arg1[%get3A, %get3A_0, %get3A_1] : memref<1x2000x128xf32, #tpu.memory_space<vmem>>, vector<1x2000x128xf32>
    %get3A_3 = vector.shape_cast %get3A_2 : vector<1x2000x128xf32> to vector<2000x128xf32>
    %get3A_4 = arith.constant 0 : index
    %get3A_5 = arith.constant 0 : index
    %get3A_6 = arith.constant 0 : index
    %get3A_7 = vector.load %arg2[%get3A_4, %get3A_5, %get3A_6] : memref<1x2000x128xf32, #tpu.memory_space<vmem>>, vector<1x2000x128xf32>
    %get3A_8 = vector.shape_cast %get3A_7 : vector<1x2000x128xf32> to vector<2000x128xf32>
    %add3A = arith.addf %get3A_3, %get3A_8 : vector<2000x128xf32>
    %get3A_9 = arith.constant 0 : index
    %get3A_10 = arith.constant 0 : index
    %get3A_11 = vector.load %arg3[%get3A_9, %get3A_10] : memref<1x128xf32, #tpu.memory_space<vmem>>, vector<1x128xf32>
    %add3A_12 = vector.broadcast %get3A_11 : vector<1x128xf32> to vector<2000x128xf32>
    %add3A_13 = arith.addf %add3A, %add3A_12 : vector<2000x128xf32>
    %max3A = arith.constant 0.000000e+00 : f32
    %max3A_14 = vector.broadcast %max3A : f32 to vector<2000x128xf32>
    %max3A_15 = arith.maximumf %add3A_13, %max3A_14 : vector<2000x128xf32>
    %get3A_16 = arith.constant 0 : index
    %get3A_17 = arith.constant 0 : index
    %get3A_18 = vector.load %arg4[%get3A_16, %get3A_17] : memref<128x128xf32, #tpu.memory_space<vmem>>, vector<128x128xf32>
    %dot_general3A = arith.constant dense<0.000000e+00> : vector<2000x128xf32>
    %dot_general3A_19 = tpu.matmul %max3A_15, %get3A_18, %dot_general3A {dimension_numbers = #tpu.dot_dimension_numbers<[1], [0], [0], [1], [0, 0, 1, 1], [], []>, transpose_lhs_hint = false} : vector<2000x128xf32>, vector<128x128xf32>, vector<2000x128xf32> -> vector<2000x128xf32>
    %get3A_20 = arith.constant 0 : index
    %get3A_21 = arith.constant 0 : index
    %get3A_22 = vector.load %arg5[%get3A_20, %get3A_21] : memref<2000x128xf32, #tpu.memory_space<vmem>>, vector<2000x128xf32>
    %add3A_23 = arith.addf %dot_general3A_19, %get3A_22 : vector<2000x128xf32>
    %swap3A = arith.constant 0 : index
    %swap3A_24 = arith.constant 0 : index
    %swap3A_25 = vector.load %arg6[%swap3A, %swap3A_24] : memref<2000x128xf32, #tpu.memory_space<vmem>>, vector<2000x128xf32>
    tpu.vector_store %arg6[%swap3A, %swap3A_24], %add3A_23 {strides = array<i32>} : memref<2000x128xf32, #tpu.memory_space<vmem>>, vector<2000x128xf32>,
    return
  }
  func.func @transform_0(%arg0: i32) -> (i32, i32, i32) {
    %c0_i32 = arith.constant 0 : i32
    %c0_i32_0 = arith.constant 0 : i32
    %c0_i32_1 = arith.constant 0 : i32
    return %c0_i32, %arg0, %c0_i32_0 : i32, i32, i32
  }
  func.func @transform_1(%arg0: i32) -> (i32, i32, i32) {
    %c1_i32 = arith.constant 1 : i32
    %c0_i32 = arith.constant 0 : i32
    %c0_i32_0 = arith.constant 0 : i32
    return %c1_i32, %arg0, %c0_i32 : i32, i32, i32
  }
  func.func @transform_2(%arg0: i32) -> (i32, i32) {
    %c0_i32 = arith.constant 0 : i32
    %c0_i32_0 = arith.constant 0 : i32
    %c0_i32_1 = arith.constant 0 : i32
    return %c0_i32, %c0_i32_0 : i32, i32
  }
  func.func @transform_3(%arg0: i32) -> (i32, i32) {
    %c0_i32 = arith.constant 0 : i32
    %c0_i32_0 = arith.constant 0 : i32
    %c0_i32_1 = arith.constant 0 : i32
    return %c0_i32, %c0_i32_0 : i32, i32
  }
  func.func @transform_4(%arg0: i32) -> (i32, i32) {
    %c0_i32 = arith.constant 0 : i32
    %c0_i32_0 = arith.constant 0 : i32
    return %arg0, %c0_i32 : i32, i32
  }
  func.func @transform_5(%arg0: i32) -> (i32, i32) {
    %c0_i32 = arith.constant 0 : i32
    %c0_i32_0 = arith.constant 0 : i32
    return %arg0, %c0_i32 : i32, i32
  }
}

module attributes {stable_mosaic.version = 14 : i64} {
  func.func @_tc3_body(%arg0: i32, %arg1: memref<1x2000x128xf32, #tpu.memory_space<vmem>>, %arg2: memref<1x2000x128xf32, #tpu.memory_space<vmem>>, %arg3: memref<1x128xf32, #tpu.memory_space<vmem>>, %arg4: memref<2000x128xf32, #tpu.memory_space<vmem>>) attributes {dimension_semantics = [#tpu.dimension_semantics<arbitrary>], iteration_bounds = array<i64: 5>, scalar_prefetch = 0 : i64, scratch_operands = 0 : i64, tpu.core_type = #tpu.core_type<tc>, window_params = [{transform_indices = @transform_0, window_bounds = array<i64: 1, 2000, 128>}, {transform_indices = @transform_1, window_bounds = array<i64: 1, 2000, 128>}, {pipeline_mode = #tpu.pipeline_mode<synchronous>, transform_indices = @transform_2, window_bounds = array<i64: 1, 128>}, {transform_indices = @transform_3, window_bounds = array<i64: 2000, 128>}]} {
    %get3A = arith.constant 0 : index
    %get3A_0 = arith.constant 0 : index
    %get3A_1 = arith.constant 0 : index
    %get3A_2 = vector.load %arg1[%get3A, %get3A_0, %get3A_1] : memref<1x2000x128xf32, #tpu.memory_space<vmem>>, vector<1x2000x128xf32>
    %get3A_3 = vector.shape_cast %get3A_2 : vector<1x2000x128xf32> to vector<2000x128xf32>
    %get3A_4 = arith.constant 0 : index
    %get3A_5 = arith.constant 0 : index
    %get3A_6 = arith.constant 0 : index
    %get3A_7 = vector.load %arg2[%get3A_4, %get3A_5, %get3A_6] : memref<1x2000x128xf32, #tpu.memory_space<vmem>>, vector<1x2000x128xf32>
    %get3A_8 = vector.shape_cast %get3A_7 : vector<1x2000x128xf32> to vector<2000x128xf32>
    %add3A = arith.addf %get3A_3, %get3A_8 : vector<2000x128xf32>
    %get3A_9 = arith.constant 0 : index
    %get3A_10 = arith.constant 0 : index
    %get3A_11 = vector.load %arg3[%get3A_9, %get3A_10] : memref<1x128xf32, #tpu.memory_space<vmem>>, vector<1x128xf32>
    %add3A_12 = vector.broadcast %get3A_11 : vector<1x128xf32> to vector<2000x128xf32>
    %add3A_13 = arith.addf %add3A, %add3A_12 : vector<2000x128xf32>
    %swap3A = arith.constant 0 : index
    %swap3A_14 = arith.constant 0 : index
    %swap3A_15 = vector.load %arg4[%swap3A, %swap3A_14] : memref<2000x128xf32, #tpu.memory_space<vmem>>, vector<2000x128xf32>
    tpu.vector_store %arg4[%swap3A, %swap3A_14], %add3A_13 {strides = array<i32>} : memref<2000x128xf32, #tpu.memory_space<vmem>>, vector<2000x128xf32>,
    return
  }
  func.func @transform_0(%arg0: i32) -> (i32, i32, i32) {
    %c0_i32 = arith.constant 0 : i32
    %c0_i32_0 = arith.constant 0 : i32
    %c0_i32_1 = arith.constant 0 : i32
    return %c0_i32, %arg0, %c0_i32_0 : i32, i32, i32
  }
  func.func @transform_1(%arg0: i32) -> (i32, i32, i32) {
    %c1_i32 = arith.constant 1 : i32
    %c0_i32 = arith.constant 0 : i32
    %c0_i32_0 = arith.constant 0 : i32
    return %c1_i32, %arg0, %c0_i32 : i32, i32, i32
  }
  func.func @transform_2(%arg0: i32) -> (i32, i32) {
    %c0_i32 = arith.constant 0 : i32
    %c0_i32_0 = arith.constant 0 : i32
    %c0_i32_1 = arith.constant 0 : i32
    return %c0_i32, %c0_i32_0 : i32, i32
  }
  func.func @transform_3(%arg0: i32) -> (i32, i32) {
    %c0_i32 = arith.constant 0 : i32
    %c0_i32_0 = arith.constant 0 : i32
    return %arg0, %c0_i32 : i32, i32
  }
}

</mosaic_0001>

<sc_bundles>
// kernel: kernel.12.cloned.1.call-start
scs
__scs_entry_jumppad:
0x0: {  	(pc) =	sbr.rel $0x88, $3  }
0x1: {  	(tag) =	ssettag $0x0;
	lr =	simm.s32 $0x1  }
0x2: {  	[smem:$0x3F99] =	sst lr;
	_ =	strace $0xD0000000  }
0x3: {  	_ = 	snop  }
0x4: {  	_ = 	snop  }
0x5: {  	_ = 	snop  }
0x6: {  	_ = 	snop  }
0x7: {  	_ = 	snop  }
__scs_overlays_trampoline_lowered:
0x8: {  	[smem:$0x3FA8] =	sst s0  }
0x9: {  	[smem:$0x3FA9] =	sst s1  }
0xa: {  	[smem:$0x3FAA] =	sst s2  }
0xb: {  	[smem:$0x3FAB] =	sst s3  }
0xc: {  	[smem:$0x3FAC] =	sst s4  }
0xd: {  	[smem:$0x3FAD] =	sst s5  }
0xe: {  	[smem:$0x3FAE] =	sst s6  }
0xf: {  	[smem:$0x3FAF] =	sst s7  }
0x10: {  	[smem:$0x3FB0] =	sst s8  }
0x11: {  	[smem:$0x3FB1] =	sst s9;
	s0 =	simm.s32 @!p0 $0x0  }
0x12: {  	s1 =	sld [smem:$0x3F97];
	s0 =	simm.s32 @p0 $0x1  }
0x13: {  	[smem:$0x3FB2] =	sst s0;
	s0 =	simm.s32 @!p1 $0x0  }
0x14: {  	s2 =	sld [smem:$0x3F96];
	s0 =	simm.s32 @p1 $0x1  }
0x15: {  	[smem:$0x3FB3] =	sst s0;
	s0 =	simm.s32 @!p2 $0x0  }
0x16: {  	s3 =	sld [smem:$0x3FDB];
	s0 =	simm.s32 @p2 $0x1  }
0x17: {  	s4 =	simm.s32 $0x1BF5;
	[smem:$0x3FB5] =	sst s0  }
0x18: {  	s0 =	sld [smem:$0x3F98];
	_ =	swait.ge [sflag:s4], $0x0  }
0x19: {  	s7 =	sld [smem:$0x3F99]  }
0x1a: {  	s8 =	sadd.s32 $0xFFFFE003, lr  }
0x1b: {  	s9 =	sadd.s32 $0xFFFFFEF7, lr;
	s5 =	simm.s32 $0xFFFFFFFF;
	p2 =	slt.u32 s8, $0xFFFFF086  }
0x1c: {  	p1 =	slt.u32 s9, $0xF7A;
	s5 =	simm.s32 @!p2 $0x0  }
0x1d: {  	s5 =	simm.s32 @p1 $0x1;
	p0 =	seq.s32 s7, s2  }
0x1e: {  	s7 =	smul.u32 @!p0 $0xF7A, s2;
	p2 =	seq.s32 @!p0 s5, $0x0  }
0x1f: {  	s9 =	smul.u32 $0xF7A, s1;
	s8 =	simm.s32 @!p0 $0x1BF5;
	p2 =	por !p2, p0  }
0x20: {  	[sflag:s8] =	ssyncset.s32 @!p0 $0xFFFFF086;
	s6 =	sadd.s32 @!p0 s3, s7;
	s7 =	simm.s32 @!p0 $0x108  }
0x21: {  	s3 =	sadd.s32 s3, s9;
	s6 =	sadd.s32 @!p0 $0x88, s6;
	s7 =	simm.s32 @p2 $0x1082  }
0x22: {  	[simem:s7], [sflag:s8] =	dma.local @!p0 [hbm:s6], $0xF7A  }
0x23: {  	s9 =	sor.u32 $0xD0000000, s2;
	s6 =	simm.s32 $0x108;
	_ =	swait.ge @!p0 [sflag:s8], $0x0  }
0x24: {  	s3 =	sadd.s32 $0x88, s3;
	s6 =	simm.s32 @!p1 $0x1082;
	[sflag:s4] =	ssyncset.s32 $0xFFFFF086  }
0x25: {  	[simem:s6], [sflag:s4] =	dma.local [hbm:s3], $0xF7A  }
0x26: {  	[smem:$0x3F99] =	sst s1;
	(tag) =	ssettag s2;
	_ =	strace s9  }
0x27: {  	s1 =	sld [smem:$0x3FA9]  }
0x28: {  	s2 =	sld [smem:$0x3FAA]  }
0x29: {  	s4 =	sld [smem:$0x3FAC]  }
0x2a: {  	p0 =	seq.s32 s5, $0x0;
	s5 =	sld [smem:$0x3FAD]  }
0x2b: {  	s6 =	sld [smem:$0x3FAE]  }
0x2c: {  	s7 =	sld [smem:$0x3FAF]  }
0x2d: {  	s3 =	simm.s32 $0x108;
	s8 =	sld [smem:$0x3FB0]  }
0x2e: {  	s3 =	simm.s32 @!p0 $0x1082;
	s9 =	sld [smem:$0x3FB1]  }
0x2f: {  	lr =	sadd.s32 s0, s3;
	s0 =	sld [smem:$0x3FA8]  }
0x30: {  	s3 =	sld [smem:$0x3FAB]  }
0x31: {  	[smem:$0x3FB4] =	sst s10  }
0x32: {  	s10 =	sld [smem:$0x3FB2];
	_ =	sdelay $0x3  }
0x33: {  	p0 =	seq.s32 s10, $0x1;
	s10 =	sld [smem:$0x3FB4];
	_ =	sdelay $0x3  }
0x34: {  	[smem:$0x3FB4] =	sst s10  }
0x35: {  	s10 =	sld [smem:$0x3FB3];
	_ =	sdelay $0x3  }
0x36: {  	p1 =	seq.s32 s10, $0x1;
	s10 =	sld [smem:$0x3FB4];
	_ =	sdelay $0x3  }
0x37: {  	[smem:$0x3FB4] =	sst s10  }
0x38: {  	s10 =	sld [smem:$0x3FB5]  }
0x39: {  	_ = 	snop;
	(pc) =	sbr.ind lr, $3  }
0x3a: {  	_ = 	snop  }
0x3b: {  	_ = 	snop  }
0x3c: {  	p2 =	seq.s32 s10, $0x1;
	s10 =	sld [smem:$0x3FB4]  }
0x3d: {  	_ =	shalt  }
0x3e: {  	_ =	shalt  }
0x3f: {  	_ =	shalt  }
0x40: {  	_ =	shalt  }
0x41: {  	_ =	shalt  }
0x42: {  	_ =	shalt  }
0x43: {  	_ =	shalt  }
0x44: {  	_ =	shalt  }
0x45: {  	_ =	shalt  }
0x46: {  	_ =	shalt  }
0x47: {  	_ =	shalt  }
0x48: {  	_ =	shalt  }
0x49: {  	_ =	shalt  }
0x4a: {  	_ =	shalt  }
0x4b: {  	_ =	shalt  }
0x4c: {  	_ =	shalt  }
0x4d: {  	_ =	shalt  }
0x4e: {  	_ =	shalt  }
0x4f: {  	_ =	shalt  }
0x50: {  	_ =	shalt  }
0x51: {  	_ =	shalt  }
0x52: {  	_ =	shalt  }
0x53: {  	_ =	shalt  }
0x54: {  	_ =	shalt  }
0x55: {  	_ =	shalt  }
0x56: {  	_ =	shalt  }
0x57: {  	_ =	shalt  }
0x58: {  	_ =	shalt  }
0x59: {  	_ =	shalt  }
0x5a: {  	_ =	shalt  }
0x5b: {  	_ =	shalt  }
0x5c: {  	_ =	shalt  }
0x5d: {  	_ =	shalt  }
0x5e: {  	_ =	shalt  }
0x5f: {  	_ =	shalt  }
0x60: {  	_ =	shalt  }
0x61: {  	_ =	shalt  }
0x62: {  	_ =	shalt  }
0x63: {  	_ =	shalt  }
0x64: {  	_ =	shalt  }
0x65: {  	_ =	shalt  }
0x66: {  	_ =	shalt  }
0x67: {  	_ =	shalt  }
0x68: {  	_ =	shalt  }
0x69: {  	_ =	shalt  }
0x6a: {  	_ =	shalt  }
0x6b: {  	_ =	shalt  }
0x6c: {  	_ =	shalt  }
0x6d: {  	_ =	shalt  }
0x6e: {  	_ =	shalt  }
0x6f: {  	_ =	shalt  }
0x70: {  	_ =	shalt  }
0x71: {  	_ =	shalt  }
0x72: {  	_ =	shalt  }
0x73: {  	_ =	shalt  }
0x74: {  	_ =	shalt  }
0x75: {  	_ =	shalt  }
0x76: {  	_ =	shalt  }
0x77: {  	_ =	shalt  }
0x78: {  	_ =	shalt  }
0x79: {  	_ =	shalt  }
0x7a: {  	_ =	shalt  }
0x7b: {  	_ =	shalt  }
0x7c: {  	_ =	shalt  }
0x7d: {  	_ =	shalt  }
0x7e: {  	_ =	shalt  }
0x7f: {  	_ =	shalt  }
0x80: {  	_ =	shalt  }
0x81: {  	_ =	shalt  }
0x82: {  	_ =	shalt  }
0x83: {  	_ =	shalt  }
0x84: {  	_ =	shalt  }
0x85: {  	_ =	shalt  }
0x86: {  	_ =	shalt  }
0x87: {  	_ =	shalt  }
.Lfunc_end0:
.L_simem_size_0:
called_computation.1_lowered:
.L_overlay_start_0:
0x88: {  	s2 =	sld [smem:$0x3FD9]  }
0x89: {  	s3 =	sld [smem:$0x3FFE];
	_ =	sdelay $0x1  }
0x8a: {  	s1 =	srdreg.scid  }
0x8b: {  	s0 =	sand.u32 $0x1, s1  }
0x8c: {  	s17 =	sshll.u32 s0, $0xA;
	s2 =	sadd.s32 s3, s2  }
0x8d: {  	s2 =	sadd.s32 s2, s17  }
0x8e: {  	[smem:$0x3FC0] =	sst s2  }
0x8f: {  	_ = 	snop  }
0x90: {  	s2 =	sld [smem:$0x3FD0];
	(tm) =	ssettm $0x1  }
0x91: {  	s18 =	sld [smem:$0x3FFB];
	_ =	sdelay $0x3  }
0x92: {  	_ =	strace s18  }
0x93: {  	s3 =	sld [smem:$0x3FFC];
	_ =	sdelay $0x3  }
0x94: {  	_ =	strace s3  }
0x95: {  	s3 =	sld [smem:$0x3FFD];
	_ =	sdelay $0x3  }
0x96: {  	_ =	strace s3  }
0x97: {  	_ =	strace $0x8FFFFFFF  }
0x98: {  	s19 =	sld [smem:$0x3FDB];
	_ =	sdelay $0x1  }
0x99: {  	s4 =	simm.s32 $_scs_section_size  }
0x9a: {  	s5 =	simm.s32 $_size__tile_overlayer_lowered;
	s6 =	simm.s32 $_tile_overlayer_lowered  }
0x9b: {  	s22 =	simm.s32 $0x1BFF;
	s21 =	sshll.u32 s6, $0x1;
	s3 =	sadd.s32 s4, s19  }
0x9c: {  	s7 =	simm.s32 $0x0;
	s20 =	sshll.u32 s5, $0x1;
	s5 =	sadd.s32 s21, s3  }
0x9d: {  	[timem:s7], [sflag:s22] =	dma.local [hbm:s5], s20  }
0x9e: {  	_ =	swait.ge [sflag:s22], s20  }
0x9f: {  	s4 =	ssub.s32 $0x0, s20;
	[sflag:s22] =	ssyncset.done $0x0  }
0xa0: {  	[sflag:s22] =	ssyncadd.s32 s4;
	_ =	sdelay $0x1  }
0xa1: {  	s23 =	simm.s32 $0x1B8B  }
0xa2: {  	_ =	swait.ge [sflag:s23], $0x1  }
0xa3: {  	[sflag:s23] =	ssyncset.done $0x0  }
0xa4: {  	s25 =	simm.s32 $0x1B8E;
	s24 =	sld [smem:$0x3FFE];
	[sflag:s23] =	ssyncadd.s32 $0xFFFFFFFF  }
0xa5: {  	s26 =	simm.s32 $execute0_lowered;
	[smem:$0x3FD2] =	sst s25  }
0xa6: {  	s5 =	sshll.u32 s26, $0x1;
	_ =	strace $0x80000049;
	[dreg:$0x1] =	wrdreg $0xFFFFFFFF  }
0xa7: {  	s28 =	simm.s32 $_size_execute0_lowered;
	s3 =	sadd.s32 s3, s5;
	[dreg:$0x0] =	wrdreg $0x0  }
0xa8: {  	s5 =	sshll.u32 s28, $0x1;
	[dreg:$0x2] =	wrdreg s3  }
0xa9: {  	[dreg:$0x3] =	wrdreg s5  }
0xaa: {  	[dreg:$0x4] =	wrdreg $0xC0  }
0xab: {  	_ =	task [dreg:s7], $0x5FFFF  }
0xac: {  	[dreg:$0x1] =	wrdreg $0xFFFFFFFF  }
0xad: {  	[dreg:$0x0] =	wrdreg $0x60  }
0xae: {  	[dreg:$0x2] =	wrdreg s2  }
0xaf: {  	[dreg:$0x3] =	wrdreg s24  }
0xb0: {  	[dreg:$0x4] =	wrdreg $0xA2800  }
0xb1: {  	[dreg:$0x5] =	wrdreg $0x9  }
0xb2: {  	_ =	task.clear_ibuf [dreg:s7], $0x6FFFF;
	_ =	strace $0x90000049  }
0xb3: {  	s29 =	simm.s32 $0x9;
	_ =	strace $0x8000004B  }
0xb4: {  	_ =	swait.ge [sflag:s29], $0x1  }
0xb5: {  	[sflag:s29] =	ssyncadd.s32 $0xFFFFFFFF  }
0xb6: {  	_ =	strace $0x9000004B  }
0xb7: {  	_ =	sfence  }
0xb8: {  	s30 =	sld [smem:$0x0];
	_ =	sdelay $0x2  }
0xb9: {  	s31 =	sshll.u32 s1, $0xD;
	s1 =	sshrl.u32 s1, $0x2  }
0xba: {  	s3 =	sand.u32 $0x4000, s31;
	s1 =	sadd.s32 s1, s30  }
0xbb: {  	s0 =	sor.u32 s3, s0;
	s1 =	sshll.u32 s1, $0x11  }
0xbc: {  	s0 =	sor.u32 s1, s0  }
0xbd: {  	s0 =	sadd.s32 $0x8F2B, s0  }
0xbe: {  	[sflag:s0] =	ssyncadd.remote.s32 $0x1  }
0xbf: {  	_ =	sfence.sel $0xFFFF  }
0xc0: {  	[dreg:$0x0] =	wrdreg $0xFFFFFFFF;
	(pc) =	sbr.abs _section_cstart, $3  }
0xc1: {  	[dreg:$0x1] =	wrdreg $0xFFFFFFFF  }
0xc2: {  	_ =	task.clear_ibuf [dreg:s7], $0x2FFFF;
	_ =	strace $0x9FFFFFFF  }
0xc3: {  	(tm) =	ssettm $0x7FFFFFFF  }
tec
execute0_lowered:
.L_overlay_start_1:
0x0: {  	(tag) =	ssettag $0x1  }
0x1: {  	s2 =	rddreg [dreg:$0x0]  }
0x2: {  	s0 =	rddreg [dreg:$0x1];
	s1 =	srdreg.scid  }
0x3: {  	s3 =	rddreg [dreg:$0x2];
	s7 =	stileid.u32  }
0x4: {  	s8 =	simm.s32 $0x0;
	s16 =	simm.s32 $0x7;
	s17 =	simm.s32 $0x50  }
0x5: {  	s18 =	simm.s32 $0x2780;
	s19 =	simm.s32 $0x2A80;
	s20 =	simm.s32 $0x2880  }
0x6: {  	s21 =	simm.s32 $0x5280;
	s28 =	simm.s32 $0x2;
	s29 =	simm.s32 $0x2900  }
0x7: {  	s30 =	simm.s32 $0x4;
	s31 =	simm.s32 $0x5;
	s6 =	smul.u32 $0x13C00, s7  }
0x8: {  	s1 =	sand.u32 $0x1, s1;
	s4 =	sshll.u32 s7, $0x1;
	s22 =	smul.u32 $0x4F000, s7  }
0x9: {  	[smem:$0x7FF] =	sst s8;
	s5 =	smul.u32 $0x13C000, s1;
	s4 =	sor.u32 s1, s4  }
0xa: {  	_ =	strace $0x8000004A;
	s1 =	ssub.s32 $0x2, s1;
	s4 =	smul.u32 $0x4E2, s4  }
0xb: {  	s23 =	sshrl.u32 s1, $0x1;
	s5 =	sadd.s32 s6, s5;
	s6 =	sshrl.u32 s22, $0x2  }
0xc: {  	s1 =	ssub.s32 s1, s23;
	s22 =	simm.s32 $0x7A80;
	s23 =	simm.s32 $0x3  }
0xd: {  	s4 =	sadd.s32 s4, s0;
	s5 =	sshrl.u32 s5, $0x3;
	s6 =	sadd.s32 s6, s3  }
0xe: {  	s15 =	smax.u32 s1, $0x1;
	s1 =	simm.s32 $0x0;
	s0 =	sadd.s32 s5, s0  }
0xf: {  	s4 =	sadd.s32 $0x2800, s4;
	s24 =	sadd.s32 $0x2800, s6;
	s25 =	sadd.s32 $0x5000, s6  }
.Ltmp0:
0x10: {  	s26 =	sadd.s32 $0x7800, s6;
	[dreg:$0x4] =	wrdreg s4;
	(pc) =	sbr.rel .LBB2_1-.Ltmp0, $4  }
0x11: {  	s10 =	sadd.s32 $0xA000, s6;
	s11 =	sadd.s32 $0xC800, s6;
	[dreg:$0x5] =	wrdreg s24  }
0x12: {  	s12 =	sadd.s32 $0xF000, s6;
	s13 =	sadd.s32 $0x11800, s6;
	[dreg:$0x6] =	wrdreg s25  }
0x13: {  	[dreg:$0x7] =	wrdreg s26;
	s14 =	sadd.s32 $0xC600, s0;
	s25 =	simm.s32 $0x1  }
0x14: {  	v0 =	vimm.f32 $0.0e+00;
	s26 =	simm.s32 $0x2800;
	s0 =	simm.s32 $0x6;
	s4 =	simm.s32 $0x2A00  }
.LBB2_6:
0x15: {  	_ =	swait.ge [sflag:s31], $0x2800  }
0x16: {  	[sflag:s31] =	ssyncset.done $0x0  }
0x17: {  	[sflag:s31] =	ssyncadd.s32 $0xFFFFD800  }
0x18: {  	s5 =	stileid.u32;
	_ =	swait.ge [sflag:s0], $0x2800  }
0x19: {  	s7 =	sshrl.u32 s6, $0x3;
	s1 =	sadd.s32 $0x1, s1;
	[sflag:s0] =	ssyncset.done $0x0  }
0x1a: {  	s5 =	sshll.u32 s5, $0x6;
	p0 =	sne.s32 s1, s15;
	[sflag:s0] =	ssyncadd.s32 $0xFFFFD800  }
.Ltmp1:
0x1b: {  	s5 =	sor.u32 $0x1C07, s5;
	[bflag:$0x0] =	sbarrier.arrive $0xFFFF;
	(pc) =	sbr.rel @!p0 .LBB2_7-.Ltmp1, $4  }
0x1c: {  	[hbm:s14], [sflag:s5] =	dma.local [spmem:s7], $0x2780  }
0x1d: {  	_ =	swait.ge [sflag:s16], $0x2780  }
0x1e: {  	[sflag:s16] =	ssyncset.done $0x0  }
0x1f: {  	[sflag:s16] =	ssyncadd.s32 $0xFFFFD880  }
.LBB2_1:
0x20: {  	s5 =	simm.s32 $0x0;
	s7 =	rddreg [dreg:$0x4]  }
0x21: {  	[tilespmem:s5], [sflag:$0x7] =	stream.linear.gather [hbm4b:s7+s5], $0x2710, $0x38;
	[tilespmem:$0x1DE80] =	vst v63  }
0x22: {  	_ =	swait.ge [sflag:s16], $0x2710  }
0x23: {  	[sflag:s16] =	ssyncset.done $0x0  }
0x24: {  	[sflag:s16] =	ssyncadd.s32 $0xFFFFD8F0  }
0x25: {  	v1 =	vld [tilespmem:$0x0];
	_ =	sdelay $0x1  }
0x26: {  	v2 =	vld [tilespmem:$0x10];
	_ =	sdelay $0x1  }
0x27: {  	v3 =	vld [tilespmem:$0x20]  }
0x28: {  	v4 =	vand.u32 $0xFFFF, v1  }
0x29: {  	v61 =	vld [tilespmem:$0x30];
	v1 =	vshrl.u32 v1, $0x10;
	[tilespmem:$0x2780] =	vst v4  }
0x2a: {  	[tilespmem:$0x2800] =	vst v1;
	v1 =	vand.u32 $0xFFFF, v2  }
0x2b: {  	[tilespmem:$0x2790] =	vst v1;
	v1 =	vshrl.u32 v2, $0x10;
	v2 =	vld [tilespmem:$0x40]  }
0x2c: {  	[tilespmem:$0x2810] =	vst v1;
	v1 =	vand.u32 $0xFFFF, v3  }
0x2d: {  	[tilespmem:$0x27A0] =	vst v1;
	v1 =	vshrl.u32 v3, $0x10  }
0x2e: {  	[tilespmem:$0x2820] =	vst v1;
	v1 =	vand.u32 $0xFFFF, v61  }
0x2f: {  	[tilespmem:$0x27B0] =	vst v1;
	v1 =	vshrl.u32 v61, $0x10  }
0x30: {  	[tilespmem:$0x2830] =	vst v1;
	v1 =	vand.u32 $0xFFFF, v2  }
0x31: {  	[tilespmem:$0x27C0] =	vst v1;
	v1 =	vshrl.u32 v2, $0x10  }
0x32: {  	[tilespmem:$0x2840] =	vst v1  }
0x33: {  	[tilespmem:s19], [sflag:$0x1] =	stream.indirect.gather [hbm4b:s2+s17], $0x80, s18, s17, $0xb8;
	[tilespmem:$0x1DE80] =	vst v63  }
0x34: {  	v1 =	vld [tilespmem:$0x50];
	_ =	sdelay $0x1  }
0x35: {  	v2 =	vld [tilespmem:$0x60];
	_ =	sdelay $0x1  }
0x36: {  	v3 =	vld [tilespmem:$0x70]  }
0x37: {  	v62 =	vand.u32 $0xFFFF, v1  }
0x38: {  	v63 =	vld [tilespmem:$0x80];
	v1 =	vshrl.u32 v1, $0x10;
	[tilespmem:$0x2880] =	vst v62  }
0x39: {  	[tilespmem:$0x2900] =	vst v1;
	v1 =	vand.u32 $0xFFFF, v2  }
0x3a: {  	[tilespmem:$0x2890] =	vst v1;
	v1 =	vshrl.u32 v2, $0x10;
	v2 =	vld [tilespmem:$0x90]  }
0x3b: {  	[tilespmem:$0x2910] =	vst v1;
	v1 =	vand.u32 $0xFFFF, v3  }
0x3c: {  	[tilespmem:$0x28A0] =	vst v1;
	v1 =	vshrl.u32 v3, $0x10  }
0x3d: {  	[tilespmem:$0x2920] =	vst v1;
	v1 =	vand.u32 $0xFFFF, v63  }
0x3e: {  	[tilespmem:$0x28B0] =	vst v1;
	v1 =	vshrl.u32 v63, $0x10  }
0x3f: {  	[tilespmem:$0x2930] =	vst v1;
	v1 =	vand.u32 $0xFFFF, v2  }
0x40: {  	[tilespmem:$0x28C0] =	vst v1;
	v1 =	vshrl.u32 v2, $0x10  }
0x41: {  	s24 =	simm.s32 $0x200;
	s5 =	simm.s32 $0x0;
	[tilespmem:$0x2940] =	vst v1  }
0x42: {  	[tilespmem:s21], [sflag:$0x2] =	stream.indirect.gather [hbm4b:s2+s17], $0x80, s20, s17, $0xb8;
	[tilespmem:$0x1DE80] =	vst v63  }
.LBB2_2:
0x43: {  	p0 =	sne.s32 s24, $0x9E00;
	[tilespmem:s5+$0x7AF0] =	vst v0  }
0x44: {  	[tilespmem:s5+$0x7A80] =	vst v0  }
0x45: {  	[tilespmem:s5+$0x7A90] =	vst v0  }
.Ltmp2:
0x46: {  	[tilespmem:s5+$0x7AA0] =	vst v0;
	(pc) =	sbr.rel @p0 .LBB2_2-.Ltmp2, $4  }
0x47: {  	[tilespmem:s5+$0x7AB0] =	vst v0  }
0x48: {  	[tilespmem:s5+$0x7AC0] =	vst v0  }
0x49: {  	[tilespmem:s5+$0x7AD0] =	vst v0  }
0x4a: {  	[tilespmem:s5+$0x7AE0] =	vst v0;
	s5 =	sshra.s32 s24, $0x2;
	s24 =	sadd.s32 $0x200, s24  }
0x4b: {  	[tilespmem:s5+$0x7AF0] =	vst v0  }
0x4c: {  	[tilespmem:s5+$0x7A80] =	vst v0  }
0x4d: {  	[tilespmem:s5+$0x7A90] =	vst v0  }
0x4e: {  	[tilespmem:s5+$0x7AA0] =	vst v0  }
0x4f: {  	[tilespmem:s5+$0x7AB0] =	vst v0  }
0x50: {  	[tilespmem:s5+$0x7AC0] =	vst v0  }
0x51: {  	[tilespmem:s5+$0x7AD0] =	vst v0  }
0x52: {  	[tilespmem:s5+$0x7AE0] =	vst v0  }
0x53: {  	[spmem:s6] =	stream.linear.scatter [tilespmem:s22], [sflag:$0x3], $0x2800, $0x38;
	[tilespmem:$0x1DE80] =	vst v63  }
0x54: {  	s7 =	rddreg [dreg:$0x5]  }
0x55: {  	[spmem:s7] =	stream.linear.scatter [tilespmem:s22], [sflag:$0x3], $0x2800, $0x38;
	[tilespmem:$0x1DE80] =	vst v63  }
0x56: {  	s8 =	rddreg [dreg:$0x6]  }
0x57: {  	[spmem:s8] =	stream.linear.scatter [tilespmem:s22], [sflag:$0x3], $0x2800, $0x38;
	[tilespmem:$0x1DE80] =	vst v63  }
0x58: {  	s9 =	rddreg [dreg:$0x7]  }
0x59: {  	[spmem:s9] =	stream.linear.scatter [tilespmem:s22], [sflag:$0x3], $0x2800, $0x38;
	[tilespmem:$0x1DE80] =	vst v63  }
0x5a: {  	_ = 	snop  }
0x5b: {  	[spmem:s10] =	stream.linear.scatter [tilespmem:s22], [sflag:$0x3], $0x2800, $0x38;
	[tilespmem:$0x1DE80] =	vst v63  }
0x5c: {  	_ = 	snop  }
0x5d: {  	[spmem:s11] =	stream.linear.scatter [tilespmem:s22], [sflag:$0x3], $0x2800, $0x38;
	[tilespmem:$0x1DE80] =	vst v63  }
0x5e: {  	_ = 	snop  }
0x5f: {  	[spmem:s12] =	stream.linear.scatter [tilespmem:s22], [sflag:$0x3], $0x2800, $0x38;
	[tilespmem:$0x1DE80] =	vst v63  }
0x60: {  	_ = 	snop  }
0x61: {  	[spmem:s13] =	stream.linear.scatter [tilespmem:s22], [sflag:$0x3], $0x2400, $0x38;
	[tilespmem:$0x1DE80] =	vst v63  }
0x62: {  	_ =	swait.ge [sflag:s23], $0x2800  }
0x63: {  	[sflag:s23] =	ssyncset.done $0x0  }
0x64: {  	[sflag:s23] =	ssyncadd.s32 $0xFFFFD800  }
0x65: {  	_ =	swait.ge [sflag:s23], $0x2800  }
0x66: {  	[sflag:s23] =	ssyncset.done $0x0  }
0x67: {  	[sflag:s23] =	ssyncadd.s32 $0xFFFFD800  }
0x68: {  	_ =	swait.ge [sflag:s23], $0x2800  }
0x69: {  	[sflag:s23] =	ssyncset.done $0x0  }
0x6a: {  	[sflag:s23] =	ssyncadd.s32 $0xFFFFD800  }
0x6b: {  	_ =	swait.ge [sflag:s23], $0x2800  }
0x6c: {  	[sflag:s23] =	ssyncset.done $0x0  }
0x6d: {  	[sflag:s23] =	ssyncadd.s32 $0xFFFFD800  }
0x6e: {  	_ =	swait.ge [sflag:s23], $0x2800  }
0x6f: {  	[sflag:s23] =	ssyncset.done $0x0  }
0x70: {  	[sflag:s23] =	ssyncadd.s32 $0xFFFFD800  }
0x71: {  	_ =	swait.ge [sflag:s23], $0x2800  }
0x72: {  	[sflag:s23] =	ssyncset.done $0x0  }
0x73: {  	[sflag:s23] =	ssyncadd.s32 $0xFFFFD800  }
0x74: {  	_ =	swait.ge [sflag:s23], $0x2800  }
0x75: {  	[sflag:s23] =	ssyncset.done $0x0  }
0x76: {  	[sflag:s23] =	ssyncadd.s32 $0xFFFFD800  }
0x77: {  	_ =	swait.ge [sflag:s23], $0x2400  }
0x78: {  	[sflag:s23] =	ssyncset.done $0x0  }
0x79: {  	[sflag:s23] =	ssyncadd.s32 $0xFFFFDC00  }
0x7a: {  	v1 =	vld [tilespmem:$0xA0];
	_ =	sdelay $0x1  }
0x7b: {  	v2 =	vld [tilespmem:$0xB0];
	_ =	sdelay $0x1  }
0x7c: {  	v3 =	vld [tilespmem:$0xC0]  }
0x7d: {  	v4 =	vand.u32 $0xFFFF, v1  }
0x7e: {  	v63 =	vld [tilespmem:$0xD0];
	v1 =	vshrl.u32 v1, $0x10;
	[tilespmem:$0x2980] =	vst v4  }
0x7f: {  	[tilespmem:$0x2A00] =	vst v1;
	v1 =	vand.u32 $0xFFFF, v2  }
0x80: {  	[tilespmem:$0x2990] =	vst v1;
	v1 =	vshrl.u32 v2, $0x10;
	v2 =	vld [tilespmem:$0xE0]  }
0x81: {  	[tilespmem:$0x2A10] =	vst v1;
	v1 =	vand.u32 $0xFFFF, v3  }
0x82: {  	[tilespmem:$0x29A0] =	vst v1;
	v1 =	vshrl.u32 v3, $0x10  }
0x83: {  	[tilespmem:$0x2A20] =	vst v1;
	v1 =	vand.u32 $0xFFFF, v63  }
0x84: {  	[tilespmem:$0x29B0] =	vst v1;
	v1 =	vshrl.u32 v63, $0x10  }
0x85: {  	[tilespmem:$0x2A30] =	vst v1;
	v1 =	vand.u32 $0xFFFF, v2  }
0x86: {  	[tilespmem:$0x29C0] =	vst v1;
	v1 =	vshrl.u32 v2, $0x10  }
0x87: {  	s24 =	simm.s32 $0x2980;
	[tilespmem:$0x2A40] =	vst v1  }
0x88: {  	[tilespmem:s22], [sflag:$0x3] =	stream.indirect.gather [hbm4b:s2+s17], $0x80, s24, s17, $0xb8;
	[tilespmem:$0x1DE80] =	vst v63  }
0x89: {  	s5 =	simm.s32 $0xC0;
	s24 =	simm.s32 $0x0;
	[bflag:$0x0] =	sbarrier.arrive $0xFFFF  }
.LBB2_4:
0x8a: {  	_ =	swait.ge [sflag:s25], $0x2800;
	p0 =	seq.s32 s24, $0x0  }
0x8b: {  	[sflag:s25] =	ssyncset.done $0x0;
	p1 =	seq.s32 @!p0 s24, $0x29  }
0x8c: {  	[sflag:s25] =	ssyncadd.s32 $0xFFFFD800;
	p0 =	por p1, p0  }
0x8d: {  	[spmem:s3] =	stream.indirect.scatter.add.f32 [tilespmem:s19], [sflag:$0x4], $0x80, s26, s17, $0xb8;
	[tilespmem:$0x1DE80] =	vst v63  }
0x8e: {  	s7 =	simm.s32 @!p0 $0x6  }
0x8f: {  	_ =	swait.ge @!p0 [sflag:s7], $0x2800  }
0x90: {  	[sflag:s7] =	ssyncset.done @!p0 $0x0  }
0x91: {  	[sflag:s7] =	ssyncadd.s32 @!p0 $0xFFFFD800  }
0x92: {  	v1 =	vld @!p0 [tilespmem:s5+$0xFFFFFFE0];
	_ =	sdelay $0x4  }
0x93: {  	v2 =	vand.u32 @!p0 $0xFFFF, v1  }
0x94: {  	v1 =	vshrl.u32 @!p0 v1, $0x10;
	[tilespmem:$0x2980] =	vst @!p0 v2  }
0x95: {  	[tilespmem:$0x2A00] =	vst @!p0 v1  }
0x96: {  	v1 =	vld @!p0 [tilespmem:s5+$0xFFFFFFF0];
	_ =	sdelay $0x4  }
0x97: {  	v2 =	vand.u32 @!p0 $0xFFFF, v1  }
0x98: {  	v1 =	vshrl.u32 @!p0 v1, $0x10;
	[tilespmem:$0x2990] =	vst @!p0 v2  }
0x99: {  	[tilespmem:$0x2A10] =	vst @!p0 v1  }
0x9a: {  	v1 =	vld @!p0 [tilespmem:s5+$0x0];
	_ =	sdelay $0x4  }
0x9b: {  	v2 =	vand.u32 @!p0 $0xFFFF, v1  }
0x9c: {  	v1 =	vshrl.u32 @!p0 v1, $0x10;
	[tilespmem:$0x29A0] =	vst @!p0 v2  }
0x9d: {  	[tilespmem:$0x2A20] =	vst @!p0 v1  }
0x9e: {  	v1 =	vld @!p0 [tilespmem:s5+$0x10];
	_ =	sdelay $0x4  }
0x9f: {  	v2 =	vand.u32 @!p0 $0xFFFF, v1  }
0xa0: {  	v1 =	vshrl.u32 @!p0 v1, $0x10;
	[tilespmem:$0x29B0] =	vst @!p0 v2  }
0xa1: {  	[tilespmem:$0x2A30] =	vst @!p0 v1  }
0xa2: {  	v1 =	vld @!p0 [tilespmem:s5+$0x20];
	_ =	sdelay $0x4  }
0xa3: {  	v2 =	vand.u32 @!p0 $0xFFFF, v1  }
0xa4: {  	v1 =	vshrl.u32 @!p0 v1, $0x10;
	[tilespmem:$0x29C0] =	vst @!p0 v2  }
0xa5: {  	s8 =	simm.s32 @!p0 $0x2980;
	s9 =	simm.s32 @!p0 $0x7A80;
	s7 =	simm.s32 @!p0 $0x50;
	[tilespmem:$0x2A40] =	vst @!p0 v1  }
0xa6: {  	[tilespmem:s9], [sflag:$0x3] =	stream.indirect.gather @!p0 [hbm4b:s2+s7], $0x80, s8, s7, $0xb8;
	[tilespmem:$0x1DE80] =	vst v63  }
0xa7: {  	_ =	swait.ge [sflag:s28], $0x2800  }
0xa8: {  	p0 =	seq.s32 s24, $0x29;
	[sflag:s28] =	ssyncset.done $0x0  }
.Ltmp3:
0xa9: {  	[sflag:s28] =	ssyncadd.s32 $0xFFFFD800;
	(pc) =	sbr.rel @p0 .LBB2_6-.Ltmp3, $4  }
0xaa: {  	[spmem:s3] =	stream.indirect.scatter.add.f32 [tilespmem:s21], [sflag:$0x5], $0x80, s29, s17, $0xb8;
	[tilespmem:$0x1DE80] =	vst v63  }
0xab: {  	_ =	swait.ge [sflag:s30], $0x2800  }
0xac: {  	[sflag:s30] =	ssyncset.done $0x0  }
0xad: {  	[sflag:s30] =	ssyncadd.s32 $0xFFFFD800  }
0xae: {  	v1 =	vld [tilespmem:s5+$0x30];
	_ =	sdelay $0x4  }
0xaf: {  	v2 =	vand.u32 $0xFFFF, v1  }
0xb0: {  	v1 =	vshrl.u32 v1, $0x10;
	[tilespmem:$0x2780] =	vst v2  }
0xb1: {  	[tilespmem:$0x2800] =	vst v1  }
0xb2: {  	v1 =	vld [tilespmem:s5+$0x40];
	_ =	sdelay $0x4  }
0xb3: {  	v2 =	vand.u32 $0xFFFF, v1  }
0xb4: {  	v1 =	vshrl.u32 v1, $0x10;
	[tilespmem:$0x2790] =	vst v2  }
0xb5: {  	[tilespmem:$0x2810] =	vst v1  }
0xb6: {  	v1 =	vld [tilespmem:s5+$0x50];
	_ =	sdelay $0x4  }
0xb7: {  	v2 =	vand.u32 $0xFFFF, v1  }
0xb8: {  	v1 =	vshrl.u32 v1, $0x10;
	[tilespmem:$0x27A0] =	vst v2  }
0xb9: {  	[tilespmem:$0x2820] =	vst v1  }
0xba: {  	v1 =	vld [tilespmem:s5+$0x60];
	_ =	sdelay $0x4  }
0xbb: {  	v2 =	vand.u32 $0xFFFF, v1  }
0xbc: {  	v1 =	vshrl.u32 v1, $0x10;
	[tilespmem:$0x27B0] =	vst v2  }
0xbd: {  	[tilespmem:$0x2830] =	vst v1  }
0xbe: {  	v1 =	vld [tilespmem:s5+$0x70];
	_ =	sdelay $0x4  }
0xbf: {  	v2 =	vand.u32 $0xFFFF, v1  }
0xc0: {  	v1 =	vshrl.u32 v1, $0x10;
	[tilespmem:$0x27C0] =	vst v2  }
0xc1: {  	[tilespmem:$0x2840] =	vst v1  }
0xc2: {  	[tilespmem:s19], [sflag:$0x1] =	stream.indirect.gather [hbm4b:s2+s17], $0x80, s18, s17, $0xb8;
	[tilespmem:$0x1DE80] =	vst v63  }
0xc3: {  	_ =	swait.ge [sflag:s23], $0x2800  }
0xc4: {  	[sflag:s23] =	ssyncset.done $0x0  }
0xc5: {  	[sflag:s23] =	ssyncadd.s32 $0xFFFFD800  }
0xc6: {  	[spmem:s3] =	stream.indirect.scatter.add.f32 [tilespmem:s22], [sflag:$0x6], $0x80, s4, s17, $0xb8;
	[tilespmem:$0x1DE80] =	vst v63  }
0xc7: {  	_ =	swait.ge [sflag:s31], $0x2800  }
0xc8: {  	[sflag:s31] =	ssyncset.done $0x0  }
0xc9: {  	[sflag:s31] =	ssyncadd.s32 $0xFFFFD800  }
0xca: {  	v1 =	vld [tilespmem:s5+$0x80];
	_ =	sdelay $0x4  }
0xcb: {  	v2 =	vand.u32 $0xFFFF, v1  }
0xcc: {  	v1 =	vshrl.u32 v1, $0x10;
	[tilespmem:$0x2880] =	vst v2  }
0xcd: {  	[tilespmem:$0x2900] =	vst v1  }
0xce: {  	v1 =	vld [tilespmem:s5+$0x90];
	_ =	sdelay $0x4  }
0xcf: {  	v2 =	vand.u32 $0xFFFF, v1  }
0xd0: {  	v1 =	vshrl.u32 v1, $0x10;
	[tilespmem:$0x2890] =	vst v2  }
0xd1: {  	[tilespmem:$0x2910] =	vst v1  }
0xd2: {  	v1 =	vld [tilespmem:s5+$0xA0];
	_ =	sdelay $0x4  }
0xd3: {  	v2 =	vand.u32 $0xFFFF, v1  }
0xd4: {  	v1 =	vshrl.u32 v1, $0x10;
	[tilespmem:$0x28A0] =	vst v2  }
0xd5: {  	[tilespmem:$0x2920] =	vst v1  }
0xd6: {  	v1 =	vld [tilespmem:s5+$0xB0];
	_ =	sdelay $0x4  }
0xd7: {  	v2 =	vand.u32 $0xFFFF, v1  }
0xd8: {  	v1 =	vshrl.u32 v1, $0x10;
	[tilespmem:$0x28B0] =	vst v2  }
0xd9: {  	[tilespmem:$0x2930] =	vst v1  }
0xda: {  	v1 =	vld [tilespmem:s5+$0xC0];
	_ =	sdelay $0x3  }
.Ltmp4:
0xdb: {  	_ = 	snop;
	(pc) =	sbr.rel .LBB2_4-.Ltmp4, $4  }
0xdc: {  	v2 =	vand.u32 $0xFFFF, v1  }
0xdd: {  	v1 =	vshrl.u32 v1, $0x10;
	[tilespmem:$0x28C0] =	vst v2  }
0xde: {  	s24 =	sadd.s32 $0x1, s24;
	s5 =	sadd.s32 $0xF0, s5;
	[tilespmem:$0x2940] =	vst v1  }
0xdf: {  	[tilespmem:s21], [sflag:$0x2] =	stream.indirect.gather [hbm4b:s2+s17], $0x80, s20, s17, $0xb8;
	[tilespmem:$0x1DE80] =	vst v63  }
.LBB2_7:
0xe0: {  	_ =	sfence.sel $0x180000  }
0xe1: {  	[bflag:$0x0] =	sbarrier.arrive $0xFFFF  }
0xe2: {  	_ =	strace $0x9000004A  }
0xe3: {  	s0 =	stileid.u32;
	[bflag:$0x2] =	sbarrier.arrive $0xFFFF  }
0xe4: {  	p0 =	sne.s32 s0, $0x0;
	s0 =	rddreg [dreg:$0x3]  }
0xe5: {  	s0 =	sadd.s32 @!p0 $0x100000, s0  }
0xe6: {  	[sflag:s0] =	ssyncadd.tile.s32 @!p0 $0x1;
	_ =	shalt  }
.Lfunc_end2:
_tile_overlayer_lowered:
.L_overlay_start_2:
0xe7: {  	(tag) =	ssettag $0x2  }
0xe8: {  	s0 =	rddreg [dreg:$0x0];
	s2 =	stileid.u32  }
0xe9: {  	s1 =	rddreg [dreg:$0x1];
	p0 =	sne.s32 s2, $0x0  }
0xea: {  	s3 =	rddreg [dreg:$0x2];
	[bflag:$0x3] =	sbarrier.arrive $0xFFFF;
	s2 =	simm.s32 @!p0 $0x1C07  }
0xeb: {  	[timem:s3], [sflag:s2] =	dma.local @!p0 [hbm:s0], s1  }
0xec: {  	s0 =	simm.s32 @!p0 $0x7  }
0xed: {  	_ =	swait.ge @!p0 [sflag:s0], s1  }
0xee: {  	s1 =	ssub.s32 @!p0 $0x0, s1;
	[sflag:s0] =	ssyncset.done @!p0 $0x0  }
0xef: {  	[sflag:s0] =	ssyncadd.s32 @!p0 s1  }
0xf0: {  	[bflag:$0x3] =	sbarrier.arrive $0xFFFF  }
0xf1: {  	_ =	shalt  }

// kernel: kernel.9.cloned.1.call-start
scs
__scs_entry_jumppad:
0x0: {  	(pc) =	sbr.rel $0x88, $3  }
0x1: {  	(tag) =	ssettag $0x0;
	lr =	simm.s32 $0x1  }
0x2: {  	[smem:$0x3F99] =	sst lr;
	_ =	strace $0xD0000000  }
0x3: {  	_ = 	snop  }
0x4: {  	_ = 	snop  }
0x5: {  	_ = 	snop  }
0x6: {  	_ = 	snop  }
0x7: {  	_ = 	snop  }
__scs_overlays_trampoline_lowered:
0x8: {  	[smem:$0x3FA8] =	sst s0  }
0x9: {  	[smem:$0x3FA9] =	sst s1  }
0xa: {  	[smem:$0x3FAA] =	sst s2  }
0xb: {  	[smem:$0x3FAB] =	sst s3  }
0xc: {  	[smem:$0x3FAC] =	sst s4  }
0xd: {  	[smem:$0x3FAD] =	sst s5  }
0xe: {  	[smem:$0x3FAE] =	sst s6  }
0xf: {  	[smem:$0x3FAF] =	sst s7  }
0x10: {  	[smem:$0x3FB0] =	sst s8  }
0x11: {  	[smem:$0x3FB1] =	sst s9;
	s0 =	simm.s32 @!p0 $0x0  }
0x12: {  	s1 =	sld [smem:$0x3F97];
	s0 =	simm.s32 @p0 $0x1  }
0x13: {  	[smem:$0x3FB2] =	sst s0;
	s0 =	simm.s32 @!p1 $0x0  }
0x14: {  	s2 =	sld [smem:$0x3F96];
	s0 =	simm.s32 @p1 $0x1  }
0x15: {  	[smem:$0x3FB3] =	sst s0;
	s0 =	simm.s32 @!p2 $0x0  }
0x16: {  	s3 =	sld [smem:$0x3FDB];
	s0 =	simm.s32 @p2 $0x1  }
0x17: {  	s4 =	simm.s32 $0x1BF5;
	[smem:$0x3FB5] =	sst s0  }
0x18: {  	s0 =	sld [smem:$0x3F98];
	_ =	swait.ge [sflag:s4], $0x0  }
0x19: {  	s7 =	sld [smem:$0x3F99]  }
0x1a: {  	s8 =	sadd.s32 $0xFFFFE003, lr  }
0x1b: {  	s9 =	sadd.s32 $0xFFFFFEF7, lr;
	s5 =	simm.s32 $0xFFFFFFFF;
	p2 =	slt.u32 s8, $0xFFFFF086  }
0x1c: {  	p1 =	slt.u32 s9, $0xF7A;
	s5 =	simm.s32 @!p2 $0x0  }
0x1d: {  	s5 =	simm.s32 @p1 $0x1;
	p0 =	seq.s32 s7, s2  }
0x1e: {  	s7 =	smul.u32 @!p0 $0xF7A, s2;
	p2 =	seq.s32 @!p0 s5, $0x0  }
0x1f: {  	s9 =	smul.u32 $0xF7A, s1;
	s8 =	simm.s32 @!p0 $0x1BF5;
	p2 =	por !p2, p0  }
0x20: {  	[sflag:s8] =	ssyncset.s32 @!p0 $0xFFFFF086;
	s6 =	sadd.s32 @!p0 s3, s7;
	s7 =	simm.s32 @!p0 $0x108  }
0x21: {  	s3 =	sadd.s32 s3, s9;
	s6 =	sadd.s32 @!p0 $0x88, s6;
	s7 =	simm.s32 @p2 $0x1082  }
0x22: {  	[simem:s7], [sflag:s8] =	dma.local @!p0 [hbm:s6], $0xF7A  }
0x23: {  	s9 =	sor.u32 $0xD0000000, s2;
	s6 =	simm.s32 $0x108;
	_ =	swait.ge @!p0 [sflag:s8], $0x0  }
0x24: {  	s3 =	sadd.s32 $0x88, s3;
	s6 =	simm.s32 @!p1 $0x1082;
	[sflag:s4] =	ssyncset.s32 $0xFFFFF086  }
0x25: {  	[simem:s6], [sflag:s4] =	dma.local [hbm:s3], $0xF7A  }
0x26: {  	[smem:$0x3F99] =	sst s1;
	(tag) =	ssettag s2;
	_ =	strace s9  }
0x27: {  	s1 =	sld [smem:$0x3FA9]  }
0x28: {  	s2 =	sld [smem:$0x3FAA]  }
0x29: {  	s4 =	sld [smem:$0x3FAC]  }
0x2a: {  	p0 =	seq.s32 s5, $0x0;
	s5 =	sld [smem:$0x3FAD]  }
0x2b: {  	s6 =	sld [smem:$0x3FAE]  }
0x2c: {  	s7 =	sld [smem:$0x3FAF]  }
0x2d: {  	s3 =	simm.s32 $0x108;
	s8 =	sld [smem:$0x3FB0]  }
0x2e: {  	s3 =	simm.s32 @!p0 $0x1082;
	s9 =	sld [smem:$0x3FB1]  }
0x2f: {  	lr =	sadd.s32 s0, s3;
	s0 =	sld [smem:$0x3FA8]  }
0x30: {  	s3 =	sld [smem:$0x3FAB]  }
0x31: {  	[smem:$0x3FB4] =	sst s10  }
0x32: {  	s10 =	sld [smem:$0x3FB2];
	_ =	sdelay $0x3  }
0x33: {  	p0 =	seq.s32 s10, $0x1;
	s10 =	sld [smem:$0x3FB4];
	_ =	sdelay $0x3  }
0x34: {  	[smem:$0x3FB4] =	sst s10  }
0x35: {  	s10 =	sld [smem:$0x3FB3];
	_ =	sdelay $0x3  }
0x36: {  	p1 =	seq.s32 s10, $0x1;
	s10 =	sld [smem:$0x3FB4];
	_ =	sdelay $0x3  }
0x37: {  	[smem:$0x3FB4] =	sst s10  }
0x38: {  	s10 =	sld [smem:$0x3FB5]  }
0x39: {  	_ = 	snop;
	(pc) =	sbr.ind lr, $3  }
0x3a: {  	_ = 	snop  }
0x3b: {  	_ = 	snop  }
0x3c: {  	p2 =	seq.s32 s10, $0x1;
	s10 =	sld [smem:$0x3FB4]  }
0x3d: {  	_ =	shalt  }
0x3e: {  	_ =	shalt  }
0x3f: {  	_ =	shalt  }
0x40: {  	_ =	shalt  }
0x41: {  	_ =	shalt  }
0x42: {  	_ =	shalt  }
0x43: {  	_ =	shalt  }
0x44: {  	_ =	shalt  }
0x45: {  	_ =	shalt  }
0x46: {  	_ =	shalt  }
0x47: {  	_ =	shalt  }
0x48: {  	_ =	shalt  }
0x49: {  	_ =	shalt  }
0x4a: {  	_ =	shalt  }
0x4b: {  	_ =	shalt  }
0x4c: {  	_ =	shalt  }
0x4d: {  	_ =	shalt  }
0x4e: {  	_ =	shalt  }
0x4f: {  	_ =	shalt  }
0x50: {  	_ =	shalt  }
0x51: {  	_ =	shalt  }
0x52: {  	_ =	shalt  }
0x53: {  	_ =	shalt  }
0x54: {  	_ =	shalt  }
0x55: {  	_ =	shalt  }
0x56: {  	_ =	shalt  }
0x57: {  	_ =	shalt  }
0x58: {  	_ =	shalt  }
0x59: {  	_ =	shalt  }
0x5a: {  	_ =	shalt  }
0x5b: {  	_ =	shalt  }
0x5c: {  	_ =	shalt  }
0x5d: {  	_ =	shalt  }
0x5e: {  	_ =	shalt  }
0x5f: {  	_ =	shalt  }
0x60: {  	_ =	shalt  }
0x61: {  	_ =	shalt  }
0x62: {  	_ =	shalt  }
0x63: {  	_ =	shalt  }
0x64: {  	_ =	shalt  }
0x65: {  	_ =	shalt  }
0x66: {  	_ =	shalt  }
0x67: {  	_ =	shalt  }
0x68: {  	_ =	shalt  }
0x69: {  	_ =	shalt  }
0x6a: {  	_ =	shalt  }
0x6b: {  	_ =	shalt  }
0x6c: {  	_ =	shalt  }
0x6d: {  	_ =	shalt  }
0x6e: {  	_ =	shalt  }
0x6f: {  	_ =	shalt  }
0x70: {  	_ =	shalt  }
0x71: {  	_ =	shalt  }
0x72: {  	_ =	shalt  }
0x73: {  	_ =	shalt  }
0x74: {  	_ =	shalt  }
0x75: {  	_ =	shalt  }
0x76: {  	_ =	shalt  }
0x77: {  	_ =	shalt  }
0x78: {  	_ =	shalt  }
0x79: {  	_ =	shalt  }
0x7a: {  	_ =	shalt  }
0x7b: {  	_ =	shalt  }
0x7c: {  	_ =	shalt  }
0x7d: {  	_ =	shalt  }
0x7e: {  	_ =	shalt  }
0x7f: {  	_ =	shalt  }
0x80: {  	_ =	shalt  }
0x81: {  	_ =	shalt  }
0x82: {  	_ =	shalt  }
0x83: {  	_ =	shalt  }
0x84: {  	_ =	shalt  }
0x85: {  	_ =	shalt  }
0x86: {  	_ =	shalt  }
0x87: {  	_ =	shalt  }
.Lfunc_end0:
.L_simem_size_0:
called_computation_lowered:
.L_overlay_start_0:
0x88: {  	s2 =	sld [smem:$0x3FD9]  }
0x89: {  	s3 =	sld [smem:$0x3FFE];
	_ =	sdelay $0x1  }
0x8a: {  	s1 =	srdreg.scid  }
0x8b: {  	s0 =	sand.u32 $0x1, s1  }
0x8c: {  	s17 =	sshll.u32 s0, $0xA;
	s2 =	sadd.s32 s3, s2  }
0x8d: {  	s2 =	sadd.s32 s2, s17  }
0x8e: {  	[smem:$0x3FC0] =	sst s2  }
0x8f: {  	_ = 	snop  }
0x90: {  	s2 =	sld [smem:$0x3FD0];
	(tm) =	ssettm $0x1  }
0x91: {  	s18 =	sld [smem:$0x3FFB];
	_ =	sdelay $0x3  }
0x92: {  	_ =	strace s18  }
0x93: {  	s3 =	sld [smem:$0x3FFC];
	_ =	sdelay $0x3  }
0x94: {  	_ =	strace s3  }
0x95: {  	s3 =	sld [smem:$0x3FFD];
	_ =	sdelay $0x3  }
0x96: {  	_ =	strace s3  }
0x97: {  	_ =	strace $0x8FFFFFFF  }
0x98: {  	s19 =	sld [smem:$0x3FDB];
	_ =	sdelay $0x1  }
0x99: {  	s4 =	simm.s32 $_scs_section_size  }
0x9a: {  	s5 =	simm.s32 $_size__tile_overlayer_lowered;
	s6 =	simm.s32 $_tile_overlayer_lowered  }
0x9b: {  	s22 =	simm.s32 $0x1BFF;
	s21 =	sshll.u32 s6, $0x1;
	s3 =	sadd.s32 s4, s19  }
0x9c: {  	s7 =	simm.s32 $0x0;
	s20 =	sshll.u32 s5, $0x1;
	s5 =	sadd.s32 s21, s3  }
0x9d: {  	[timem:s7], [sflag:s22] =	dma.local [hbm:s5], s20  }
0x9e: {  	_ =	swait.ge [sflag:s22], s20  }
0x9f: {  	s4 =	ssub.s32 $0x0, s20;
	[sflag:s22] =	ssyncset.done $0x0  }
0xa0: {  	[sflag:s22] =	ssyncadd.s32 s4;
	_ =	sdelay $0x1  }
0xa1: {  	s23 =	simm.s32 $0x1B8B  }
0xa2: {  	_ =	swait.ge [sflag:s23], $0x1  }
0xa3: {  	[sflag:s23] =	ssyncset.done $0x0  }
0xa4: {  	s25 =	simm.s32 $0x1B8E;
	s24 =	sld [smem:$0x3FFE];
	[sflag:s23] =	ssyncadd.s32 $0xFFFFFFFF  }
0xa5: {  	s26 =	simm.s32 $execute0_lowered;
	[smem:$0x3FD2] =	sst s25  }
0xa6: {  	s5 =	sshll.u32 s26, $0x1;
	_ =	strace $0x80000046;
	[dreg:$0x1] =	wrdreg $0xFFFFFFFF  }
0xa7: {  	s28 =	simm.s32 $_size_execute0_lowered;
	s3 =	sadd.s32 s3, s5;
	[dreg:$0x0] =	wrdreg $0x0  }
0xa8: {  	s5 =	sshll.u32 s28, $0x1;
	[dreg:$0x2] =	wrdreg s3  }
0xa9: {  	[dreg:$0x3] =	wrdreg s5  }
0xaa: {  	[dreg:$0x4] =	wrdreg $0xC0  }
0xab: {  	_ =	task [dreg:s7], $0x5FFFF  }
0xac: {  	[dreg:$0x1] =	wrdreg $0xFFFFFFFF  }
0xad: {  	[dreg:$0x0] =	wrdreg $0x60  }
0xae: {  	[dreg:$0x2] =	wrdreg s2  }
0xaf: {  	[dreg:$0x3] =	wrdreg s24  }
0xb0: {  	[dreg:$0x4] =	wrdreg $0xA2800  }
0xb1: {  	[dreg:$0x5] =	wrdreg $0x9  }
0xb2: {  	_ =	task.clear_ibuf [dreg:s7], $0x6FFFF;
	_ =	strace $0x90000046  }
0xb3: {  	s29 =	simm.s32 $0x9;
	_ =	strace $0x80000048  }
0xb4: {  	_ =	swait.ge [sflag:s29], $0x1  }
0xb5: {  	[sflag:s29] =	ssyncadd.s32 $0xFFFFFFFF  }
0xb6: {  	_ =	strace $0x90000048  }
0xb7: {  	_ =	sfence  }
0xb8: {  	s30 =	sld [smem:$0x0];
	_ =	sdelay $0x2  }
0xb9: {  	s31 =	sshll.u32 s1, $0xD;
	s1 =	sshrl.u32 s1, $0x2  }
0xba: {  	s3 =	sand.u32 $0x4000, s31;
	s1 =	sadd.s32 s1, s30  }
0xbb: {  	s0 =	sor.u32 s3, s0;
	s1 =	sshll.u32 s1, $0x11  }
0xbc: {  	s0 =	sor.u32 s1, s0  }
0xbd: {  	s0 =	sadd.s32 $0x8F2B, s0  }
0xbe: {  	[sflag:s0] =	ssyncadd.remote.s32 $0x1  }
0xbf: {  	_ =	sfence.sel $0xFFFF  }
0xc0: {  	[dreg:$0x0] =	wrdreg $0xFFFFFFFF;
	(pc) =	sbr.abs _section_cstart, $3  }
0xc1: {  	[dreg:$0x1] =	wrdreg $0xFFFFFFFF  }
0xc2: {  	_ =	task.clear_ibuf [dreg:s7], $0x2FFFF;
	_ =	strace $0x9FFFFFFF  }
0xc3: {  	(tm) =	ssettm $0x7FFFFFFF  }
tec
execute0_lowered:
.L_overlay_start_1:
0x0: {  	(tag) =	ssettag $0x1  }
0x1: {  	s2 =	rddreg [dreg:$0x0]  }
0x2: {  	s0 =	rddreg [dreg:$0x1];
	s1 =	srdreg.scid  }
0x3: {  	s3 =	rddreg [dreg:$0x2];
	s7 =	stileid.u32  }
0x4: {  	s8 =	simm.s32 $0x0;
	s16 =	simm.s32 $0x7;
	s17 =	simm.s32 $0x50  }
0x5: {  	s18 =	simm.s32 $0x2780;
	s19 =	simm.s32 $0x2A80;
	s20 =	simm.s32 $0x2880  }
0x6: {  	s21 =	simm.s32 $0x5280;
	s28 =	simm.s32 $0x2;
	s29 =	simm.s32 $0x2900  }
0x7: {  	s30 =	simm.s32 $0x4;
	s31 =	simm.s32 $0x5;
	s6 =	smul.u32 $0x13C00, s7  }
0x8: {  	s1 =	sand.u32 $0x1, s1;
	s4 =	sshll.u32 s7, $0x1;
	s22 =	smul.u32 $0x4F000, s7  }
0x9: {  	[smem:$0x7FF] =	sst s8;
	s5 =	smul.u32 $0x13C000, s1;
	s4 =	sor.u32 s1, s4  }
0xa: {  	_ =	strace $0x80000047;
	s1 =	ssub.s32 $0x2, s1;
	s4 =	smul.u32 $0x4E2, s4  }
0xb: {  	s23 =	sshrl.u32 s1, $0x1;
	s5 =	sadd.s32 s6, s5;
	s6 =	sshrl.u32 s22, $0x2  }
0xc: {  	s1 =	ssub.s32 s1, s23;
	s22 =	simm.s32 $0x7A80;
	s23 =	simm.s32 $0x3  }
0xd: {  	s4 =	sadd.s32 s4, s0;
	s5 =	sshrl.u32 s5, $0x3;
	s6 =	sadd.s32 s6, s3  }
0xe: {  	s15 =	smax.u32 s1, $0x1;
	s1 =	simm.s32 $0x0;
	s0 =	sadd.s32 s5, s0  }
0xf: {  	s4 =	sadd.s32 $0x2800, s4;
	s24 =	sadd.s32 $0x2800, s6;
	s25 =	sadd.s32 $0x5000, s6  }
.Ltmp0:
0x10: {  	s26 =	sadd.s32 $0x7800, s6;
	[dreg:$0x4] =	wrdreg s4;
	(pc) =	sbr.rel .LBB2_1-.Ltmp0, $4  }
0x11: {  	s10 =	sadd.s32 $0xA000, s6;
	s11 =	sadd.s32 $0xC800, s6;
	[dreg:$0x5] =	wrdreg s24  }
0x12: {  	s12 =	sadd.s32 $0xF000, s6;
	s13 =	sadd.s32 $0x11800, s6;
	[dreg:$0x6] =	wrdreg s25  }
0x13: {  	[dreg:$0x7] =	wrdreg s26;
	s14 =	sadd.s32 $0xC600, s0;
	s25 =	simm.s32 $0x1  }
0x14: {  	v0 =	vimm.f32 $0.0e+00;
	s26 =	simm.s32 $0x2800;
	s0 =	simm.s32 $0x6;
	s4 =	simm.s32 $0x2A00  }
.LBB2_6:
0x15: {  	_ =	swait.ge [sflag:s31], $0x2800  }
0x16: {  	[sflag:s31] =	ssyncset.done $0x0  }
0x17: {  	[sflag:s31] =	ssyncadd.s32 $0xFFFFD800  }
0x18: {  	s5 =	stileid.u32;
	_ =	swait.ge [sflag:s0], $0x2800  }
0x19: {  	s7 =	sshrl.u32 s6, $0x3;
	s1 =	sadd.s32 $0x1, s1;
	[sflag:s0] =	ssyncset.done $0x0  }
0x1a: {  	s5 =	sshll.u32 s5, $0x6;
	p0 =	sne.s32 s1, s15;
	[sflag:s0] =	ssyncadd.s32 $0xFFFFD800  }
.Ltmp1:
0x1b: {  	s5 =	sor.u32 $0x1C07, s5;
	[bflag:$0x0] =	sbarrier.arrive $0xFFFF;
	(pc) =	sbr.rel @!p0 .LBB2_7-.Ltmp1, $4  }
0x1c: {  	[hbm:s14], [sflag:s5] =	dma.local [spmem:s7], $0x2780  }
0x1d: {  	_ =	swait.ge [sflag:s16], $0x2780  }
0x1e: {  	[sflag:s16] =	ssyncset.done $0x0  }
0x1f: {  	[sflag:s16] =	ssyncadd.s32 $0xFFFFD880  }
.LBB2_1:
0x20: {  	s5 =	simm.s32 $0x0;
	s7 =	rddreg [dreg:$0x4]  }
0x21: {  	[tilespmem:s5], [sflag:$0x7] =	stream.linear.gather [hbm4b:s7+s5], $0x2710, $0x38;
	[tilespmem:$0x1DE80] =	vst v63  }
0x22: {  	_ =	swait.ge [sflag:s16], $0x2710  }
0x23: {  	[sflag:s16] =	ssyncset.done $0x0  }
0x24: {  	[sflag:s16] =	ssyncadd.s32 $0xFFFFD8F0  }
0x25: {  	v1 =	vld [tilespmem:$0x0];
	_ =	sdelay $0x1  }
0x26: {  	v2 =	vld [tilespmem:$0x10];
	_ =	sdelay $0x1  }
0x27: {  	v3 =	vld [tilespmem:$0x20]  }
0x28: {  	v4 =	vand.u32 $0xFFFF, v1  }
0x29: {  	v61 =	vld [tilespmem:$0x30];
	v1 =	vshrl.u32 v1, $0x10;
	[tilespmem:$0x2780] =	vst v4  }
0x2a: {  	[tilespmem:$0x2800] =	vst v1;
	v1 =	vand.u32 $0xFFFF, v2  }
0x2b: {  	[tilespmem:$0x2790] =	vst v1;
	v1 =	vshrl.u32 v2, $0x10;
	v2 =	vld [tilespmem:$0x40]  }
0x2c: {  	[tilespmem:$0x2810] =	vst v1;
	v1 =	vand.u32 $0xFFFF, v3  }
0x2d: {  	[tilespmem:$0x27A0] =	vst v1;
	v1 =	vshrl.u32 v3, $0x10  }
0x2e: {  	[tilespmem:$0x2820] =	vst v1;
	v1 =	vand.u32 $0xFFFF, v61  }
0x2f: {  	[tilespmem:$0x27B0] =	vst v1;
	v1 =	vshrl.u32 v61, $0x10  }
0x30: {  	[tilespmem:$0x2830] =	vst v1;
	v1 =	vand.u32 $0xFFFF, v2  }
0x31: {  	[tilespmem:$0x27C0] =	vst v1;
	v1 =	vshrl.u32 v2, $0x10  }
0x32: {  	[tilespmem:$0x2840] =	vst v1  }
0x33: {  	[tilespmem:s19], [sflag:$0x1] =	stream.indirect.gather [hbm4b:s2+s17], $0x80, s18, s17, $0xb8;
	[tilespmem:$0x1DE80] =	vst v63  }
0x34: {  	v1 =	vld [tilespmem:$0x50];
	_ =	sdelay $0x1  }
0x35: {  	v2 =	vld [tilespmem:$0x60];
	_ =	sdelay $0x1  }
0x36: {  	v3 =	vld [tilespmem:$0x70]  }
0x37: {  	v62 =	vand.u32 $0xFFFF, v1  }
0x38: {  	v63 =	vld [tilespmem:$0x80];
	v1 =	vshrl.u32 v1, $0x10;
	[tilespmem:$0x2880] =	vst v62  }
0x39: {  	[tilespmem:$0x2900] =	vst v1;
	v1 =	vand.u32 $0xFFFF, v2  }
0x3a: {  	[tilespmem:$0x2890] =	vst v1;
	v1 =	vshrl.u32 v2, $0x10;
	v2 =	vld [tilespmem:$0x90]  }
0x3b: {  	[tilespmem:$0x2910] =	vst v1;
	v1 =	vand.u32 $0xFFFF, v3  }
0x3c: {  	[tilespmem:$0x28A0] =	vst v1;
	v1 =	vshrl.u32 v3, $0x10  }
0x3d: {  	[tilespmem:$0x2920] =	vst v1;
	v1 =	vand.u32 $0xFFFF, v63  }
0x3e: {  	[tilespmem:$0x28B0] =	vst v1;
	v1 =	vshrl.u32 v63, $0x10  }
0x3f: {  	[tilespmem:$0x2930] =	vst v1;
	v1 =	vand.u32 $0xFFFF, v2  }
0x40: {  	[tilespmem:$0x28C0] =	vst v1;
	v1 =	vshrl.u32 v2, $0x10  }
0x41: {  	s24 =	simm.s32 $0x200;
	s5 =	simm.s32 $0x0;
	[tilespmem:$0x2940] =	vst v1  }
0x42: {  	[tilespmem:s21], [sflag:$0x2] =	stream.indirect.gather [hbm4b:s2+s17], $0x80, s20, s17, $0xb8;
	[tilespmem:$0x1DE80] =	vst v63  }
.LBB2_2:
0x43: {  	p0 =	sne.s32 s24, $0x9E00;
	[tilespmem:s5+$0x7AF0] =	vst v0  }
0x44: {  	[tilespmem:s5+$0x7A80] =	vst v0  }
0x45: {  	[tilespmem:s5+$0x7A90] =	vst v0  }
.Ltmp2:
0x46: {  	[tilespmem:s5+$0x7AA0] =	vst v0;
	(pc) =	sbr.rel @p0 .LBB2_2-.Ltmp2, $4  }
0x47: {  	[tilespmem:s5+$0x7AB0] =	vst v0  }
0x48: {  	[tilespmem:s5+$0x7AC0] =	vst v0  }
0x49: {  	[tilespmem:s5+$0x7AD0] =	vst v0  }
0x4a: {  	[tilespmem:s5+$0x7AE0] =	vst v0;
	s5 =	sshra.s32 s24, $0x2;
	s24 =	sadd.s32 $0x200, s24  }
0x4b: {  	[tilespmem:s5+$0x7AF0] =	vst v0  }
0x4c: {  	[tilespmem:s5+$0x7A80] =	vst v0  }
0x4d: {  	[tilespmem:s5+$0x7A90] =	vst v0  }
0x4e: {  	[tilespmem:s5+$0x7AA0] =	vst v0  }
0x4f: {  	[tilespmem:s5+$0x7AB0] =	vst v0  }
0x50: {  	[tilespmem:s5+$0x7AC0] =	vst v0  }
0x51: {  	[tilespmem:s5+$0x7AD0] =	vst v0  }
0x52: {  	[tilespmem:s5+$0x7AE0] =	vst v0  }
0x53: {  	[spmem:s6] =	stream.linear.scatter [tilespmem:s22], [sflag:$0x3], $0x2800, $0x38;
	[tilespmem:$0x1DE80] =	vst v63  }
0x54: {  	s7 =	rddreg [dreg:$0x5]  }
0x55: {  	[spmem:s7] =	stream.linear.scatter [tilespmem:s22], [sflag:$0x3], $0x2800, $0x38;
	[tilespmem:$0x1DE80] =	vst v63  }
0x56: {  	s8 =	rddreg [dreg:$0x6]  }
0x57: {  	[spmem:s8] =	stream.linear.scatter [tilespmem:s22], [sflag:$0x3], $0x2800, $0x38;
	[tilespmem:$0x1DE80] =	vst v63  }
0x58: {  	s9 =	rddreg [dreg:$0x7]  }
0x59: {  	[spmem:s9] =	stream.linear.scatter [tilespmem:s22], [sflag:$0x3], $0x2800, $0x38;
	[tilespmem:$0x1DE80] =	vst v63  }
0x5a: {  	_ = 	snop  }
0x5b: {  	[spmem:s10] =	stream.linear.scatter [tilespmem:s22], [sflag:$0x3], $0x2800, $0x38;
	[tilespmem:$0x1DE80] =	vst v63  }
0x5c: {  	_ = 	snop  }
0x5d: {  	[spmem:s11] =	stream.linear.scatter [tilespmem:s22], [sflag:$0x3], $0x2800, $0x38;
	[tilespmem:$0x1DE80] =	vst v63  }
0x5e: {  	_ = 	snop  }
0x5f: {  	[spmem:s12] =	stream.linear.scatter [tilespmem:s22], [sflag:$0x3], $0x2800, $0x38;
	[tilespmem:$0x1DE80] =	vst v63  }
0x60: {  	_ = 	snop  }
0x61: {  	[spmem:s13] =	stream.linear.scatter [tilespmem:s22], [sflag:$0x3], $0x2400, $0x38;
	[tilespmem:$0x1DE80] =	vst v63  }
0x62: {  	_ =	swait.ge [sflag:s23], $0x2800  }
0x63: {  	[sflag:s23] =	ssyncset.done $0x0  }
0x64: {  	[sflag:s23] =	ssyncadd.s32 $0xFFFFD800  }
0x65: {  	_ =	swait.ge [sflag:s23], $0x2800  }
0x66: {  	[sflag:s23] =	ssyncset.done $0x0  }
0x67: {  	[sflag:s23] =	ssyncadd.s32 $0xFFFFD800  }
0x68: {  	_ =	swait.ge [sflag:s23], $0x2800  }
0x69: {  	[sflag:s23] =	ssyncset.done $0x0  }
0x6a: {  	[sflag:s23] =	ssyncadd.s32 $0xFFFFD800  }
0x6b: {  	_ =	swait.ge [sflag:s23], $0x2800  }
0x6c: {  	[sflag:s23] =	ssyncset.done $0x0  }
0x6d: {  	[sflag:s23] =	ssyncadd.s32 $0xFFFFD800  }
0x6e: {  	_ =	swait.ge [sflag:s23], $0x2800  }
0x6f: {  	[sflag:s23] =	ssyncset.done $0x0  }
0x70: {  	[sflag:s23] =	ssyncadd.s32 $0xFFFFD800  }
0x71: {  	_ =	swait.ge [sflag:s23], $0x2800  }
0x72: {  	[sflag:s23] =	ssyncset.done $0x0  }
0x73: {  	[sflag:s23] =	ssyncadd.s32 $0xFFFFD800  }
0x74: {  	_ =	swait.ge [sflag:s23], $0x2800  }
0x75: {  	[sflag:s23] =	ssyncset.done $0x0  }
0x76: {  	[sflag:s23] =	ssyncadd.s32 $0xFFFFD800  }
0x77: {  	_ =	swait.ge [sflag:s23], $0x2400  }
0x78: {  	[sflag:s23] =	ssyncset.done $0x0  }
0x79: {  	[sflag:s23] =	ssyncadd.s32 $0xFFFFDC00  }
0x7a: {  	v1 =	vld [tilespmem:$0xA0];
	_ =	sdelay $0x1  }
0x7b: {  	v2 =	vld [tilespmem:$0xB0];
	_ =	sdelay $0x1  }
0x7c: {  	v3 =	vld [tilespmem:$0xC0]  }
0x7d: {  	v4 =	vand.u32 $0xFFFF, v1  }
0x7e: {  	v63 =	vld [tilespmem:$0xD0];
	v1 =	vshrl.u32 v1, $0x10;
	[tilespmem:$0x2980] =	vst v4  }
0x7f: {  	[tilespmem:$0x2A00] =	vst v1;
	v1 =	vand.u32 $0xFFFF, v2  }
0x80: {  	[tilespmem:$0x2990] =	vst v1;
	v1 =	vshrl.u32 v2, $0x10;
	v2 =	vld [tilespmem:$0xE0]  }
0x81: {  	[tilespmem:$0x2A10] =	vst v1;
	v1 =	vand.u32 $0xFFFF, v3  }
0x82: {  	[tilespmem:$0x29A0] =	vst v1;
	v1 =	vshrl.u32 v3, $0x10  }
0x83: {  	[tilespmem:$0x2A20] =	vst v1;
	v1 =	vand.u32 $0xFFFF, v63  }
0x84: {  	[tilespmem:$0x29B0] =	vst v1;
	v1 =	vshrl.u32 v63, $0x10  }
0x85: {  	[tilespmem:$0x2A30] =	vst v1;
	v1 =	vand.u32 $0xFFFF, v2  }
0x86: {  	[tilespmem:$0x29C0] =	vst v1;
	v1 =	vshrl.u32 v2, $0x10  }
0x87: {  	s24 =	simm.s32 $0x2980;
	[tilespmem:$0x2A40] =	vst v1  }
0x88: {  	[tilespmem:s22], [sflag:$0x3] =	stream.indirect.gather [hbm4b:s2+s17], $0x80, s24, s17, $0xb8;
	[tilespmem:$0x1DE80] =	vst v63  }
0x89: {  	s5 =	simm.s32 $0xC0;
	s24 =	simm.s32 $0x0;
	[bflag:$0x0] =	sbarrier.arrive $0xFFFF  }
.LBB2_4:
0x8a: {  	_ =	swait.ge [sflag:s25], $0x2800;
	p0 =	seq.s32 s24, $0x0  }
0x8b: {  	[sflag:s25] =	ssyncset.done $0x0;
	p1 =	seq.s32 @!p0 s24, $0x29  }
0x8c: {  	[sflag:s25] =	ssyncadd.s32 $0xFFFFD800;
	p0 =	por p1, p0  }
0x8d: {  	[spmem:s3] =	stream.indirect.scatter.add.f32 [tilespmem:s19], [sflag:$0x4], $0x80, s26, s17, $0xb8;
	[tilespmem:$0x1DE80] =	vst v63  }
0x8e: {  	s7 =	simm.s32 @!p0 $0x6  }
0x8f: {  	_ =	swait.ge @!p0 [sflag:s7], $0x2800  }
0x90: {  	[sflag:s7] =	ssyncset.done @!p0 $0x0  }
0x91: {  	[sflag:s7] =	ssyncadd.s32 @!p0 $0xFFFFD800  }
0x92: {  	v1 =	vld @!p0 [tilespmem:s5+$0xFFFFFFE0];
	_ =	sdelay $0x4  }
0x93: {  	v2 =	vand.u32 @!p0 $0xFFFF, v1  }
0x94: {  	v1 =	vshrl.u32 @!p0 v1, $0x10;
	[tilespmem:$0x2980] =	vst @!p0 v2  }
0x95: {  	[tilespmem:$0x2A00] =	vst @!p0 v1  }
0x96: {  	v1 =	vld @!p0 [tilespmem:s5+$0xFFFFFFF0];
	_ =	sdelay $0x4  }
0x97: {  	v2 =	vand.u32 @!p0 $0xFFFF, v1  }
0x98: {  	v1 =	vshrl.u32 @!p0 v1, $0x10;
	[tilespmem:$0x2990] =	vst @!p0 v2  }
0x99: {  	[tilespmem:$0x2A10] =	vst @!p0 v1  }
0x9a: {  	v1 =	vld @!p0 [tilespmem:s5+$0x0];
	_ =	sdelay $0x4  }
0x9b: {  	v2 =	vand.u32 @!p0 $0xFFFF, v1  }
0x9c: {  	v1 =	vshrl.u32 @!p0 v1, $0x10;
	[tilespmem:$0x29A0] =	vst @!p0 v2  }
0x9d: {  	[tilespmem:$0x2A20] =	vst @!p0 v1  }
0x9e: {  	v1 =	vld @!p0 [tilespmem:s5+$0x10];
	_ =	sdelay $0x4  }
0x9f: {  	v2 =	vand.u32 @!p0 $0xFFFF, v1  }
0xa0: {  	v1 =	vshrl.u32 @!p0 v1, $0x10;
	[tilespmem:$0x29B0] =	vst @!p0 v2  }
0xa1: {  	[tilespmem:$0x2A30] =	vst @!p0 v1  }
0xa2: {  	v1 =	vld @!p0 [tilespmem:s5+$0x20];
	_ =	sdelay $0x4  }
0xa3: {  	v2 =	vand.u32 @!p0 $0xFFFF, v1  }
0xa4: {  	v1 =	vshrl.u32 @!p0 v1, $0x10;
	[tilespmem:$0x29C0] =	vst @!p0 v2  }
0xa5: {  	s8 =	simm.s32 @!p0 $0x2980;
	s9 =	simm.s32 @!p0 $0x7A80;
	s7 =	simm.s32 @!p0 $0x50;
	[tilespmem:$0x2A40] =	vst @!p0 v1  }
0xa6: {  	[tilespmem:s9], [sflag:$0x3] =	stream.indirect.gather @!p0 [hbm4b:s2+s7], $0x80, s8, s7, $0xb8;
	[tilespmem:$0x1DE80] =	vst v63  }
0xa7: {  	_ =	swait.ge [sflag:s28], $0x2800  }
0xa8: {  	p0 =	seq.s32 s24, $0x29;
	[sflag:s28] =	ssyncset.done $0x0  }
.Ltmp3:
0xa9: {  	[sflag:s28] =	ssyncadd.s32 $0xFFFFD800;
	(pc) =	sbr.rel @p0 .LBB2_6-.Ltmp3, $4  }
0xaa: {  	[spmem:s3] =	stream.indirect.scatter.add.f32 [tilespmem:s21], [sflag:$0x5], $0x80, s29, s17, $0xb8;
	[tilespmem:$0x1DE80] =	vst v63  }
0xab: {  	_ =	swait.ge [sflag:s30], $0x2800  }
0xac: {  	[sflag:s30] =	ssyncset.done $0x0  }
0xad: {  	[sflag:s30] =	ssyncadd.s32 $0xFFFFD800  }
0xae: {  	v1 =	vld [tilespmem:s5+$0x30];
	_ =	sdelay $0x4  }
0xaf: {  	v2 =	vand.u32 $0xFFFF, v1  }
0xb0: {  	v1 =	vshrl.u32 v1, $0x10;
	[tilespmem:$0x2780] =	vst v2  }
0xb1: {  	[tilespmem:$0x2800] =	vst v1  }
0xb2: {  	v1 =	vld [tilespmem:s5+$0x40];
	_ =	sdelay $0x4  }
0xb3: {  	v2 =	vand.u32 $0xFFFF, v1  }
0xb4: {  	v1 =	vshrl.u32 v1, $0x10;
	[tilespmem:$0x2790] =	vst v2  }
0xb5: {  	[tilespmem:$0x2810] =	vst v1  }
0xb6: {  	v1 =	vld [tilespmem:s5+$0x50];
	_ =	sdelay $0x4  }
0xb7: {  	v2 =	vand.u32 $0xFFFF, v1  }
0xb8: {  	v1 =	vshrl.u32 v1, $0x10;
	[tilespmem:$0x27A0] =	vst v2  }
0xb9: {  	[tilespmem:$0x2820] =	vst v1  }
0xba: {  	v1 =	vld [tilespmem:s5+$0x60];
	_ =	sdelay $0x4  }
0xbb: {  	v2 =	vand.u32 $0xFFFF, v1  }
0xbc: {  	v1 =	vshrl.u32 v1, $0x10;
	[tilespmem:$0x27B0] =	vst v2  }
0xbd: {  	[tilespmem:$0x2830] =	vst v1  }
0xbe: {  	v1 =	vld [tilespmem:s5+$0x70];
	_ =	sdelay $0x4  }
0xbf: {  	v2 =	vand.u32 $0xFFFF, v1  }
0xc0: {  	v1 =	vshrl.u32 v1, $0x10;
	[tilespmem:$0x27C0] =	vst v2  }
0xc1: {  	[tilespmem:$0x2840] =	vst v1  }
0xc2: {  	[tilespmem:s19], [sflag:$0x1] =	stream.indirect.gather [hbm4b:s2+s17], $0x80, s18, s17, $0xb8;
	[tilespmem:$0x1DE80] =	vst v63  }
0xc3: {  	_ =	swait.ge [sflag:s23], $0x2800  }
0xc4: {  	[sflag:s23] =	ssyncset.done $0x0  }
0xc5: {  	[sflag:s23] =	ssyncadd.s32 $0xFFFFD800  }
0xc6: {  	[spmem:s3] =	stream.indirect.scatter.add.f32 [tilespmem:s22], [sflag:$0x6], $0x80, s4, s17, $0xb8;
	[tilespmem:$0x1DE80] =	vst v63  }
0xc7: {  	_ =	swait.ge [sflag:s31], $0x2800  }
0xc8: {  	[sflag:s31] =	ssyncset.done $0x0  }
0xc9: {  	[sflag:s31] =	ssyncadd.s32 $0xFFFFD800  }
0xca: {  	v1 =	vld [tilespmem:s5+$0x80];
	_ =	sdelay $0x4  }
0xcb: {  	v2 =	vand.u32 $0xFFFF, v1  }
0xcc: {  	v1 =	vshrl.u32 v1, $0x10;
	[tilespmem:$0x2880] =	vst v2  }
0xcd: {  	[tilespmem:$0x2900] =	vst v1  }
0xce: {  	v1 =	vld [tilespmem:s5+$0x90];
	_ =	sdelay $0x4  }
0xcf: {  	v2 =	vand.u32 $0xFFFF, v1  }
0xd0: {  	v1 =	vshrl.u32 v1, $0x10;
	[tilespmem:$0x2890] =	vst v2  }
0xd1: {  	[tilespmem:$0x2910] =	vst v1  }
0xd2: {  	v1 =	vld [tilespmem:s5+$0xA0];
	_ =	sdelay $0x4  }
0xd3: {  	v2 =	vand.u32 $0xFFFF, v1  }
0xd4: {  	v1 =	vshrl.u32 v1, $0x10;
	[tilespmem:$0x28A0] =	vst v2  }
0xd5: {  	[tilespmem:$0x2920] =	vst v1  }
0xd6: {  	v1 =	vld [tilespmem:s5+$0xB0];
	_ =	sdelay $0x4  }
0xd7: {  	v2 =	vand.u32 $0xFFFF, v1  }
0xd8: {  	v1 =	vshrl.u32 v1, $0x10;
	[tilespmem:$0x28B0] =	vst v2  }
0xd9: {  	[tilespmem:$0x2930] =	vst v1  }
0xda: {  	v1 =	vld [tilespmem:s5+$0xC0];
	_ =	sdelay $0x3  }
.Ltmp4:
0xdb: {  	_ = 	snop;
	(pc) =	sbr.rel .LBB2_4-.Ltmp4, $4  }
0xdc: {  	v2 =	vand.u32 $0xFFFF, v1  }
0xdd: {  	v1 =	vshrl.u32 v1, $0x10;
	[tilespmem:$0x28C0] =	vst v2  }
0xde: {  	s24 =	sadd.s32 $0x1, s24;
	s5 =	sadd.s32 $0xF0, s5;
	[tilespmem:$0x2940] =	vst v1  }
0xdf: {  	[tilespmem:s21], [sflag:$0x2] =	stream.indirect.gather [hbm4b:s2+s17], $0x80, s20, s17, $0xb8;
	[tilespmem:$0x1DE80] =	vst v63  }
.LBB2_7:
0xe0: {  	_ =	sfence.sel $0x180000  }
0xe1: {  	[bflag:$0x0] =	sbarrier.arrive $0xFFFF  }
0xe2: {  	_ =	strace $0x90000047  }
0xe3: {  	s0 =	stileid.u32;
	[bflag:$0x2] =	sbarrier.arrive $0xFFFF  }
0xe4: {  	p0 =	sne.s32 s0, $0x0;
	s0 =	rddreg [dreg:$0x3]  }
0xe5: {  	s0 =	sadd.s32 @!p0 $0x100000, s0  }
0xe6: {  	[sflag:s0] =	ssyncadd.tile.s32 @!p0 $0x1;
	_ =	shalt  }
.Lfunc_end2:
_tile_overlayer_lowered:
.L_overlay_start_2:
0xe7: {  	(tag) =	ssettag $0x2  }
0xe8: {  	s0 =	rddreg [dreg:$0x0];
	s2 =	stileid.u32  }
0xe9: {  	s1 =	rddreg [dreg:$0x1];
	p0 =	sne.s32 s2, $0x0  }
0xea: {  	s3 =	rddreg [dreg:$0x2];
	[bflag:$0x3] =	sbarrier.arrive $0xFFFF;
	s2 =	simm.s32 @!p0 $0x1C07  }
0xeb: {  	[timem:s3], [sflag:s2] =	dma.local @!p0 [hbm:s0], s1  }
0xec: {  	s0 =	simm.s32 @!p0 $0x7  }
0xed: {  	_ =	swait.ge @!p0 [sflag:s0], s1  }
0xee: {  	s1 =	ssub.s32 @!p0 $0x0, s1;
	[sflag:s0] =	ssyncset.done @!p0 $0x0  }
0xef: {  	[sflag:s0] =	ssyncadd.s32 @!p0 s1  }
0xf0: {  	[bflag:$0x3] =	sbarrier.arrive $0xFFFF  }
0xf1: {  	_ =	shalt  }

</sc_bundles>
